<compile_context>
chip_gen: v7x
topology: tpu7x:2x2x1
jax: 0.10.2.dev20260603
libtpu: 0.0.44.dev20260713+nightly
codegen_flags: <defaults>
</compile_context>

<pallas_src>
import math

import jax
import jax.numpy as jnp
from jax import lax
from jax.experimental import pallas as pl
from jax.experimental.pallas import tpu as pltpu
from jax.experimental.pallas import tpu_sc as plsc

N = 10000
E = 320000
M = 2 * E
D = 20
W = 32
NC, NS = 2, 16
NW = NC * NS
CH = 80
NPAD = 10240
ROWS_PER_TILE = NPAD // NS

K2_CHUNKS, K2_G = 250, 10
K4_CHUNKS, K4_G = 125, 5
GE = K4_G * CH

BLK = 8000
PR = BLK * W // 128
EFR = E * W // 128

_SHIFT = 15.0


def _node_pre_body(x_ref, heh_ref, hz1_ref, wxp_ref, wab_ref, wqkvs_ref,
                   xp_ref, ab0_ref, q_ref, k_ref, v_ref, sk_ref):
    xp_ref[...] = jnp.dot(x_ref[...], wxp_ref[...],
                          preferred_element_type=jnp.float32)
    ab0_ref[...] = jnp.dot(heh_ref[...], wab_ref[...],
                           preferred_element_type=jnp.float32)
    qkvs = jnp.dot(hz1_ref[...], wqkvs_ref[...],
                   preferred_element_type=jnp.float32)
    zpad = jnp.zeros((qkvs.shape[0], W - D), jnp.float32)
    q_ref[...] = jnp.concatenate([qkvs[:, 0:D], zpad], axis=1)
    k_ref[...] = jnp.concatenate([qkvs[:, D:2 * D], zpad], axis=1)
    v_ref[...] = jnp.concatenate([qkvs[:, 2 * D:3 * D], zpad], axis=1)
    sk_ref[...] = qkvs[:, 3 * D:4 * D]


def _node_pre(x, heh, hz1, wxp, wab, wqkvs):
    blk = 400
    grid = N // blk
    return pl.pallas_call(
        _node_pre_body,
        grid=(grid,),
        in_specs=[
            pl.BlockSpec((blk, 128), lambda i: (i, 0)),
            pl.BlockSpec((blk, 8), lambda i: (i, 0)),
            pl.BlockSpec((blk, 24), lambda i: (i, 0)),
            pl.BlockSpec((128, 40), lambda i: (0, 0)),
            pl.BlockSpec((8, 40), lambda i: (0, 0)),
            pl.BlockSpec((24, 80), lambda i: (0, 0)),
        ],
        out_specs=[
            pl.BlockSpec((blk, 40), lambda i: (i, 0)),
            pl.BlockSpec((blk, 40), lambda i: (i, 0)),
            pl.BlockSpec((blk, W), lambda i: (i, 0)),
            pl.BlockSpec((blk, W), lambda i: (i, 0)),
            pl.BlockSpec((blk, W), lambda i: (i, 0)),
            pl.BlockSpec((blk, D), lambda i: (i, 0)),
        ],
        out_shape=[
            jax.ShapeDtypeStruct((N, 40), jnp.float32),
            jax.ShapeDtypeStruct((N, 40), jnp.float32),
            jax.ShapeDtypeStruct((N, W), jnp.float32),
            jax.ShapeDtypeStruct((N, W), jnp.float32),
            jax.ShapeDtypeStruct((N, W), jnp.float32),
            jax.ShapeDtypeStruct((N, D), jnp.float32),
        ],
    )(x, heh, hz1, wxp, wab, wqkvs)


def _seg40_body(xp_hbm, src_hbm, dst_hbm, zer_hbm, part_hbm,
                idxs_v, idxd_v, rows_v, accum_sh, sem):
    cid = lax.axis_index("c")
    sid = lax.axis_index("s")
    wid = cid * NS + sid
    pltpu.sync_copy(zer_hbm, accum_sh.at[pl.ds(sid * ROWS_PER_TILE,
                                               ROWS_PER_TILE)])
    ebase = wid * (K2_CHUNKS * CH)
    pltpu.sync_copy(src_hbm.at[pl.ds(ebase, K2_CHUNKS * CH)], idxs_v)
    pltpu.sync_copy(dst_hbm.at[pl.ds(ebase, K2_CHUNKS * CH)], idxd_v)
    plsc.subcore_barrier()

    def group(g, carry):
        g0 = pl.multiple_of(g * (K2_G * CH), 8)
        descs = []
        for j in range(K2_G):
            descs.append(pltpu.async_copy(
                xp_hbm.at[idxs_v.at[pl.ds(g0 + j * CH, CH)]],
                rows_v.at[pl.ds(j * CH, CH)], sem))
        for dsc in descs:
            dsc.wait()
        descs = []
        for j in range(K2_G):
            descs.append(pltpu.async_copy(
                rows_v.at[pl.ds(j * CH, CH)],
                accum_sh.at[idxd_v.at[pl.ds(g0 + j * CH, CH)]],
                sem, add=True))
        for dsc in descs:
            dsc.wait()
        return carry

    lax.fori_loop(0, K2_CHUNKS // K2_G, group, 0)
    plsc.subcore_barrier()
    sl = pl.ds(sid * ROWS_PER_TILE, ROWS_PER_TILE)
    pltpu.sync_copy(accum_sh.at[sl], part_hbm.at[cid].at[sl])


def _seg40(xp, src3d, dst3d, zer40):
    mesh = plsc.VectorSubcoreMesh(core_axis_name="c", subcore_axis_name="s",
                                  num_cores=NC, num_subcores=NS)
    return pl.kernel(
        _seg40_body,
        out_type=jax.ShapeDtypeStruct((NC, NPAD, 40), jnp.float32),
        mesh=mesh,
        compiler_params=pltpu.CompilerParams(use_tc_tiling_on_sc=False),
        scratch_types=[
            pltpu.VMEM((K2_CHUNKS * CH,), jnp.int32),
            pltpu.VMEM((K2_CHUNKS * CH,), jnp.int32),
            pltpu.VMEM((K2_G * CH, 40), jnp.float32),
            pltpu.VMEM_SHARED((NPAD, 40), jnp.float32),
            pltpu.SemaphoreType.DMA,
        ],
    )(xp, src3d, dst3d, zer40)


def _combine_body(part_ref, ab0_ref, a_ref, b_ref):
    p = part_ref[0] + part_ref[1] + ab0_ref[...]
    zpad = jnp.zeros((p.shape[0], W - D), jnp.float32)
    a_ref[...] = jnp.concatenate([p[:, 0:D], zpad], axis=1)
    b_ref[...] = jnp.concatenate([p[:, D:2 * D], zpad], axis=1)


def _combine(part, ab0):
    blk = 2000
    grid = N // blk
    return pl.pallas_call(
        _combine_body,
        grid=(grid,),
        in_specs=[
            pl.BlockSpec((NC, blk, 40), lambda i: (0, i, 0)),
            pl.BlockSpec((blk, 40), lambda i: (i, 0)),
        ],
        out_specs=[
            pl.BlockSpec((blk, W), lambda i: (i, 0)),
            pl.BlockSpec((blk, W), lambda i: (i, 0)),
        ],
        out_shape=[
            jax.ShapeDtypeStruct((N, W), jnp.float32),
            jax.ShapeDtypeStruct((N, W), jnp.float32),
        ],
    )(part, ab0)


def _edge_gather_body(q_hbm, k_hbm, v_hbm, a_hbm, b_hbm,
                      es_hbm, ed_hbm, sn_hbm, dn_hbm,
                      qg_hbm, kg_hbm, vg_hbm, ag_hbm, bg_hbm,
                      ixs, ixd, ixsn, ixdn, qb, kb, vb, ab, bb, sem):
    wid = lax.axis_index("c") * NS + lax.axis_index("s")
    gcnt = K4_CHUNKS // K4_G
    tbase = wid * (K4_CHUNKS * CH)
    pltpu.sync_copy(es_hbm.at[pl.ds(tbase, K4_CHUNKS * CH)], ixs)
    pltpu.sync_copy(ed_hbm.at[pl.ds(tbase, K4_CHUNKS * CH)], ixd)
    pltpu.sync_copy(sn_hbm.at[pl.ds(tbase, K4_CHUNKS * CH)], ixsn)
    pltpu.sync_copy(dn_hbm.at[pl.ds(tbase, K4_CHUNKS * CH)], ixdn)

    def group(g, carry):
        g0 = pl.multiple_of(g * GE, 8)
        descs = []
        for j in range(K4_G):
            sl = pl.ds(j * CH, CH)
            il = pl.ds(g0 + j * CH, CH)
            descs.append(pltpu.async_copy(q_hbm.at[ixd.at[il]], qb.at[sl], sem))
            descs.append(pltpu.async_copy(k_hbm.at[ixs.at[il]], kb.at[sl], sem))
            descs.append(pltpu.async_copy(v_hbm.at[ixs.at[il]], vb.at[sl], sem))
            descs.append(pltpu.async_copy(a_hbm.at[ixsn.at[il]], ab.at[sl], sem))
            descs.append(pltpu.async_copy(b_hbm.at[ixdn.at[il]], bb.at[sl], sem))
        for dsc in descs:
            dsc.wait()
        esl = pl.ds(tbase + g0, GE)
        wdescs = [
            pltpu.async_copy(qb, qg_hbm.at[esl], sem),
            pltpu.async_copy(kb, kg_hbm.at[esl], sem),
            pltpu.async_copy(vb, vg_hbm.at[esl], sem),
            pltpu.async_copy(ab, ag_hbm.at[esl], sem),
            pltpu.async_copy(bb, bg_hbm.at[esl], sem),
        ]
        for dsc in wdescs:
            dsc.wait()
        return carry

    lax.fori_loop(0, gcnt, group, 0)


def _edge_gather(q, k, v, a, b, es3d, ed3d, sn3d, dn3d):
    mesh = plsc.VectorSubcoreMesh(core_axis_name="c", subcore_axis_name="s",
                                  num_cores=NC, num_subcores=NS)
    ew = jax.ShapeDtypeStruct((E, W), jnp.float32)
    return pl.kernel(
        _edge_gather_body,
        out_type=[ew, ew, ew, ew, ew],
        mesh=mesh,
        compiler_params=pltpu.CompilerParams(use_tc_tiling_on_sc=False),
        scratch_types=[
            pltpu.VMEM((K4_CHUNKS * CH,), jnp.int32),
            pltpu.VMEM((K4_CHUNKS * CH,), jnp.int32),
            pltpu.VMEM((K4_CHUNKS * CH,), jnp.int32),
            pltpu.VMEM((K4_CHUNKS * CH,), jnp.int32),
            pltpu.VMEM((GE, W), jnp.float32),
            pltpu.VMEM((GE, W), jnp.float32),
            pltpu.VMEM((GE, W), jnp.float32),
            pltpu.VMEM((GE, W), jnp.float32),
            pltpu.VMEM((GE, W), jnp.float32),
            pltpu.SemaphoreType.DMA,
        ],
    )(q, k, v, a, b, es3d, ed3d, sn3d, dn3d)


def _edge_dense_body(qg_ref, kg_ref, vg_ref, ag_ref, bg_ref, eat_ref,
                     w72_ref, red_ref, wrow_ref, r_ref):
    lane = lax.broadcasted_iota(jnp.int32, (PR, 128), 1) % W
    d = jnp.dot(eat_ref[...], w72_ref[...], preferred_element_type=jnp.float32)
    d = d + wrow_ref[1:2, :]
    g = ag_ref[...] + bg_ref[...] + d
    kj = kg_ref[...] + g
    vj = vg_ref[...] + g
    s8 = jnp.dot(qg_ref[...] * kj, red_ref[...],
                 preferred_element_type=jnp.float32)
    ex4 = jnp.exp(s8[:, 0:4] * (1.0 / math.sqrt(float(D))) - _SHIFT)
    exf = jnp.dot(ex4, wrow_ref[2:6, :], preferred_element_type=jnp.float32)
    r_ref[...] = jnp.where(lane < D, exf * vj,
                           jnp.where(lane == D, exf, 0.0))


def _edge_dense(qg, kg, vg, ag, bg, eat4, w72, red, wrow):
    grid = E // BLK
    pflat = pl.BlockSpec((PR, 128), lambda i: (i, 0))
    return pl.pallas_call(
        _edge_dense_body,
        grid=(grid,),
        in_specs=[
            pflat, pflat, pflat, pflat, pflat,
            pl.BlockSpec((PR, 72), lambda i: (i, 0)),
            pl.BlockSpec((72, 128), lambda i: (0, 0)),
            pl.BlockSpec((128, 8), lambda i: (0, 0)),
            pl.BlockSpec((8, 128), lambda i: (0, 0)),
        ],
        out_specs=pflat,
        out_shape=jax.ShapeDtypeStruct((EFR, 128), jnp.float32),
    )(qg, kg, vg, ag, bg, eat4, w72, red, wrow)


def _seg32_body(r_hbm, ed_hbm, zer_hbm, part_hbm, ixd, rb, accum_sh, sem):
    cid = lax.axis_index("c")
    sid = lax.axis_index("s")
    wid = cid * NS + sid
    pltpu.sync_copy(zer_hbm, accum_sh.at[pl.ds(sid * ROWS_PER_TILE,
                                               ROWS_PER_TILE)])
    plsc.subcore_barrier()

    tbase = wid * (K4_CHUNKS * CH)
    pltpu.sync_copy(ed_hbm.at[pl.ds(tbase, K4_CHUNKS * CH)], ixd)

    def group(g, carry):
        g0 = pl.multiple_of(g * GE, 8)
        pltpu.sync_copy(r_hbm.at[pl.ds(tbase + g0, GE)], rb)
        descs = []
        for j in range(K4_G):
            sl = pl.ds(j * CH, CH)
            descs.append(pltpu.async_copy(
                rb.at[sl], accum_sh.at[ixd.at[pl.ds(g0 + j * CH, CH)]],
                sem, add=True))
        for dsc in descs:
            dsc.wait()
        return carry

    lax.fori_loop(0, K4_CHUNKS // K4_G, group, 0)
    plsc.subcore_barrier()
    sl = pl.ds(sid * ROWS_PER_TILE, ROWS_PER_TILE)
    pltpu.sync_copy(accum_sh.at[sl], part_hbm.at[cid].at[sl])


def _seg32(r, ed3d, zer32):
    mesh = plsc.VectorSubcoreMesh(core_axis_name="c", subcore_axis_name="s",
                                  num_cores=NC, num_subcores=NS)
    return pl.kernel(
        _seg32_body,
        out_type=jax.ShapeDtypeStruct((NC, NPAD, W), jnp.float32),
        mesh=mesh,
        compiler_params=pltpu.CompilerParams(use_tc_tiling_on_sc=False),
        scratch_types=[
            pltpu.VMEM((K4_CHUNKS * CH,), jnp.int32),
            pltpu.VMEM((GE, W), jnp.float32),
            pltpu.VMEM_SHARED((NPAD, W), jnp.float32),
            pltpu.SemaphoreType.DMA,
        ],
    )(r, ed3d, zer32)


def _final_body(part_ref, sk_ref, o_ref):
    p = part_ref[0] + part_ref[1]
    den = p[:, D:D + 1]
    num = p[:, 0:D]
    o_ref[...] = num / (den + 1e-16) + sk_ref[...]


def _final(part, sk):
    blk = 2000
    grid = N // blk
    return pl.pallas_call(
        _final_body,
        grid=(grid,),
        in_specs=[
            pl.BlockSpec((NC, blk, W), lambda i: (0, i, 0)),
            pl.BlockSpec((blk, D), lambda i: (i, 0)),
        ],
        out_specs=pl.BlockSpec((blk, D), lambda i: (i, 0)),
        out_shape=jax.ShapeDtypeStruct((N, D), jnp.float32),
    )(part, sk)


@jax.jit
def _run(x, src_n_id, dst_n_id, edge_index, edge_attr, t,
         his_edge_index, his_enc_t, his_h_edge_attr, his_z,
         Wq, bq, Wk, bk, Wv, bv, We, be, Wskip, bskip):
    f32 = jnp.float32
    We_e = We[0:16]
    We_st, We_dt = We[16:21], We[21:26]
    We_sx, We_dx = We[26:154], We[154:282]
    We_h = We[282:285]
    wxp = jnp.concatenate([We_sx, We_dx], axis=1)
    wab = jnp.concatenate([
        jnp.concatenate([-We_st, -We_dt], axis=1),
        jnp.concatenate([We_h, jnp.zeros((3, D), f32)], axis=1),
    ], axis=0)
    wqkvs = jnp.concatenate([
        jnp.concatenate([Wq, Wk, Wv, Wskip], axis=1),
        jnp.concatenate([bq, bk, bv, bskip])[None, :],
        jnp.zeros((3, 4 * D), f32),
    ], axis=0)
    w_t = We_st.sum(0) + We_dt.sum(0)

    wcol = jnp.zeros((W - D,), f32)
    wt32 = jnp.concatenate([w_t, wcol])
    be32 = jnp.concatenate([be, wcol])
    spread4 = jnp.kron(jnp.eye(4, dtype=f32), jnp.ones((1, W), f32))
    wrow = jnp.concatenate([
        jnp.tile(wt32, 4)[None, :],
        jnp.tile(be32, 4)[None, :],
        spread4,
        jnp.zeros((2, 128), f32),
    ], axis=0)
    wee32 = jnp.concatenate([We_e, jnp.zeros((16, W - D), f32)], axis=1)
    w64 = jnp.concatenate([
        jnp.pad(wee32, ((0, 0), (r * W, 128 - W - r * W)))
        for r in range(4)
    ], axis=0)
    wt_rows = jnp.concatenate([
        jnp.pad(wt32[None, :], ((0, 0), (r * W, 128 - W - r * W)))
        for r in range(4)
    ], axis=0)
    w72 = jnp.concatenate([w64, wt_rows, jnp.zeros((4, 128), f32)],
                          axis=0)
    redcol = jnp.concatenate([jnp.ones((D,), f32), wcol])[:, None]
    red = jnp.concatenate(
        [jnp.kron(jnp.eye(4, dtype=f32), redcol),
         jnp.zeros((128, 4), f32)], axis=1)

    heh = jnp.concatenate([his_enc_t, his_h_edge_attr], axis=1)
    hz1 = jnp.concatenate([his_z, jnp.ones((N, 1), f32),
                           jnp.zeros((N, 3), f32)], axis=1)

    msrc = jnp.concatenate([edge_index[0], his_edge_index[0]])
    mdst = jnp.concatenate([edge_index[1], his_edge_index[1]])
    es1d, ed1d = edge_index[0], edge_index[1]
    zer40 = jnp.zeros((ROWS_PER_TILE, 40), f32)
    zer32 = jnp.zeros((ROWS_PER_TILE, W), f32)

    xp, ab0, q, k, v, sk = _node_pre(x, heh, hz1, wxp, wab, wqkvs)
    part40 = _seg40(xp, msrc, mdst, zer40)
    a, b = _combine(part40, ab0)
    eat4 = jnp.concatenate([
        edge_attr.reshape(E // 4, 64),
        t.reshape(E // 4, 4),
        jnp.zeros((E // 4, 4), f32),
    ], axis=1)
    qg, kg, vg, ag, bg = _edge_gather(q, k, v, a, b,
                                      es1d, ed1d, src_n_id, dst_n_id)
    fl = lambda u: u.reshape(EFR, 128)
    r = _edge_dense(fl(qg), fl(kg), fl(vg), fl(ag), fl(bg), eat4,
                    w72, red, wrow)
    part32 = _seg32(r.reshape(E, W), ed1d, zer32)
    return _final(part32, sk)


def kernel(x, n_id, src_n_id, dst_n_id, edge_index, edge_attr, t, k,
           his_edge_index, his_enc_t, his_h_edge_attr, his_z,
           Wq, bq, Wk, bk, Wv, bv, We, be, Wskip, bskip):
    del n_id, k
    return _run(x, src_n_id, dst_n_id, edge_index, edge_attr, t,
                his_edge_index, his_enc_t, his_h_edge_attr, his_z,
                Wq, bq, Wk, bk, Wv, bv, We, be, Wskip, bskip)

# --- scband reference (transcript-rebuilt; emitter-appended) ---
"""Pipeline reference for scband-net-15161234555256 (READ-ONLY COPY).

The authoritative reference and input builder live on the scoring server;
editing this copy changes nothing except your own understanding.
"""

import jax, jax.numpy as jnp
import numpy as np

N_NODES = 10000
N_EDGES = 320000
NODE_DIM = 128
EDGE_DIM = 16
EMBEDD_DIM = 20
TIME_DIM = 5
H_EDGE_ATTR_DIM = 3
K_HOPS = 3
FULL_EDGE_DIM = EDGE_DIM + 2 * (NODE_DIM + TIME_DIM) + H_EDGE_ATTR_DIM  # 285


def setup_inputs(seed: int = 0) -> dict:
    key = jax.random.key(seed)
    ks = jax.random.split(key, 24)
    inp = {}
    inp['x'] = jax.random.normal(ks[0], (N_NODES, NODE_DIM), dtype=jnp.float32)
    inp['n_id'] = jax.random.randint(ks[1], (N_NODES,), 0, N_NODES, dtype=jnp.int64 if jax.config.jax_enable_x64 else jnp.int32)
    inp['src_n_id'] = jax.random.randint(ks[2], (N_EDGES,), 0, N_NODES)
    inp['dst_n_id'] = jax.random.randint(ks[3], (N_EDGES,), 0, N_NODES)
    inp['edge_index'] = jax.random.randint(ks[4], (2, N_EDGES), 0, N_NODES)
    inp['edge_attr'] = jax.random.normal(ks[5], (N_EDGES, EDGE_DIM), dtype=jnp.float32)
    inp['t'] = jax.random.uniform(ks[6], (N_EDGES,), dtype=jnp.float32)
    inp['k'] = 2  # hop index selected in forward, < K_HOPS
    # his_loader modeled as lookup tables / precomputed arrays
    inp['his_edge_index'] = jax.random.randint(ks[7], (2, N_EDGES), 0, N_NODES)
    inp['his_enc_t'] = jax.random.normal(ks[8], (N_NODES, TIME_DIM), dtype=jnp.float32)
    inp['his_h_edge_attr'] = jax.random.normal(ks[9], (N_NODES, H_EDGE_ATTR_DIM), dtype=jnp.float32)
    inp['his_z'] = jax.random.normal(ks[10], (N_NODES, EMBEDD_DIM), dtype=jnp.float32)
    # TransformerConv parameters (heads=1, concat default, root_weight=True)
    s = 1.0 / np.sqrt(EMBEDD_DIM)
    inp['Wq'] = jax.random.normal(ks[11], (EMBEDD_DIM, EMBEDD_DIM), dtype=jnp.float32) * s
    inp['bq'] = jnp.zeros((EMBEDD_DIM,), dtype=jnp.float32)
    inp['Wk'] = jax.random.normal(ks[12], (EMBEDD_DIM, EMBEDD_DIM), dtype=jnp.float32) * s
    inp['bk'] = jnp.zeros((EMBEDD_DIM,), dtype=jnp.float32)
    inp['Wv'] = jax.random.normal(ks[13], (EMBEDD_DIM, EMBEDD_DIM), dtype=jnp.float32) * s
    inp['bv'] = jnp.zeros((EMBEDD_DIM,), dtype=jnp.float32)
    inp['We'] = jax.random.normal(ks[14], (FULL_EDGE_DIM, EMBEDD_DIM), dtype=jnp.float32) * (1.0 / np.sqrt(FULL_EDGE_DIM))
    inp['be'] = jnp.zeros((EMBEDD_DIM,), dtype=jnp.float32)
    inp['Wskip'] = jax.random.normal(ks[15], (EMBEDD_DIM, EMBEDD_DIM), dtype=jnp.float32) * s
    inp['bskip'] = jnp.zeros((EMBEDD_DIM,), dtype=jnp.float32)
    return inp


def _segment_softmax(scores, seg, num_segments):
    m = jax.ops.segment_max(scores, seg, num_segments=num_segments)
    m = jnp.where(jnp.isfinite(m), m, 0.0)
    ex = jnp.exp(scores - m[seg])
    denom = jax.ops.segment_sum(ex, seg, num_segments=num_segments)
    return ex / (denom[seg] + 1e-16)


def reference(x, n_id, src_n_id, dst_n_id, edge_index, edge_attr, t, k,
              his_edge_index, his_enc_t, his_h_edge_attr, his_z,
              Wq, bq, Wk, bk, Wv, bv, We, be, Wskip, bskip):
    N = x.shape[0]
    # m_edge_index = cat([edge_index, his_loader.edge_index(n_id)], dim=1)
    m_edge = jnp.concatenate([edge_index, his_edge_index], axis=1)
    src, dst = m_edge[0], m_edge[1]
    # KHopAggregators: MessagePassing(aggr='add') with default message -> scatter-add of x[src] at dst
    agg = jax.ops.segment_sum(x[src], dst, num_segments=N)
    k_hop_x = jnp.stack([agg for _ in range(K_HOPS)], axis=0)  # [K, N, node_dim]
    x2 = k_hop_x[k]  # select hop k over all nodes
    # time encodings
    src_enc_t = his_enc_t[src_n_id]
    dst_enc_t = his_enc_t[dst_n_id]
    tt = t.reshape(-1, 1) * jnp.ones_like(src_enc_t)
    src_rel_t = tt - src_enc_t
    dst_rel_t = tt - dst_enc_t
    ea = jnp.concatenate([edge_attr, src_rel_t, dst_rel_t,
                          x2[src_n_id], x2[dst_n_id],
                          his_h_edge_attr[src_n_id]], axis=-1)  # [E, 285]
    # TransformerConv(embedd_dim -> embedd_dim, edge_dim=285, heads=1)
    z = his_z
    q = z @ Wq + bq
    kmat = z @ Wk + bk
    v = z @ Wv + bv
    ek = ea @ We + be
    esrc, edst = edge_index[0], edge_index[1]
    kj = kmat[esrc] + ek
    vj = v[esrc] + ek
    d = q.shape[-1]
    scores = jnp.sum(q[edst] * kj, axis=-1) / jnp.sqrt(float(d))
    alpha = _segment_softmax(scores, edst, N)
    out = jax.ops.segment_sum(alpha[:, None] * vj, edst, num_segments=N)
    out = out + z @ Wskip + bskip
    return out


if False:  # reference __main__ guard neutralized (emitter)
    inp = setup_inputs()
    o = reference(**inp)
    print(o.shape, o.dtype)

if __name__ == "__main__":
    import jax
    _d = setup_inputs()
    print(jax.jit(kernel)(*tuple(_d.values())))

</pallas_src>

<mosaic_0001>
#map = affine_map<(d0, d1) -> (0, 0)>
#map1 = affine_map<(d0, d1) -> (0)>
#map2 = affine_map<(d0, d1) -> (0, 0, 0)>
module attributes {stable_mosaic.version = 14 : i64} {
  func.func @_seg40_body(%arg0: i32, %arg1: i32, %arg2: memref<10000x40xf32, #tpu.memory_space<hbm>>, %arg3: memref<640000xi32, #tpu.memory_space<hbm>>, %arg4: memref<640000xi32, #tpu.memory_space<hbm>>, %arg5: memref<640x40xf32, #tpu.memory_space<hbm>>, %arg6: memref<2x10240x40xf32, #tpu.memory_space<hbm>>, %arg7: memref<20000xi32, #tpu.memory_space<vmem>>, %arg8: memref<20000xi32, #tpu.memory_space<vmem>>, %arg9: memref<800x40xf32, #tpu.memory_space<vmem>>, %arg10: memref<10240x40xf32, #tpu.memory_space<vmem_shared>>, %arg11: memref<!tpu.dma_semaphore, #tpu.memory_space<semaphore_mem>>) attributes {dimension_semantics = [#tpu.dimension_semantics<core_parallel>, #tpu.dimension_semantics<subcore_parallel>], iteration_bounds = array<i64: 2, 16>, scalar_prefetch = 0 : i64, scratch_operands = 5 : i64, tpu.core_type = #tpu.core_type<sc_vector_subcore>, window_params = [{transform_indices = #map}, {transform_indices = #map1}, {transform_indices = #map1}, {transform_indices = #map}, {transform_indices = #map2}]} {
    %mul3A = arith.constant 16 : i32
    %mul3A_0 = arith.muli %arg0, %mul3A : i32
    %add3A = arith.addi %mul3A_0, %arg1 : i32
    %mul3A_1 = arith.constant 640 : i32
    %mul3A_2 = arith.muli %arg1, %mul3A_1 : i32
    "tpu.region"() ({
      %run_scoped3A = tpu.sem_alloc : memref<!tpu.dma_semaphore, #tpu.memory_space<semaphore_mem>>
      %dma_start3A = arith.constant 0 : i32
      %dma_start3A_13 = tpu.memref_slice %arg10[%mul3A_2, %dma_start3A] : memref<10240x40xf32, #tpu.memory_space<vmem_shared>> -> memref<640x40xf32, #tpu.memory_space<vmem_shared>>
      tpu.enqueue_dma source(%arg5 : memref<640x40xf32, #tpu.memory_space<hbm>>) target(%dma_start3A_13 : memref<640x40xf32, #tpu.memory_space<vmem_shared>>) target_semaphore(%run_scoped3A : memref<!tpu.dma_semaphore, #tpu.memory_space<semaphore_mem>>)
      %dma_wait3A = arith.constant 0 : i32
      %dma_wait3A_14 = tpu.memref_slice %arg10[%mul3A_2, %dma_wait3A] : memref<10240x40xf32, #tpu.memory_space<vmem_shared>> -> memref<640x40xf32, #tpu.memory_space<vmem_shared>>
      tpu.wait_dma2 semaphore(%run_scoped3A : memref<!tpu.dma_semaphore, #tpu.memory_space<semaphore_mem>>) src(%arg5 : memref<640x40xf32, #tpu.memory_space<hbm>>) dst(%dma_wait3A_14 : memref<640x40xf32, #tpu.memory_space<vmem_shared>>)
      tpu.yield
    }) : () -> ()
    %mul3A_3 = arith.constant 20000 : i32
    %mul3A_4 = arith.muli %add3A, %mul3A_3 : i32
    "tpu.region"() ({
      %run_scoped3A = tpu.sem_alloc : memref<!tpu.dma_semaphore, #tpu.memory_space<semaphore_mem>>
      %dma_start3A = tpu.memref_slice %arg3[%mul3A_4] : memref<640000xi32, #tpu.memory_space<hbm>> -> memref<20000xi32, #tpu.memory_space<hbm>>
      %dma_start3A_13 = tpu.memref_slice %arg3[%mul3A_4] : memref<640000xi32, #tpu.memory_space<hbm>> -> memref<20000xi32, #tpu.memory_space<hbm>>
      tpu.enqueue_dma source(%dma_start3A_13 : memref<20000xi32, #tpu.memory_space<hbm>>) target(%arg7 : memref<20000xi32, #tpu.memory_space<vmem>>) target_semaphore(%run_scoped3A : memref<!tpu.dma_semaphore, #tpu.memory_space<semaphore_mem>>)
      %dma_wait3A = tpu.memref_slice %arg3[%mul3A_4] : memref<640000xi32, #tpu.memory_space<hbm>> -> memref<20000xi32, #tpu.memory_space<hbm>>
      %dma_wait3A_14 = tpu.memref_slice %arg3[%mul3A_4] : memref<640000xi32, #tpu.memory_space<hbm>> -> memref<20000xi32, #tpu.memory_space<hbm>>
      tpu.wait_dma2 semaphore(%run_scoped3A : memref<!tpu.dma_semaphore, #tpu.memory_space<semaphore_mem>>) src(%dma_wait3A_14 : memref<20000xi32, #tpu.memory_space<hbm>>) dst(%arg7 : memref<20000xi32, #tpu.memory_space<vmem>>)
      tpu.yield
    }) : () -> ()
    "tpu.region"() ({
      %run_scoped3A = tpu.sem_alloc : memref<!tpu.dma_semaphore, #tpu.memory_space<semaphore_mem>>
      %dma_start3A = tpu.memref_slice %arg4[%mul3A_4] : memref<640000xi32, #tpu.memory_space<hbm>> -> memref<20000xi32, #tpu.memory_space<hbm>>
      %dma_start3A_13 = tpu.memref_slice %arg4[%mul3A_4] : memref<640000xi32, #tpu.memory_space<hbm>> -> memref<20000xi32, #tpu.memory_space<hbm>>
      tpu.enqueue_dma source(%dma_start3A_13 : memref<20000xi32, #tpu.memory_space<hbm>>) target(%arg8 : memref<20000xi32, #tpu.memory_space<vmem>>) target_semaphore(%run_scoped3A : memref<!tpu.dma_semaphore, #tpu.memory_space<semaphore_mem>>)
      %dma_wait3A = tpu.memref_slice %arg4[%mul3A_4] : memref<640000xi32, #tpu.memory_space<hbm>> -> memref<20000xi32, #tpu.memory_space<hbm>>
      %dma_wait3A_14 = tpu.memref_slice %arg4[%mul3A_4] : memref<640000xi32, #tpu.memory_space<hbm>> -> memref<20000xi32, #tpu.memory_space<hbm>>
      tpu.wait_dma2 semaphore(%run_scoped3A : memref<!tpu.dma_semaphore, #tpu.memory_space<semaphore_mem>>) src(%dma_wait3A_14 : memref<20000xi32, #tpu.memory_space<hbm>>) dst(%arg8 : memref<20000xi32, #tpu.memory_space<vmem>>)
      tpu.yield
    }) : () -> ()
    %barrier3A = arith.constant 0 : index
    tpu.barrier barrier_id(%barrier3A)
    %scan3A = arith.constant 0 : i32
    %scan3A_5 = arith.constant 0 : i32
    %scan3A_6 = arith.constant 25 : i32
    %scan3A_7 = arith.addi %scan3A_5, %scan3A_6 : i32
    %scan3A_8 = arith.constant 1 : i32
    scf.for %scan3A_13 = %scan3A_5 to %scan3A_7 step %scan3A_8  : i32 {
      %mul3A_14 = arith.constant 800 : i32
      %mul3A_15 = arith.muli %scan3A_13, %mul3A_14 : i32
      %multiple_of3A = tpu.assume_multiple %mul3A_15, 8 : i32
      %add3A_16 = arith.constant 0 : i32
      %add3A_17 = arith.addi %multiple_of3A, %add3A_16 : i32
      %dma_start3A = arith.constant 0 : i32
      %dma_start3A_18 = arith.constant 0 : i32
      %dma_start3A_19 = tpu.memref_slice %arg9[%dma_start3A, %dma_start3A_18] : memref<800x40xf32, #tpu.memory_space<vmem>> -> memref<80x40xf32, #tpu.memory_space<vmem>>
      %dma_start3A_20 = tpu.memref_slice %arg7[%add3A_17] : memref<20000xi32, #tpu.memory_space<vmem>> -> memref<80xi32, #tpu.memory_space<vmem>>
      %dma_start3A_21 = arith.constant 0 : i32
      %dma_start3A_22 = arith.constant 0 : i32
      %dma_start3A_23 = tpu.memref_slice %arg2[%dma_start3A_21, %dma_start3A_22] : memref<10000x40xf32, #tpu.memory_space<hbm>> -> memref<10000x40xf32, #tpu.memory_space<hbm>>
      tpu.enqueue_indirect_dma source(%dma_start3A_23 : memref<10000x40xf32, #tpu.memory_space<hbm>>) target(%dma_start3A_19 : memref<80x40xf32, #tpu.memory_space<vmem>>) offsets(%dma_start3A_20 : memref<80xi32, #tpu.memory_space<vmem>>) semaphore(%arg11 : memref<!tpu.dma_semaphore, #tpu.memory_space<semaphore_mem>>)
      %add3A_24 = arith.constant 80 : i32
      %add3A_25 = arith.addi %multiple_of3A, %add3A_24 : i32
      %dma_start3A_26 = arith.constant 80 : i32
      %dma_start3A_27 = arith.constant 0 : i32
      %dma_start3A_28 = tpu.memref_slice %arg9[%dma_start3A_26, %dma_start3A_27] : memref<800x40xf32, #tpu.memory_space<vmem>> -> memref<80x40xf32, #tpu.memory_space<vmem>>
      %dma_start3A_29 = tpu.memref_slice %arg7[%add3A_25] : memref<20000xi32, #tpu.memory_space<vmem>> -> memref<80xi32, #tpu.memory_space<vmem>>
      %dma_start3A_30 = arith.constant 0 : i32
      %dma_start3A_31 = arith.constant 0 : i32
      %dma_start3A_32 = tpu.memref_slice %arg2[%dma_start3A_30, %dma_start3A_31] : memref<10000x40xf32, #tpu.memory_space<hbm>> -> memref<10000x40xf32, #tpu.memory_space<hbm>>
      tpu.enqueue_indirect_dma source(%dma_start3A_32 : memref<10000x40xf32, #tpu.memory_space<hbm>>) target(%dma_start3A_28 : memref<80x40xf32, #tpu.memory_space<vmem>>) offsets(%dma_start3A_29 : memref<80xi32, #tpu.memory_space<vmem>>) semaphore(%arg11 : memref<!tpu.dma_semaphore, #tpu.memory_space<semaphore_mem>>)
      %add3A_33 = arith.constant 160 : i32
      %add3A_34 = arith.addi %multiple_of3A, %add3A_33 : i32
      %dma_start3A_35 = arith.constant 160 : i32
      %dma_start3A_36 = arith.constant 0 : i32
      %dma_start3A_37 = tpu.memref_slice %arg9[%dma_start3A_35, %dma_start3A_36] : memref<800x40xf32, #tpu.memory_space<vmem>> -> memref<80x40xf32, #tpu.memory_space<vmem>>
      %dma_start3A_38 = tpu.memref_slice %arg7[%add3A_34] : memref<20000xi32, #tpu.memory_space<vmem>> -> memref<80xi32, #tpu.memory_space<vmem>>
      %dma_start3A_39 = arith.constant 0 : i32
      %dma_start3A_40 = arith.constant 0 : i32
      %dma_start3A_41 = tpu.memref_slice %arg2[%dma_start3A_39, %dma_start3A_40] : memref<10000x40xf32, #tpu.memory_space<hbm>> -> memref<10000x40xf32, #tpu.memory_space<hbm>>
      tpu.enqueue_indirect_dma source(%dma_start3A_41 : memref<10000x40xf32, #tpu.memory_space<hbm>>) target(%dma_start3A_37 : memref<80x40xf32, #tpu.memory_space<vmem>>) offsets(%dma_start3A_38 : memref<80xi32, #tpu.memory_space<vmem>>) semaphore(%arg11 : memref<!tpu.dma_semaphore, #tpu.memory_space<semaphore_mem>>)
      %add3A_42 = arith.constant 240 : i32
      %add3A_43 = arith.addi %multiple_of3A, %add3A_42 : i32
      %dma_start3A_44 = arith.constant 240 : i32
      %dma_start3A_45 = arith.constant 0 : i32
      %dma_start3A_46 = tpu.memref_slice %arg9[%dma_start3A_44, %dma_start3A_45] : memref<800x40xf32, #tpu.memory_space<vmem>> -> memref<80x40xf32, #tpu.memory_space<vmem>>
      %dma_start3A_47 = tpu.memref_slice %arg7[%add3A_43] : memref<20000xi32, #tpu.memory_space<vmem>> -> memref<80xi32, #tpu.memory_space<vmem>>
      %dma_start3A_48 = arith.constant 0 : i32
      %dma_start3A_49 = arith.constant 0 : i32
      %dma_start3A_50 = tpu.memref_slice %arg2[%dma_start3A_48, %dma_start3A_49] : memref<10000x40xf32, #tpu.memory_space<hbm>> -> memref<10000x40xf32, #tpu.memory_space<hbm>>
      tpu.enqueue_indirect_dma source(%dma_start3A_50 : memref<10000x40xf32, #tpu.memory_space<hbm>>) target(%dma_start3A_46 : memref<80x40xf32, #tpu.memory_space<vmem>>) offsets(%dma_start3A_47 : memref<80xi32, #tpu.memory_space<vmem>>) semaphore(%arg11 : memref<!tpu.dma_semaphore, #tpu.memory_space<semaphore_mem>>)
      %add3A_51 = arith.constant 320 : i32
      %add3A_52 = arith.addi %multiple_of3A, %add3A_51 : i32
      %dma_start3A_53 = arith.constant 320 : i32
      %dma_start3A_54 = arith.constant 0 : i32
      %dma_start3A_55 = tpu.memref_slice %arg9[%dma_start3A_53, %dma_start3A_54] : memref<800x40xf32, #tpu.memory_space<vmem>> -> memref<80x40xf32, #tpu.memory_space<vmem>>
      %dma_start3A_56 = tpu.memref_slice %arg7[%add3A_52] : memref<20000xi32, #tpu.memory_space<vmem>> -> memref<80xi32, #tpu.memory_space<vmem>>
      %dma_start3A_57 = arith.constant 0 : i32
      %dma_start3A_58 = arith.constant 0 : i32
      %dma_start3A_59 = tpu.memref_slice %arg2[%dma_start3A_57, %dma_start3A_58] : memref<10000x40xf32, #tpu.memory_space<hbm>> -> memref<10000x40xf32, #tpu.memory_space<hbm>>
      tpu.enqueue_indirect_dma source(%dma_start3A_59 : memref<10000x40xf32, #tpu.memory_space<hbm>>) target(%dma_start3A_55 : memref<80x40xf32, #tpu.memory_space<vmem>>) offsets(%dma_start3A_56 : memref<80xi32, #tpu.memory_space<vmem>>) semaphore(%arg11 : memref<!tpu.dma_semaphore, #tpu.memory_space<semaphore_mem>>)
      %add3A_60 = arith.constant 400 : i32
      %add3A_61 = arith.addi %multiple_of3A, %add3A_60 : i32
      %dma_start3A_62 = arith.constant 400 : i32
      %dma_start3A_63 = arith.constant 0 : i32
      %dma_start3A_64 = tpu.memref_slice %arg9[%dma_start3A_62, %dma_start3A_63] : memref<800x40xf32, #tpu.memory_space<vmem>> -> memref<80x40xf32, #tpu.memory_space<vmem>>
      %dma_start3A_65 = tpu.memref_slice %arg7[%add3A_61] : memref<20000xi32, #tpu.memory_space<vmem>> -> memref<80xi32, #tpu.memory_space<vmem>>
      %dma_start3A_66 = arith.constant 0 : i32
      %dma_start3A_67 = arith.constant 0 : i32
      %dma_start3A_68 = tpu.memref_slice %arg2[%dma_start3A_66, %dma_start3A_67] : memref<10000x40xf32, #tpu.memory_space<hbm>> -> memref<10000x40xf32, #tpu.memory_space<hbm>>
      tpu.enqueue_indirect_dma source(%dma_start3A_68 : memref<10000x40xf32, #tpu.memory_space<hbm>>) target(%dma_start3A_64 : memref<80x40xf32, #tpu.memory_space<vmem>>) offsets(%dma_start3A_65 : memref<80xi32, #tpu.memory_space<vmem>>) semaphore(%arg11 : memref<!tpu.dma_semaphore, #tpu.memory_space<semaphore_mem>>)
      %add3A_69 = arith.constant 480 : i32
      %add3A_70 = arith.addi %multiple_of3A, %add3A_69 : i32
      %dma_start3A_71 = arith.constant 480 : i32
      %dma_start3A_72 = arith.constant 0 : i32
      %dma_start3A_73 = tpu.memref_slice %arg9[%dma_start3A_71, %dma_start3A_72] : memref<800x40xf32, #tpu.memory_space<vmem>> -> memref<80x40xf32, #tpu.memory_space<vmem>>
      %dma_start3A_74 = tpu.memref_slice %arg7[%add3A_70] : memref<20000xi32, #tpu.memory_space<vmem>> -> memref<80xi32, #tpu.memory_space<vmem>>
      %dma_start3A_75 = arith.constant 0 : i32
      %dma_start3A_76 = arith.constant 0 : i32
      %dma_start3A_77 = tpu.memref_slice %arg2[%dma_start3A_75, %dma_start3A_76] : memref<10000x40xf32, #tpu.memory_space<hbm>> -> memref<10000x40xf32, #tpu.memory_space<hbm>>
      tpu.enqueue_indirect_dma source(%dma_start3A_77 : memref<10000x40xf32, #tpu.memory_space<hbm>>) target(%dma_start3A_73 : memref<80x40xf32, #tpu.memory_space<vmem>>) offsets(%dma_start3A_74 : memref<80xi32, #tpu.memory_space<vmem>>) semaphore(%arg11 : memref<!tpu.dma_semaphore, #tpu.memory_space<semaphore_mem>>)
      %add3A_78 = arith.constant 560 : i32
      %add3A_79 = arith.addi %multiple_of3A, %add3A_78 : i32
      %dma_start3A_80 = arith.constant 560 : i32
      %dma_start3A_81 = arith.constant 0 : i32
      %dma_start3A_82 = tpu.memref_slice %arg9[%dma_start3A_80, %dma_start3A_81] : memref<800x40xf32, #tpu.memory_space<vmem>> -> memref<80x40xf32, #tpu.memory_space<vmem>>
      %dma_start3A_83 = tpu.memref_slice %arg7[%add3A_79] : memref<20000xi32, #tpu.memory_space<vmem>> -> memref<80xi32, #tpu.memory_space<vmem>>
      %dma_start3A_84 = arith.constant 0 : i32
      %dma_start3A_85 = arith.constant 0 : i32
      %dma_start3A_86 = tpu.memref_slice %arg2[%dma_start3A_84, %dma_start3A_85] : memref<10000x40xf32, #tpu.memory_space<hbm>> -> memref<10000x40xf32, #tpu.memory_space<hbm>>
      tpu.enqueue_indirect_dma source(%dma_start3A_86 : memref<10000x40xf32, #tpu.memory_space<hbm>>) target(%dma_start3A_82 : memref<80x40xf32, #tpu.memory_space<vmem>>) offsets(%dma_start3A_83 : memref<80xi32, #tpu.memory_space<vmem>>) semaphore(%arg11 : memref<!tpu.dma_semaphore, #tpu.memory_space<semaphore_mem>>)
      %add3A_87 = arith.constant 640 : i32
      %add3A_88 = arith.addi %multiple_of3A, %add3A_87 : i32
      %dma_start3A_89 = arith.constant 640 : i32
      %dma_start3A_90 = arith.constant 0 : i32
      %dma_start3A_91 = tpu.memref_slice %arg9[%dma_start3A_89, %dma_start3A_90] : memref<800x40xf32, #tpu.memory_space<vmem>> -> memref<80x40xf32, #tpu.memory_space<vmem>>
      %dma_start3A_92 = tpu.memref_slice %arg7[%add3A_88] : memref<20000xi32, #tpu.memory_space<vmem>> -> memref<80xi32, #tpu.memory_space<vmem>>
      %dma_start3A_93 = arith.constant 0 : i32
      %dma_start3A_94 = arith.constant 0 : i32
      %dma_start3A_95 = tpu.memref_slice %arg2[%dma_start3A_93, %dma_start3A_94] : memref<10000x40xf32, #tpu.memory_space<hbm>> -> memref<10000x40xf32, #tpu.memory_space<hbm>>
      tpu.enqueue_indirect_dma source(%dma_start3A_95 : memref<10000x40xf32, #tpu.memory_space<hbm>>) target(%dma_start3A_91 : memref<80x40xf32, #tpu.memory_space<vmem>>) offsets(%dma_start3A_92 : memref<80xi32, #tpu.memory_space<vmem>>) semaphore(%arg11 : memref<!tpu.dma_semaphore, #tpu.memory_space<semaphore_mem>>)
      %add3A_96 = arith.constant 720 : i32
      %add3A_97 = arith.addi %multiple_of3A, %add3A_96 : i32
      %dma_start3A_98 = arith.constant 720 : i32
      %dma_start3A_99 = arith.constant 0 : i32
      %dma_start3A_100 = tpu.memref_slice %arg9[%dma_start3A_98, %dma_start3A_99] : memref<800x40xf32, #tpu.memory_space<vmem>> -> memref<80x40xf32, #tpu.memory_space<vmem>>
      %dma_start3A_101 = tpu.memref_slice %arg7[%add3A_97] : memref<20000xi32, #tpu.memory_space<vmem>> -> memref<80xi32, #tpu.memory_space<vmem>>
      %dma_start3A_102 = arith.constant 0 : i32
      %dma_start3A_103 = arith.constant 0 : i32
      %dma_start3A_104 = tpu.memref_slice %arg2[%dma_start3A_102, %dma_start3A_103] : memref<10000x40xf32, #tpu.memory_space<hbm>> -> memref<10000x40xf32, #tpu.memory_space<hbm>>
      tpu.enqueue_indirect_dma source(%dma_start3A_104 : memref<10000x40xf32, #tpu.memory_space<hbm>>) target(%dma_start3A_100 : memref<80x40xf32, #tpu.memory_space<vmem>>) offsets(%dma_start3A_101 : memref<80xi32, #tpu.memory_space<vmem>>) semaphore(%arg11 : memref<!tpu.dma_semaphore, #tpu.memory_space<semaphore_mem>>)
      %dma_wait3A = arith.constant 0 : i32
      %dma_wait3A_105 = arith.constant 0 : i32
      %dma_wait3A_106 = tpu.memref_slice %arg9[%dma_wait3A, %dma_wait3A_105] : memref<800x40xf32, #tpu.memory_space<vmem>> -> memref<80x40xf32, #tpu.memory_space<vmem>>
      %dma_wait3A_107 = tpu.memref_slice %arg7[%add3A_17] : memref<20000xi32, #tpu.memory_space<vmem>> -> memref<80xi32, #tpu.memory_space<vmem>>
      %dma_wait3A_108 = arith.constant 0 : i32
      %dma_wait3A_109 = arith.constant 0 : i32
      %dma_wait3A_110 = tpu.memref_slice %arg2[%dma_wait3A_108, %dma_wait3A_109] : memref<10000x40xf32, #tpu.memory_space<hbm>> -> memref<10000x40xf32, #tpu.memory_space<hbm>>
      tpu.wait_indirect_dma semaphore(%arg11 : memref<!tpu.dma_semaphore, #tpu.memory_space<semaphore_mem>>) src(%dma_wait3A_110 : memref<10000x40xf32, #tpu.memory_space<hbm>>) dst(%dma_wait3A_106 : memref<80x40xf32, #tpu.memory_space<vmem>>)
      %dma_wait3A_111 = arith.constant 80 : i32
      %dma_wait3A_112 = arith.constant 0 : i32
      %dma_wait3A_113 = tpu.memref_slice %arg9[%dma_wait3A_111, %dma_wait3A_112] : memref<800x40xf32, #tpu.memory_space<vmem>> -> memref<80x40xf32, #tpu.memory_space<vmem>>
      %dma_wait3A_114 = tpu.memref_slice %arg7[%add3A_25] : memref<20000xi32, #tpu.memory_space<vmem>> -> memref<80xi32, #tpu.memory_space<vmem>>
      %dma_wait3A_115 = arith.constant 0 : i32
      %dma_wait3A_116 = arith.constant 0 : i32
      %dma_wait3A_117 = tpu.memref_slice %arg2[%dma_wait3A_115, %dma_wait3A_116] : memref<10000x40xf32, #tpu.memory_space<hbm>> -> memref<10000x40xf32, #tpu.memory_space<hbm>>
      tpu.wait_indirect_dma semaphore(%arg11 : memref<!tpu.dma_semaphore, #tpu.memory_space<semaphore_mem>>) src(%dma_wait3A_117 : memref<10000x40xf32, #tpu.memory_space<hbm>>) dst(%dma_wait3A_113 : memref<80x40xf32, #tpu.memory_space<vmem>>)
      %dma_wait3A_118 = arith.constant 160 : i32
      %dma_wait3A_119 = arith.constant 0 : i32
      %dma_wait3A_120 = tpu.memref_slice %arg9[%dma_wait3A_118, %dma_wait3A_119] : memref<800x40xf32, #tpu.memory_space<vmem>> -> memref<80x40xf32, #tpu.memory_space<vmem>>
      %dma_wait3A_121 = tpu.memref_slice %arg7[%add3A_34] : memref<20000xi32, #tpu.memory_space<vmem>> -> memref<80xi32, #tpu.memory_space<vmem>>
      %dma_wait3A_122 = arith.constant 0 : i32
      %dma_wait3A_123 = arith.constant 0 : i32
      %dma_wait3A_124 = tpu.memref_slice %arg2[%dma_wait3A_122, %dma_wait3A_123] : memref<10000x40xf32, #tpu.memory_space<hbm>> -> memref<10000x40xf32, #tpu.memory_space<hbm>>
      tpu.wait_indirect_dma semaphore(%arg11 : memref<!tpu.dma_semaphore, #tpu.memory_space<semaphore_mem>>) src(%dma_wait3A_124 : memref<10000x40xf32, #tpu.memory_space<hbm>>) dst(%dma_wait3A_120 : memref<80x40xf32, #tpu.memory_space<vmem>>)
      %dma_wait3A_125 = arith.constant 240 : i32
      %dma_wait3A_126 = arith.constant 0 : i32
      %dma_wait3A_127 = tpu.memref_slice %arg9[%dma_wait3A_125, %dma_wait3A_126] : memref<800x40xf32, #tpu.memory_space<vmem>> -> memref<80x40xf32, #tpu.memory_space<vmem>>
      %dma_wait3A_128 = tpu.memref_slice %arg7[%add3A_43] : memref<20000xi32, #tpu.memory_space<vmem>> -> memref<80xi32, #tpu.memory_space<vmem>>
      %dma_wait3A_129 = arith.constant 0 : i32
      %dma_wait3A_130 = arith.constant 0 : i32
      %dma_wait3A_131 = tpu.memref_slice %arg2[%dma_wait3A_129, %dma_wait3A_130] : memref<10000x40xf32, #tpu.memory_space<hbm>> -> memref<10000x40xf32, #tpu.memory_space<hbm>>
      tpu.wait_indirect_dma semaphore(%arg11 : memref<!tpu.dma_semaphore, #tpu.memory_space<semaphore_mem>>) src(%dma_wait3A_131 : memref<10000x40xf32, #tpu.memory_space<hbm>>) dst(%dma_wait3A_127 : memref<80x40xf32, #tpu.memory_space<vmem>>)
      %dma_wait3A_132 = arith.constant 320 : i32
      %dma_wait3A_133 = arith.constant 0 : i32
      %dma_wait3A_134 = tpu.memref_slice %arg9[%dma_wait3A_132, %dma_wait3A_133] : memref<800x40xf32, #tpu.memory_space<vmem>> -> memref<80x40xf32, #tpu.memory_space<vmem>>
      %dma_wait3A_135 = tpu.memref_slice %arg7[%add3A_52] : memref<20000xi32, #tpu.memory_space<vmem>> -> memref<80xi32, #tpu.memory_space<vmem>>
      %dma_wait3A_136 = arith.constant 0 : i32
      %dma_wait3A_137 = arith.constant 0 : i32
      %dma_wait3A_138 = tpu.memref_slice %arg2[%dma_wait3A_136, %dma_wait3A_137] : memref<10000x40xf32, #tpu.memory_space<hbm>> -> memref<10000x40xf32, #tpu.memory_space<hbm>>
      tpu.wait_indirect_dma semaphore(%arg11 : memref<!tpu.dma_semaphore, #tpu.memory_space<semaphore_mem>>) src(%dma_wait3A_138 : memref<10000x40xf32, #tpu.memory_space<hbm>>) dst(%dma_wait3A_134 : memref<80x40xf32, #tpu.memory_space<vmem>>)
      %dma_wait3A_139 = arith.constant 400 : i32
      %dma_wait3A_140 = arith.constant 0 : i32
      %dma_wait3A_141 = tpu.memref_slice %arg9[%dma_wait3A_139, %dma_wait3A_140] : memref<800x40xf32, #tpu.memory_space<vmem>> -> memref<80x40xf32, #tpu.memory_space<vmem>>
      %dma_wait3A_142 = tpu.memref_slice %arg7[%add3A_61] : memref<20000xi32, #tpu.memory_space<vmem>> -> memref<80xi32, #tpu.memory_space<vmem>>
      %dma_wait3A_143 = arith.constant 0 : i32
      %dma_wait3A_144 = arith.constant 0 : i32
      %dma_wait3A_145 = tpu.memref_slice %arg2[%dma_wait3A_143, %dma_wait3A_144] : memref<10000x40xf32, #tpu.memory_space<hbm>> -> memref<10000x40xf32, #tpu.memory_space<hbm>>
      tpu.wait_indirect_dma semaphore(%arg11 : memref<!tpu.dma_semaphore, #tpu.memory_space<semaphore_mem>>) src(%dma_wait3A_145 : memref<10000x40xf32, #tpu.memory_space<hbm>>) dst(%dma_wait3A_141 : memref<80x40xf32, #tpu.memory_space<vmem>>)
      %dma_wait3A_146 = arith.constant 480 : i32
      %dma_wait3A_147 = arith.constant 0 : i32
      %dma_wait3A_148 = tpu.memref_slice %arg9[%dma_wait3A_146, %dma_wait3A_147] : memref<800x40xf32, #tpu.memory_space<vmem>> -> memref<80x40xf32, #tpu.memory_space<vmem>>
      %dma_wait3A_149 = tpu.memref_slice %arg7[%add3A_70] : memref<20000xi32, #tpu.memory_space<vmem>> -> memref<80xi32, #tpu.memory_space<vmem>>
      %dma_wait3A_150 = arith.constant 0 : i32
      %dma_wait3A_151 = arith.constant 0 : i32
      %dma_wait3A_152 = tpu.memref_slice %arg2[%dma_wait3A_150, %dma_wait3A_151] : memref<10000x40xf32, #tpu.memory_space<hbm>> -> memref<10000x40xf32, #tpu.memory_space<hbm>>
      tpu.wait_indirect_dma semaphore(%arg11 : memref<!tpu.dma_semaphore, #tpu.memory_space<semaphore_mem>>) src(%dma_wait3A_152 : memref<10000x40xf32, #tpu.memory_space<hbm>>) dst(%dma_wait3A_148 : memref<80x40xf32, #tpu.memory_space<vmem>>)
      %dma_wait3A_153 = arith.constant 560 : i32
      %dma_wait3A_154 = arith.constant 0 : i32
      %dma_wait3A_155 = tpu.memref_slice %arg9[%dma_wait3A_153, %dma_wait3A_154] : memref<800x40xf32, #tpu.memory_space<vmem>> -> memref<80x40xf32, #tpu.memory_space<vmem>>
      %dma_wait3A_156 = tpu.memref_slice %arg7[%add3A_79] : memref<20000xi32, #tpu.memory_space<vmem>> -> memref<80xi32, #tpu.memory_space<vmem>>
      %dma_wait3A_157 = arith.constant 0 : i32
      %dma_wait3A_158 = arith.constant 0 : i32
      %dma_wait3A_159 = tpu.memref_slice %arg2[%dma_wait3A_157, %dma_wait3A_158] : memref<10000x40xf32, #tpu.memory_space<hbm>> -> memref<10000x40xf32, #tpu.memory_space<hbm>>
      tpu.wait_indirect_dma semaphore(%arg11 : memref<!tpu.dma_semaphore, #tpu.memory_space<semaphore_mem>>) src(%dma_wait3A_159 : memref<10000x40xf32, #tpu.memory_space<hbm>>) dst(%dma_wait3A_155 : memref<80x40xf32, #tpu.memory_space<vmem>>)
      %dma_wait3A_160 = arith.constant 640 : i32
      %dma_wait3A_161 = arith.constant 0 : i32
      %dma_wait3A_162 = tpu.memref_slice %arg9[%dma_wait3A_160, %dma_wait3A_161] : memref<800x40xf32, #tpu.memory_space<vmem>> -> memref<80x40xf32, #tpu.memory_space<vmem>>
      %dma_wait3A_163 = tpu.memref_slice %arg7[%add3A_88] : memref<20000xi32, #tpu.memory_space<vmem>> -> memref<80xi32, #tpu.memory_space<vmem>>
      %dma_wait3A_164 = arith.constant 0 : i32
      %dma_wait3A_165 = arith.constant 0 : i32
      %dma_wait3A_166 = tpu.memref_slice %arg2[%dma_wait3A_164, %dma_wait3A_165] : memref<10000x40xf32, #tpu.memory_space<hbm>> -> memref<10000x40xf32, #tpu.memory_space<hbm>>
      tpu.wait_indirect_dma semaphore(%arg11 : memref<!tpu.dma_semaphore, #tpu.memory_space<semaphore_mem>>) src(%dma_wait3A_166 : memref<10000x40xf32, #tpu.memory_space<hbm>>) dst(%dma_wait3A_162 : memref<80x40xf32, #tpu.memory_space<vmem>>)
      %dma_wait3A_167 = arith.constant 720 : i32
      %dma_wait3A_168 = arith.constant 0 : i32
      %dma_wait3A_169 = tpu.memref_slice %arg9[%dma_wait3A_167, %dma_wait3A_168] : memref<800x40xf32, #tpu.memory_space<vmem>> -> memref<80x40xf32, #tpu.memory_space<vmem>>
      %dma_wait3A_170 = tpu.memref_slice %arg7[%add3A_97] : memref<20000xi32, #tpu.memory_space<vmem>> -> memref<80xi32, #tpu.memory_space<vmem>>
      %dma_wait3A_171 = arith.constant 0 : i32
      %dma_wait3A_172 = arith.constant 0 : i32
      %dma_wait3A_173 = tpu.memref_slice %arg2[%dma_wait3A_171, %dma_wait3A_172] : memref<10000x40xf32, #tpu.memory_space<hbm>> -> memref<10000x40xf32, #tpu.memory_space<hbm>>
      tpu.wait_indirect_dma semaphore(%arg11 : memref<!tpu.dma_semaphore, #tpu.memory_space<semaphore_mem>>) src(%dma_wait3A_173 : memref<10000x40xf32, #tpu.memory_space<hbm>>) dst(%dma_wait3A_169 : memref<80x40xf32, #tpu.memory_space<vmem>>)
      %add3A_174 = arith.constant 0 : i32
      %add3A_175 = arith.addi %multiple_of3A, %add3A_174 : i32
      %dma_start3A_176 = arith.constant 0 : i32
      %dma_start3A_177 = arith.constant 0 : i32
      %dma_start3A_178 = tpu.memref_slice %arg9[%dma_start3A_176, %dma_start3A_177] : memref<800x40xf32, #tpu.memory_space<vmem>> -> memref<80x40xf32, #tpu.memory_space<vmem>>
      %dma_start3A_179 = tpu.memref_slice %arg8[%add3A_175] : memref<20000xi32, #tpu.memory_space<vmem>> -> memref<80xi32, #tpu.memory_space<vmem>>
      %dma_start3A_180 = arith.constant 0 : i32
      %dma_start3A_181 = arith.constant 0 : i32
      %dma_start3A_182 = tpu.memref_slice %arg10[%dma_start3A_180, %dma_start3A_181] : memref<10240x40xf32, #tpu.memory_space<vmem_shared>> -> memref<10240x40xf32, #tpu.memory_space<vmem_shared>>
      tpu.enqueue_indirect_dma source(%dma_start3A_178 : memref<80x40xf32, #tpu.memory_space<vmem>>) target(%dma_start3A_182 : memref<10240x40xf32, #tpu.memory_space<vmem_shared>>) offsets(%dma_start3A_179 : memref<80xi32, #tpu.memory_space<vmem>>) semaphore(%arg11 : memref<!tpu.dma_semaphore, #tpu.memory_space<semaphore_mem>>) {add = true}
      %add3A_183 = arith.constant 80 : i32
      %add3A_184 = arith.addi %multiple_of3A, %add3A_183 : i32
      %dma_start3A_185 = arith.constant 80 : i32
      %dma_start3A_186 = arith.constant 0 : i32
      %dma_start3A_187 = tpu.memref_slice %arg9[%dma_start3A_185, %dma_start3A_186] : memref<800x40xf32, #tpu.memory_space<vmem>> -> memref<80x40xf32, #tpu.memory_space<vmem>>
      %dma_start3A_188 = tpu.memref_slice %arg8[%add3A_184] : memref<20000xi32, #tpu.memory_space<vmem>> -> memref<80xi32, #tpu.memory_space<vmem>>
      %dma_start3A_189 = arith.constant 0 : i32
      %dma_start3A_190 = arith.constant 0 : i32
      %dma_start3A_191 = tpu.memref_slice %arg10[%dma_start3A_189, %dma_start3A_190] : memref<10240x40xf32, #tpu.memory_space<vmem_shared>> -> memref<10240x40xf32, #tpu.memory_space<vmem_shared>>
      tpu.enqueue_indirect_dma source(%dma_start3A_187 : memref<80x40xf32, #tpu.memory_space<vmem>>) target(%dma_start3A_191 : memref<10240x40xf32, #tpu.memory_space<vmem_shared>>) offsets(%dma_start3A_188 : memref<80xi32, #tpu.memory_space<vmem>>) semaphore(%arg11 : memref<!tpu.dma_semaphore, #tpu.memory_space<semaphore_mem>>) {add = true}
      %add3A_192 = arith.constant 160 : i32
      %add3A_193 = arith.addi %multiple_of3A, %add3A_192 : i32
      %dma_start3A_194 = arith.constant 160 : i32
      %dma_start3A_195 = arith.constant 0 : i32
      %dma_start3A_196 = tpu.memref_slice %arg9[%dma_start3A_194, %dma_start3A_195] : memref<800x40xf32, #tpu.memory_space<vmem>> -> memref<80x40xf32, #tpu.memory_space<vmem>>
      %dma_start3A_197 = tpu.memref_slice %arg8[%add3A_193] : memref<20000xi32, #tpu.memory_space<vmem>> -> memref<80xi32, #tpu.memory_space<vmem>>
      %dma_start3A_198 = arith.constant 0 : i32
      %dma_start3A_199 = arith.constant 0 : i32
      %dma_start3A_200 = tpu.memref_slice %arg10[%dma_start3A_198, %dma_start3A_199] : memref<10240x40xf32, #tpu.memory_space<vmem_shared>> -> memref<10240x40xf32, #tpu.memory_space<vmem_shared>>
      tpu.enqueue_indirect_dma source(%dma_start3A_196 : memref<80x40xf32, #tpu.memory_space<vmem>>) target(%dma_start3A_200 : memref<10240x40xf32, #tpu.memory_space<vmem_shared>>) offsets(%dma_start3A_197 : memref<80xi32, #tpu.memory_space<vmem>>) semaphore(%arg11 : memref<!tpu.dma_semaphore, #tpu.memory_space<semaphore_mem>>) {add = true}
      %add3A_201 = arith.constant 240 : i32
      %add3A_202 = arith.addi %multiple_of3A, %add3A_201 : i32
      %dma_start3A_203 = arith.constant 240 : i32
      %dma_start3A_204 = arith.constant 0 : i32
      %dma_start3A_205 = tpu.memref_slice %arg9[%dma_start3A_203, %dma_start3A_204] : memref<800x40xf32, #tpu.memory_space<vmem>> -> memref<80x40xf32, #tpu.memory_space<vmem>>
      %dma_start3A_206 = tpu.memref_slice %arg8[%add3A_202] : memref<20000xi32, #tpu.memory_space<vmem>> -> memref<80xi32, #tpu.memory_space<vmem>>
      %dma_start3A_207 = arith.constant 0 : i32
      %dma_start3A_208 = arith.constant 0 : i32
      %dma_start3A_209 = tpu.memref_slice %arg10[%dma_start3A_207, %dma_start3A_208] : memref<10240x40xf32, #tpu.memory_space<vmem_shared>> -> memref<10240x40xf32, #tpu.memory_space<vmem_shared>>
      tpu.enqueue_indirect_dma source(%dma_start3A_205 : memref<80x40xf32, #tpu.memory_space<vmem>>) target(%dma_start3A_209 : memref<10240x40xf32, #tpu.memory_space<vmem_shared>>) offsets(%dma_start3A_206 : memref<80xi32, #tpu.memory_space<vmem>>) semaphore(%arg11 : memref<!tpu.dma_semaphore, #tpu.memory_space<semaphore_mem>>) {add = true}
      %add3A_210 = arith.constant 320 : i32
      %add3A_211 = arith.addi %multiple_of3A, %add3A_210 : i32
      %dma_start3A_212 = arith.constant 320 : i32
      %dma_start3A_213 = arith.constant 0 : i32
      %dma_start3A_214 = tpu.memref_slice %arg9[%dma_start3A_212, %dma_start3A_213] : memref<800x40xf32, #tpu.memory_space<vmem>> -> memref<80x40xf32, #tpu.memory_space<vmem>>
      %dma_start3A_215 = tpu.memref_slice %arg8[%add3A_211] : memref<20000xi32, #tpu.memory_space<vmem>> -> memref<80xi32, #tpu.memory_space<vmem>>
      %dma_start3A_216 = arith.constant 0 : i32
      %dma_start3A_217 = arith.constant 0 : i32
      %dma_start3A_218 = tpu.memref_slice %arg10[%dma_start3A_216, %dma_start3A_217] : memref<10240x40xf32, #tpu.memory_space<vmem_shared>> -> memref<10240x40xf32, #tpu.memory_space<vmem_shared>>
      tpu.enqueue_indirect_dma source(%dma_start3A_214 : memref<80x40xf32, #tpu.memory_space<vmem>>) target(%dma_start3A_218 : memref<10240x40xf32, #tpu.memory_space<vmem_shared>>) offsets(%dma_start3A_215 : memref<80xi32, #tpu.memory_space<vmem>>) semaphore(%arg11 : memref<!tpu.dma_semaphore, #tpu.memory_space<semaphore_mem>>) {add = true}
      %add3A_219 = arith.constant 400 : i32
      %add3A_220 = arith.addi %multiple_of3A, %add3A_219 : i32
      %dma_start3A_221 = arith.constant 400 : i32
      %dma_start3A_222 = arith.constant 0 : i32
      %dma_start3A_223 = tpu.memref_slice %arg9[%dma_start3A_221, %dma_start3A_222] : memref<800x40xf32, #tpu.memory_space<vmem>> -> memref<80x40xf32, #tpu.memory_space<vmem>>
      %dma_start3A_224 = tpu.memref_slice %arg8[%add3A_220] : memref<20000xi32, #tpu.memory_space<vmem>> -> memref<80xi32, #tpu.memory_space<vmem>>
      %dma_start3A_225 = arith.constant 0 : i32
      %dma_start3A_226 = arith.constant 0 : i32
      %dma_start3A_227 = tpu.memref_slice %arg10[%dma_start3A_225, %dma_start3A_226] : memref<10240x40xf32, #tpu.memory_space<vmem_shared>> -> memref<10240x40xf32, #tpu.memory_space<vmem_shared>>
      tpu.enqueue_indirect_dma source(%dma_start3A_223 : memref<80x40xf32, #tpu.memory_space<vmem>>) target(%dma_start3A_227 : memref<10240x40xf32, #tpu.memory_space<vmem_shared>>) offsets(%dma_start3A_224 : memref<80xi32, #tpu.memory_space<vmem>>) semaphore(%arg11 : memref<!tpu.dma_semaphore, #tpu.memory_space<semaphore_mem>>) {add = true}
      %add3A_228 = arith.constant 480 : i32
      %add3A_229 = arith.addi %multiple_of3A, %add3A_228 : i32
      %dma_start3A_230 = arith.constant 480 : i32
      %dma_start3A_231 = arith.constant 0 : i32
      %dma_start3A_232 = tpu.memref_slice %arg9[%dma_start3A_230, %dma_start3A_231] : memref<800x40xf32, #tpu.memory_space<vmem>> -> memref<80x40xf32, #tpu.memory_space<vmem>>
      %dma_start3A_233 = tpu.memref_slice %arg8[%add3A_229] : memref<20000xi32, #tpu.memory_space<vmem>> -> memref<80xi32, #tpu.memory_space<vmem>>
      %dma_start3A_234 = arith.constant 0 : i32
      %dma_start3A_235 = arith.constant 0 : i32
      %dma_start3A_236 = tpu.memref_slice %arg10[%dma_start3A_234, %dma_start3A_235] : memref<10240x40xf32, #tpu.memory_space<vmem_shared>> -> memref<10240x40xf32, #tpu.memory_space<vmem_shared>>
      tpu.enqueue_indirect_dma source(%dma_start3A_232 : memref<80x40xf32, #tpu.memory_space<vmem>>) target(%dma_start3A_236 : memref<10240x40xf32, #tpu.memory_space<vmem_shared>>) offsets(%dma_start3A_233 : memref<80xi32, #tpu.memory_space<vmem>>) semaphore(%arg11 : memref<!tpu.dma_semaphore, #tpu.memory_space<semaphore_mem>>) {add = true}
      %add3A_237 = arith.constant 560 : i32
      %add3A_238 = arith.addi %multiple_of3A, %add3A_237 : i32
      %dma_start3A_239 = arith.constant 560 : i32
      %dma_start3A_240 = arith.constant 0 : i32
      %dma_start3A_241 = tpu.memref_slice %arg9[%dma_start3A_239, %dma_start3A_240] : memref<800x40xf32, #tpu.memory_space<vmem>> -> memref<80x40xf32, #tpu.memory_space<vmem>>
      %dma_start3A_242 = tpu.memref_slice %arg8[%add3A_238] : memref<20000xi32, #tpu.memory_space<vmem>> -> memref<80xi32, #tpu.memory_space<vmem>>
      %dma_start3A_243 = arith.constant 0 : i32
      %dma_start3A_244 = arith.constant 0 : i32
      %dma_start3A_245 = tpu.memref_slice %arg10[%dma_start3A_243, %dma_start3A_244] : memref<10240x40xf32, #tpu.memory_space<vmem_shared>> -> memref<10240x40xf32, #tpu.memory_space<vmem_shared>>
      tpu.enqueue_indirect_dma source(%dma_start3A_241 : memref<80x40xf32, #tpu.memory_space<vmem>>) target(%dma_start3A_245 : memref<10240x40xf32, #tpu.memory_space<vmem_shared>>) offsets(%dma_start3A_242 : memref<80xi32, #tpu.memory_space<vmem>>) semaphore(%arg11 : memref<!tpu.dma_semaphore, #tpu.memory_space<semaphore_mem>>) {add = true}
      %add3A_246 = arith.constant 640 : i32
      %add3A_247 = arith.addi %multiple_of3A, %add3A_246 : i32
      %dma_start3A_248 = arith.constant 640 : i32
      %dma_start3A_249 = arith.constant 0 : i32
      %dma_start3A_250 = tpu.memref_slice %arg9[%dma_start3A_248, %dma_start3A_249] : memref<800x40xf32, #tpu.memory_space<vmem>> -> memref<80x40xf32, #tpu.memory_space<vmem>>
      %dma_start3A_251 = tpu.memref_slice %arg8[%add3A_247] : memref<20000xi32, #tpu.memory_space<vmem>> -> memref<80xi32, #tpu.memory_space<vmem>>
      %dma_start3A_252 = arith.constant 0 : i32
      %dma_start3A_253 = arith.constant 0 : i32
      %dma_start3A_254 = tpu.memref_slice %arg10[%dma_start3A_252, %dma_start3A_253] : memref<10240x40xf32, #tpu.memory_space<vmem_shared>> -> memref<10240x40xf32, #tpu.memory_space<vmem_shared>>
      tpu.enqueue_indirect_dma source(%dma_start3A_250 : memref<80x40xf32, #tpu.memory_space<vmem>>) target(%dma_start3A_254 : memref<10240x40xf32, #tpu.memory_space<vmem_shared>>) offsets(%dma_start3A_251 : memref<80xi32, #tpu.memory_space<vmem>>) semaphore(%arg11 : memref<!tpu.dma_semaphore, #tpu.memory_space<semaphore_mem>>) {add = true}
      %add3A_255 = arith.constant 720 : i32
      %add3A_256 = arith.addi %multiple_of3A, %add3A_255 : i32
      %dma_start3A_257 = arith.constant 720 : i32
      %dma_start3A_258 = arith.constant 0 : i32
      %dma_start3A_259 = tpu.memref_slice %arg9[%dma_start3A_257, %dma_start3A_258] : memref<800x40xf32, #tpu.memory_space<vmem>> -> memref<80x40xf32, #tpu.memory_space<vmem>>
      %dma_start3A_260 = tpu.memref_slice %arg8[%add3A_256] : memref<20000xi32, #tpu.memory_space<vmem>> -> memref<80xi32, #tpu.memory_space<vmem>>
      %dma_start3A_261 = arith.constant 0 : i32
      %dma_start3A_262 = arith.constant 0 : i32
      %dma_start3A_263 = tpu.memref_slice %arg10[%dma_start3A_261, %dma_start3A_262] : memref<10240x40xf32, #tpu.memory_space<vmem_shared>> -> memref<10240x40xf32, #tpu.memory_space<vmem_shared>>
      tpu.enqueue_indirect_dma source(%dma_start3A_259 : memref<80x40xf32, #tpu.memory_space<vmem>>) target(%dma_start3A_263 : memref<10240x40xf32, #tpu.memory_space<vmem_shared>>) offsets(%dma_start3A_260 : memref<80xi32, #tpu.memory_space<vmem>>) semaphore(%arg11 : memref<!tpu.dma_semaphore, #tpu.memory_space<semaphore_mem>>) {add = true}
      %dma_wait3A_264 = arith.constant 0 : i32
      %dma_wait3A_265 = arith.constant 0 : i32
      %dma_wait3A_266 = tpu.memref_slice %arg9[%dma_wait3A_264, %dma_wait3A_265] : memref<800x40xf32, #tpu.memory_space<vmem>> -> memref<80x40xf32, #tpu.memory_space<vmem>>
      %dma_wait3A_267 = tpu.memref_slice %arg8[%add3A_175] : memref<20000xi32, #tpu.memory_space<vmem>> -> memref<80xi32, #tpu.memory_space<vmem>>
      %dma_wait3A_268 = arith.constant 0 : i32
      %dma_wait3A_269 = arith.constant 0 : i32
      %dma_wait3A_270 = tpu.memref_slice %arg10[%dma_wait3A_268, %dma_wait3A_269] : memref<10240x40xf32, #tpu.memory_space<vmem_shared>> -> memref<10240x40xf32, #tpu.memory_space<vmem_shared>>
      tpu.wait_indirect_dma semaphore(%arg11 : memref<!tpu.dma_semaphore, #tpu.memory_space<semaphore_mem>>) src(%dma_wait3A_266 : memref<80x40xf32, #tpu.memory_space<vmem>>) dst(%dma_wait3A_270 : memref<10240x40xf32, #tpu.memory_space<vmem_shared>>)
      %dma_wait3A_271 = arith.constant 80 : i32
      %dma_wait3A_272 = arith.constant 0 : i32
      %dma_wait3A_273 = tpu.memref_slice %arg9[%dma_wait3A_271, %dma_wait3A_272] : memref<800x40xf32, #tpu.memory_space<vmem>> -> memref<80x40xf32, #tpu.memory_space<vmem>>
      %dma_wait3A_274 = tpu.memref_slice %arg8[%add3A_184] : memref<20000xi32, #tpu.memory_space<vmem>> -> memref<80xi32, #tpu.memory_space<vmem>>
      %dma_wait3A_275 = arith.constant 0 : i32
      %dma_wait3A_276 = arith.constant 0 : i32
      %dma_wait3A_277 = tpu.memref_slice %arg10[%dma_wait3A_275, %dma_wait3A_276] : memref<10240x40xf32, #tpu.memory_space<vmem_shared>> -> memref<10240x40xf32, #tpu.memory_space<vmem_shared>>
      tpu.wait_indirect_dma semaphore(%arg11 : memref<!tpu.dma_semaphore, #tpu.memory_space<semaphore_mem>>) src(%dma_wait3A_273 : memref<80x40xf32, #tpu.memory_space<vmem>>) dst(%dma_wait3A_277 : memref<10240x40xf32, #tpu.memory_space<vmem_shared>>)
      %dma_wait3A_278 = arith.constant 160 : i32
      %dma_wait3A_279 = arith.constant 0 : i32
      %dma_wait3A_280 = tpu.memref_slice %arg9[%dma_wait3A_278, %dma_wait3A_279] : memref<800x40xf32, #tpu.memory_space<vmem>> -> memref<80x40xf32, #tpu.memory_space<vmem>>
      %dma_wait3A_281 = tpu.memref_slice %arg8[%add3A_193] : memref<20000xi32, #tpu.memory_space<vmem>> -> memref<80xi32, #tpu.memory_space<vmem>>
      %dma_wait3A_282 = arith.constant 0 : i32
      %dma_wait3A_283 = arith.constant 0 : i32
      %dma_wait3A_284 = tpu.memref_slice %arg10[%dma_wait3A_282, %dma_wait3A_283] : memref<10240x40xf32, #tpu.memory_space<vmem_shared>> -> memref<10240x40xf32, #tpu.memory_space<vmem_shared>>
      tpu.wait_indirect_dma semaphore(%arg11 : memref<!tpu.dma_semaphore, #tpu.memory_space<semaphore_mem>>) src(%dma_wait3A_280 : memref<80x40xf32, #tpu.memory_space<vmem>>) dst(%dma_wait3A_284 : memref<10240x40xf32, #tpu.memory_space<vmem_shared>>)
      %dma_wait3A_285 = arith.constant 240 : i32
      %dma_wait3A_286 = arith.constant 0 : i32
      %dma_wait3A_287 = tpu.memref_slice %arg9[%dma_wait3A_285, %dma_wait3A_286] : memref<800x40xf32, #tpu.memory_space<vmem>> -> memref<80x40xf32, #tpu.memory_space<vmem>>
      %dma_wait3A_288 = tpu.memref_slice %arg8[%add3A_202] : memref<20000xi32, #tpu.memory_space<vmem>> -> memref<80xi32, #tpu.memory_space<vmem>>
      %dma_wait3A_289 = arith.constant 0 : i32
      %dma_wait3A_290 = arith.constant 0 : i32
      %dma_wait3A_291 = tpu.memref_slice %arg10[%dma_wait3A_289, %dma_wait3A_290] : memref<10240x40xf32, #tpu.memory_space<vmem_shared>> -> memref<10240x40xf32, #tpu.memory_space<vmem_shared>>
      tpu.wait_indirect_dma semaphore(%arg11 : memref<!tpu.dma_semaphore, #tpu.memory_space<semaphore_mem>>) src(%dma_wait3A_287 : memref<80x40xf32, #tpu.memory_space<vmem>>) dst(%dma_wait3A_291 : memref<10240x40xf32, #tpu.memory_space<vmem_shared>>)
      %dma_wait3A_292 = arith.constant 320 : i32
      %dma_wait3A_293 = arith.constant 0 : i32
      %dma_wait3A_294 = tpu.memref_slice %arg9[%dma_wait3A_292, %dma_wait3A_293] : memref<800x40xf32, #tpu.memory_space<vmem>> -> memref<80x40xf32, #tpu.memory_space<vmem>>
      %dma_wait3A_295 = tpu.memref_slice %arg8[%add3A_211] : memref<20000xi32, #tpu.memory_space<vmem>> -> memref<80xi32, #tpu.memory_space<vmem>>
      %dma_wait3A_296 = arith.constant 0 : i32
      %dma_wait3A_297 = arith.constant 0 : i32
      %dma_wait3A_298 = tpu.memref_slice %arg10[%dma_wait3A_296, %dma_wait3A_297] : memref<10240x40xf32, #tpu.memory_space<vmem_shared>> -> memref<10240x40xf32, #tpu.memory_space<vmem_shared>>
      tpu.wait_indirect_dma semaphore(%arg11 : memref<!tpu.dma_semaphore, #tpu.memory_space<semaphore_mem>>) src(%dma_wait3A_294 : memref<80x40xf32, #tpu.memory_space<vmem>>) dst(%dma_wait3A_298 : memref<10240x40xf32, #tpu.memory_space<vmem_shared>>)
      %dma_wait3A_299 = arith.constant 400 : i32
      %dma_wait3A_300 = arith.constant 0 : i32
      %dma_wait3A_301 = tpu.memref_slice %arg9[%dma_wait3A_299, %dma_wait3A_300] : memref<800x40xf32, #tpu.memory_space<vmem>> -> memref<80x40xf32, #tpu.memory_space<vmem>>
      %dma_wait3A_302 = tpu.memref_slice %arg8[%add3A_220] : memref<20000xi32, #tpu.memory_space<vmem>> -> memref<80xi32, #tpu.memory_space<vmem>>
      %dma_wait3A_303 = arith.constant 0 : i32
      %dma_wait3A_304 = arith.constant 0 : i32
      %dma_wait3A_305 = tpu.memref_slice %arg10[%dma_wait3A_303, %dma_wait3A_304] : memref<10240x40xf32, #tpu.memory_space<vmem_shared>> -> memref<10240x40xf32, #tpu.memory_space<vmem_shared>>
      tpu.wait_indirect_dma semaphore(%arg11 : memref<!tpu.dma_semaphore, #tpu.memory_space<semaphore_mem>>) src(%dma_wait3A_301 : memref<80x40xf32, #tpu.memory_space<vmem>>) dst(%dma_wait3A_305 : memref<10240x40xf32, #tpu.memory_space<vmem_shared>>)
      %dma_wait3A_306 = arith.constant 480 : i32
      %dma_wait3A_307 = arith.constant 0 : i32
      %dma_wait3A_308 = tpu.memref_slice %arg9[%dma_wait3A_306, %dma_wait3A_307] : memref<800x40xf32, #tpu.memory_space<vmem>> -> memref<80x40xf32, #tpu.memory_space<vmem>>
      %dma_wait3A_309 = tpu.memref_slice %arg8[%add3A_229] : memref<20000xi32, #tpu.memory_space<vmem>> -> memref<80xi32, #tpu.memory_space<vmem>>
      %dma_wait3A_310 = arith.constant 0 : i32
      %dma_wait3A_311 = arith.constant 0 : i32
      %dma_wait3A_312 = tpu.memref_slice %arg10[%dma_wait3A_310, %dma_wait3A_311] : memref<10240x40xf32, #tpu.memory_space<vmem_shared>> -> memref<10240x40xf32, #tpu.memory_space<vmem_shared>>
      tpu.wait_indirect_dma semaphore(%arg11 : memref<!tpu.dma_semaphore, #tpu.memory_space<semaphore_mem>>) src(%dma_wait3A_308 : memref<80x40xf32, #tpu.memory_space<vmem>>) dst(%dma_wait3A_312 : memref<10240x40xf32, #tpu.memory_space<vmem_shared>>)
      %dma_wait3A_313 = arith.constant 560 : i32
      %dma_wait3A_314 = arith.constant 0 : i32
      %dma_wait3A_315 = tpu.memref_slice %arg9[%dma_wait3A_313, %dma_wait3A_314] : memref<800x40xf32, #tpu.memory_space<vmem>> -> memref<80x40xf32, #tpu.memory_space<vmem>>
      %dma_wait3A_316 = tpu.memref_slice %arg8[%add3A_238] : memref<20000xi32, #tpu.memory_space<vmem>> -> memref<80xi32, #tpu.memory_space<vmem>>
      %dma_wait3A_317 = arith.constant 0 : i32
      %dma_wait3A_318 = arith.constant 0 : i32
      %dma_wait3A_319 = tpu.memref_slice %arg10[%dma_wait3A_317, %dma_wait3A_318] : memref<10240x40xf32, #tpu.memory_space<vmem_shared>> -> memref<10240x40xf32, #tpu.memory_space<vmem_shared>>
      tpu.wait_indirect_dma semaphore(%arg11 : memref<!tpu.dma_semaphore, #tpu.memory_space<semaphore_mem>>) src(%dma_wait3A_315 : memref<80x40xf32, #tpu.memory_space<vmem>>) dst(%dma_wait3A_319 : memref<10240x40xf32, #tpu.memory_space<vmem_shared>>)
      %dma_wait3A_320 = arith.constant 640 : i32
      %dma_wait3A_321 = arith.constant 0 : i32
      %dma_wait3A_322 = tpu.memref_slice %arg9[%dma_wait3A_320, %dma_wait3A_321] : memref<800x40xf32, #tpu.memory_space<vmem>> -> memref<80x40xf32, #tpu.memory_space<vmem>>
      %dma_wait3A_323 = tpu.memref_slice %arg8[%add3A_247] : memref<20000xi32, #tpu.memory_space<vmem>> -> memref<80xi32, #tpu.memory_space<vmem>>
      %dma_wait3A_324 = arith.constant 0 : i32
      %dma_wait3A_325 = arith.constant 0 : i32
      %dma_wait3A_326 = tpu.memref_slice %arg10[%dma_wait3A_324, %dma_wait3A_325] : memref<10240x40xf32, #tpu.memory_space<vmem_shared>> -> memref<10240x40xf32, #tpu.memory_space<vmem_shared>>
      tpu.wait_indirect_dma semaphore(%arg11 : memref<!tpu.dma_semaphore, #tpu.memory_space<semaphore_mem>>) src(%dma_wait3A_322 : memref<80x40xf32, #tpu.memory_space<vmem>>) dst(%dma_wait3A_326 : memref<10240x40xf32, #tpu.memory_space<vmem_shared>>)
      %dma_wait3A_327 = arith.constant 720 : i32
      %dma_wait3A_328 = arith.constant 0 : i32
      %dma_wait3A_329 = tpu.memref_slice %arg9[%dma_wait3A_327, %dma_wait3A_328] : memref<800x40xf32, #tpu.memory_space<vmem>> -> memref<80x40xf32, #tpu.memory_space<vmem>>
      %dma_wait3A_330 = tpu.memref_slice %arg8[%add3A_256] : memref<20000xi32, #tpu.memory_space<vmem>> -> memref<80xi32, #tpu.memory_space<vmem>>
      %dma_wait3A_331 = arith.constant 0 : i32
      %dma_wait3A_332 = arith.constant 0 : i32
      %dma_wait3A_333 = tpu.memref_slice %arg10[%dma_wait3A_331, %dma_wait3A_332] : memref<10240x40xf32, #tpu.memory_space<vmem_shared>> -> memref<10240x40xf32, #tpu.memory_space<vmem_shared>>
      tpu.wait_indirect_dma semaphore(%arg11 : memref<!tpu.dma_semaphore, #tpu.memory_space<semaphore_mem>>) src(%dma_wait3A_329 : memref<80x40xf32, #tpu.memory_space<vmem>>) dst(%dma_wait3A_333 : memref<10240x40xf32, #tpu.memory_space<vmem_shared>>)
    }
    %scan3A_9 = arith.constant 25 : i32
    %barrier3A_10 = arith.constant 0 : index
    tpu.barrier barrier_id(%barrier3A_10)
    %mul3A_11 = arith.constant 640 : i32
    %mul3A_12 = arith.muli %arg1, %mul3A_11 : i32
    "tpu.region"() ({
      %run_scoped3A = tpu.sem_alloc : memref<!tpu.dma_semaphore, #tpu.memory_space<semaphore_mem>>
      %dma_start3A = arith.constant 0 : i32
      %dma_start3A_13 = arith.constant 0 : i32
      %dma_start3A_14 = tpu.memref_slice %arg6[%arg0, %dma_start3A, %dma_start3A_13] : memref<2x10240x40xf32, #tpu.memory_space<hbm>> -> memref<1x10240x40xf32, #tpu.memory_space<hbm>>
      %dma_start3A_15 = tpu.memref_squeeze %dma_start3A_14 : memref<1x10240x40xf32, #tpu.memory_space<hbm>> -> memref<10240x40xf32, #tpu.memory_space<hbm>>
      %dma_start3A_16 = arith.constant 0 : i32
      %dma_start3A_17 = tpu.memref_slice %dma_start3A_15[%mul3A_12, %dma_start3A_16] : memref<10240x40xf32, #tpu.memory_space<hbm>> -> memref<640x40xf32, #tpu.memory_space<hbm>>
      %dma_start3A_18 = arith.constant 0 : i32
      %dma_start3A_19 = tpu.memref_slice %arg10[%mul3A_12, %dma_start3A_18] : memref<10240x40xf32, #tpu.memory_space<vmem_shared>> -> memref<640x40xf32, #tpu.memory_space<vmem_shared>>
      tpu.enqueue_dma source(%dma_start3A_19 : memref<640x40xf32, #tpu.memory_space<vmem_shared>>) target(%dma_start3A_17 : memref<640x40xf32, #tpu.memory_space<hbm>>) target_semaphore(%run_scoped3A : memref<!tpu.dma_semaphore, #tpu.memory_space<semaphore_mem>>)
      %dma_wait3A = arith.constant 0 : i32
      %dma_wait3A_20 = arith.constant 0 : i32
      %dma_wait3A_21 = tpu.memref_slice %arg6[%arg0, %dma_wait3A, %dma_wait3A_20] : memref<2x10240x40xf32, #tpu.memory_space<hbm>> -> memref<1x10240x40xf32, #tpu.memory_space<hbm>>
      %dma_wait3A_22 = tpu.memref_squeeze %dma_wait3A_21 : memref<1x10240x40xf32, #tpu.memory_space<hbm>> -> memref<10240x40xf32, #tpu.memory_space<hbm>>
      %dma_wait3A_23 = arith.constant 0 : i32
      %dma_wait3A_24 = tpu.memref_slice %dma_wait3A_22[%mul3A_12, %dma_wait3A_23] : memref<10240x40xf32, #tpu.memory_space<hbm>> -> memref<640x40xf32, #tpu.memory_space<hbm>>
      %dma_wait3A_25 = arith.constant 0 : i32
      %dma_wait3A_26 = tpu.memref_slice %arg10[%mul3A_12, %dma_wait3A_25] : memref<10240x40xf32, #tpu.memory_space<vmem_shared>> -> memref<640x40xf32, #tpu.memory_space<vmem_shared>>
      tpu.wait_dma2 semaphore(%run_scoped3A : memref<!tpu.dma_semaphore, #tpu.memory_space<semaphore_mem>>) src(%dma_wait3A_26 : memref<640x40xf32, #tpu.memory_space<vmem_shared>>) dst(%dma_wait3A_24 : memref<640x40xf32, #tpu.memory_space<hbm>>)
      tpu.yield
    }) : () -> ()
    return
  }
}

#map = affine_map<(d0, d1) -> (0, 0)>
#map1 = affine_map<(d0, d1) -> (0)>
module attributes {stable_mosaic.version = 14 : i64} {
  func.func @_edge_gather_body(%arg0: i32, %arg1: i32, %arg2: memref<10000x32xf32, #tpu.memory_space<hbm>>, %arg3: memref<10000x32xf32, #tpu.memory_space<hbm>>, %arg4: memref<10000x32xf32, #tpu.memory_space<hbm>>, %arg5: memref<10000x32xf32, #tpu.memory_space<hbm>>, %arg6: memref<10000x32xf32, #tpu.memory_space<hbm>>, %arg7: memref<320000xi32, #tpu.memory_space<hbm>>, %arg8: memref<320000xi32, #tpu.memory_space<hbm>>, %arg9: memref<320000xi32, #tpu.memory_space<hbm>>, %arg10: memref<320000xi32, #tpu.memory_space<hbm>>, %arg11: memref<320000x32xf32, #tpu.memory_space<hbm>>, %arg12: memref<320000x32xf32, #tpu.memory_space<hbm>>, %arg13: memref<320000x32xf32, #tpu.memory_space<hbm>>, %arg14: memref<320000x32xf32, #tpu.memory_space<hbm>>, %arg15: memref<320000x32xf32, #tpu.memory_space<hbm>>, %arg16: memref<10000xi32, #tpu.memory_space<vmem>>, %arg17: memref<10000xi32, #tpu.memory_space<vmem>>, %arg18: memref<10000xi32, #tpu.memory_space<vmem>>, %arg19: memref<10000xi32, #tpu.memory_space<vmem>>, %arg20: memref<400x32xf32, #tpu.memory_space<vmem>>, %arg21: memref<400x32xf32, #tpu.memory_space<vmem>>, %arg22: memref<400x32xf32, #tpu.memory_space<vmem>>, %arg23: memref<400x32xf32, #tpu.memory_space<vmem>>, %arg24: memref<400x32xf32, #tpu.memory_space<vmem>>, %arg25: memref<!tpu.dma_semaphore, #tpu.memory_space<semaphore_mem>>) attributes {dimension_semantics = [#tpu.dimension_semantics<core_parallel>, #tpu.dimension_semantics<subcore_parallel>], iteration_bounds = array<i64: 2, 16>, scalar_prefetch = 0 : i64, scratch_operands = 10 : i64, tpu.core_type = #tpu.core_type<sc_vector_subcore>, window_params = [{transform_indices = #map}, {transform_indices = #map}, {transform_indices = #map}, {transform_indices = #map}, {transform_indices = #map}, {transform_indices = #map1}, {transform_indices = #map1}, {transform_indices = #map1}, {transform_indices = #map1}, {transform_indices = #map}, {transform_indices = #map}, {transform_indices = #map}, {transform_indices = #map}, {transform_indices = #map}]} {
    %mul3A = arith.constant 16 : i32
    %mul3A_0 = arith.muli %arg0, %mul3A : i32
    %add3A = arith.addi %mul3A_0, %arg1 : i32
    %mul3A_1 = arith.constant 10000 : i32
    %mul3A_2 = arith.muli %add3A, %mul3A_1 : i32
    "tpu.region"() ({
      %run_scoped3A = tpu.sem_alloc : memref<!tpu.dma_semaphore, #tpu.memory_space<semaphore_mem>>
      %dma_start3A = tpu.memref_slice %arg7[%mul3A_2] : memref<320000xi32, #tpu.memory_space<hbm>> -> memref<10000xi32, #tpu.memory_space<hbm>>
      %dma_start3A_8 = tpu.memref_slice %arg7[%mul3A_2] : memref<320000xi32, #tpu.memory_space<hbm>> -> memref<10000xi32, #tpu.memory_space<hbm>>
      tpu.enqueue_dma source(%dma_start3A_8 : memref<10000xi32, #tpu.memory_space<hbm>>) target(%arg16 : memref<10000xi32, #tpu.memory_space<vmem>>) target_semaphore(%run_scoped3A : memref<!tpu.dma_semaphore, #tpu.memory_space<semaphore_mem>>)
      %dma_wait3A = tpu.memref_slice %arg7[%mul3A_2] : memref<320000xi32, #tpu.memory_space<hbm>> -> memref<10000xi32, #tpu.memory_space<hbm>>
      %dma_wait3A_9 = tpu.memref_slice %arg7[%mul3A_2] : memref<320000xi32, #tpu.memory_space<hbm>> -> memref<10000xi32, #tpu.memory_space<hbm>>
      tpu.wait_dma2 semaphore(%run_scoped3A : memref<!tpu.dma_semaphore, #tpu.memory_space<semaphore_mem>>) src(%dma_wait3A_9 : memref<10000xi32, #tpu.memory_space<hbm>>) dst(%arg16 : memref<10000xi32, #tpu.memory_space<vmem>>)
      tpu.yield
    }) : () -> ()
    "tpu.region"() ({
      %run_scoped3A = tpu.sem_alloc : memref<!tpu.dma_semaphore, #tpu.memory_space<semaphore_mem>>
      %dma_start3A = tpu.memref_slice %arg8[%mul3A_2] : memref<320000xi32, #tpu.memory_space<hbm>> -> memref<10000xi32, #tpu.memory_space<hbm>>
      %dma_start3A_8 = tpu.memref_slice %arg8[%mul3A_2] : memref<320000xi32, #tpu.memory_space<hbm>> -> memref<10000xi32, #tpu.memory_space<hbm>>
      tpu.enqueue_dma source(%dma_start3A_8 : memref<10000xi32, #tpu.memory_space<hbm>>) target(%arg17 : memref<10000xi32, #tpu.memory_space<vmem>>) target_semaphore(%run_scoped3A : memref<!tpu.dma_semaphore, #tpu.memory_space<semaphore_mem>>)
      %dma_wait3A = tpu.memref_slice %arg8[%mul3A_2] : memref<320000xi32, #tpu.memory_space<hbm>> -> memref<10000xi32, #tpu.memory_space<hbm>>
      %dma_wait3A_9 = tpu.memref_slice %arg8[%mul3A_2] : memref<320000xi32, #tpu.memory_space<hbm>> -> memref<10000xi32, #tpu.memory_space<hbm>>
      tpu.wait_dma2 semaphore(%run_scoped3A : memref<!tpu.dma_semaphore, #tpu.memory_space<semaphore_mem>>) src(%dma_wait3A_9 : memref<10000xi32, #tpu.memory_space<hbm>>) dst(%arg17 : memref<10000xi32, #tpu.memory_space<vmem>>)
      tpu.yield
    }) : () -> ()
    "tpu.region"() ({
      %run_scoped3A = tpu.sem_alloc : memref<!tpu.dma_semaphore, #tpu.memory_space<semaphore_mem>>
      %dma_start3A = tpu.memref_slice %arg9[%mul3A_2] : memref<320000xi32, #tpu.memory_space<hbm>> -> memref<10000xi32, #tpu.memory_space<hbm>>
      %dma_start3A_8 = tpu.memref_slice %arg9[%mul3A_2] : memref<320000xi32, #tpu.memory_space<hbm>> -> memref<10000xi32, #tpu.memory_space<hbm>>
      tpu.enqueue_dma source(%dma_start3A_8 : memref<10000xi32, #tpu.memory_space<hbm>>) target(%arg18 : memref<10000xi32, #tpu.memory_space<vmem>>) target_semaphore(%run_scoped3A : memref<!tpu.dma_semaphore, #tpu.memory_space<semaphore_mem>>)
      %dma_wait3A = tpu.memref_slice %arg9[%mul3A_2] : memref<320000xi32, #tpu.memory_space<hbm>> -> memref<10000xi32, #tpu.memory_space<hbm>>
      %dma_wait3A_9 = tpu.memref_slice %arg9[%mul3A_2] : memref<320000xi32, #tpu.memory_space<hbm>> -> memref<10000xi32, #tpu.memory_space<hbm>>
      tpu.wait_dma2 semaphore(%run_scoped3A : memref<!tpu.dma_semaphore, #tpu.memory_space<semaphore_mem>>) src(%dma_wait3A_9 : memref<10000xi32, #tpu.memory_space<hbm>>) dst(%arg18 : memref<10000xi32, #tpu.memory_space<vmem>>)
      tpu.yield
    }) : () -> ()
    "tpu.region"() ({
      %run_scoped3A = tpu.sem_alloc : memref<!tpu.dma_semaphore, #tpu.memory_space<semaphore_mem>>
      %dma_start3A = tpu.memref_slice %arg10[%mul3A_2] : memref<320000xi32, #tpu.memory_space<hbm>> -> memref<10000xi32, #tpu.memory_space<hbm>>
      %dma_start3A_8 = tpu.memref_slice %arg10[%mul3A_2] : memref<320000xi32, #tpu.memory_space<hbm>> -> memref<10000xi32, #tpu.memory_space<hbm>>
      tpu.enqueue_dma source(%dma_start3A_8 : memref<10000xi32, #tpu.memory_space<hbm>>) target(%arg19 : memref<10000xi32, #tpu.memory_space<vmem>>) target_semaphore(%run_scoped3A : memref<!tpu.dma_semaphore, #tpu.memory_space<semaphore_mem>>)
      %dma_wait3A = tpu.memref_slice %arg10[%mul3A_2] : memref<320000xi32, #tpu.memory_space<hbm>> -> memref<10000xi32, #tpu.memory_space<hbm>>
      %dma_wait3A_9 = tpu.memref_slice %arg10[%mul3A_2] : memref<320000xi32, #tpu.memory_space<hbm>> -> memref<10000xi32, #tpu.memory_space<hbm>>
      tpu.wait_dma2 semaphore(%run_scoped3A : memref<!tpu.dma_semaphore, #tpu.memory_space<semaphore_mem>>) src(%dma_wait3A_9 : memref<10000xi32, #tpu.memory_space<hbm>>) dst(%arg19 : memref<10000xi32, #tpu.memory_space<vmem>>)
      tpu.yield
    }) : () -> ()
    %scan3A = arith.constant 0 : i32
    %scan3A_3 = arith.constant 0 : i32
    %scan3A_4 = arith.constant 25 : i32
    %scan3A_5 = arith.addi %scan3A_3, %scan3A_4 : i32
    %scan3A_6 = arith.constant 1 : i32
    scf.for %scan3A_8 = %scan3A_3 to %scan3A_5 step %scan3A_6  : i32 {
      %mul3A_9 = arith.constant 400 : i32
      %mul3A_10 = arith.muli %scan3A_8, %mul3A_9 : i32
      %multiple_of3A = tpu.assume_multiple %mul3A_10, 8 : i32
      %add3A_11 = arith.constant 0 : i32
      %add3A_12 = arith.addi %multiple_of3A, %add3A_11 : i32
      %dma_start3A = arith.constant 0 : i32
      %dma_start3A_13 = arith.constant 0 : i32
      %dma_start3A_14 = tpu.memref_slice %arg20[%dma_start3A, %dma_start3A_13] : memref<400x32xf32, #tpu.memory_space<vmem>> -> memref<80x32xf32, #tpu.memory_space<vmem>>
      %dma_start3A_15 = tpu.memref_slice %arg17[%add3A_12] : memref<10000xi32, #tpu.memory_space<vmem>> -> memref<80xi32, #tpu.memory_space<vmem>>
      %dma_start3A_16 = arith.constant 0 : i32
      %dma_start3A_17 = arith.constant 0 : i32
      %dma_start3A_18 = tpu.memref_slice %arg2[%dma_start3A_16, %dma_start3A_17] : memref<10000x32xf32, #tpu.memory_space<hbm>> -> memref<10000x32xf32, #tpu.memory_space<hbm>>
      tpu.enqueue_indirect_dma source(%dma_start3A_18 : memref<10000x32xf32, #tpu.memory_space<hbm>>) target(%dma_start3A_14 : memref<80x32xf32, #tpu.memory_space<vmem>>) offsets(%dma_start3A_15 : memref<80xi32, #tpu.memory_space<vmem>>) semaphore(%arg25 : memref<!tpu.dma_semaphore, #tpu.memory_space<semaphore_mem>>)
      %dma_start3A_19 = arith.constant 0 : i32
      %dma_start3A_20 = arith.constant 0 : i32
      %dma_start3A_21 = tpu.memref_slice %arg21[%dma_start3A_19, %dma_start3A_20] : memref<400x32xf32, #tpu.memory_space<vmem>> -> memref<80x32xf32, #tpu.memory_space<vmem>>
      %dma_start3A_22 = tpu.memref_slice %arg16[%add3A_12] : memref<10000xi32, #tpu.memory_space<vmem>> -> memref<80xi32, #tpu.memory_space<vmem>>
      %dma_start3A_23 = arith.constant 0 : i32
      %dma_start3A_24 = arith.constant 0 : i32
      %dma_start3A_25 = tpu.memref_slice %arg3[%dma_start3A_23, %dma_start3A_24] : memref<10000x32xf32, #tpu.memory_space<hbm>> -> memref<10000x32xf32, #tpu.memory_space<hbm>>
      tpu.enqueue_indirect_dma source(%dma_start3A_25 : memref<10000x32xf32, #tpu.memory_space<hbm>>) target(%dma_start3A_21 : memref<80x32xf32, #tpu.memory_space<vmem>>) offsets(%dma_start3A_22 : memref<80xi32, #tpu.memory_space<vmem>>) semaphore(%arg25 : memref<!tpu.dma_semaphore, #tpu.memory_space<semaphore_mem>>)
      %dma_start3A_26 = arith.constant 0 : i32
      %dma_start3A_27 = arith.constant 0 : i32
      %dma_start3A_28 = tpu.memref_slice %arg22[%dma_start3A_26, %dma_start3A_27] : memref<400x32xf32, #tpu.memory_space<vmem>> -> memref<80x32xf32, #tpu.memory_space<vmem>>
      %dma_start3A_29 = tpu.memref_slice %arg16[%add3A_12] : memref<10000xi32, #tpu.memory_space<vmem>> -> memref<80xi32, #tpu.memory_space<vmem>>
      %dma_start3A_30 = arith.constant 0 : i32
      %dma_start3A_31 = arith.constant 0 : i32
      %dma_start3A_32 = tpu.memref_slice %arg4[%dma_start3A_30, %dma_start3A_31] : memref<10000x32xf32, #tpu.memory_space<hbm>> -> memref<10000x32xf32, #tpu.memory_space<hbm>>
      tpu.enqueue_indirect_dma source(%dma_start3A_32 : memref<10000x32xf32, #tpu.memory_space<hbm>>) target(%dma_start3A_28 : memref<80x32xf32, #tpu.memory_space<vmem>>) offsets(%dma_start3A_29 : memref<80xi32, #tpu.memory_space<vmem>>) semaphore(%arg25 : memref<!tpu.dma_semaphore, #tpu.memory_space<semaphore_mem>>)
      %dma_start3A_33 = arith.constant 0 : i32
      %dma_start3A_34 = arith.constant 0 : i32
      %dma_start3A_35 = tpu.memref_slice %arg23[%dma_start3A_33, %dma_start3A_34] : memref<400x32xf32, #tpu.memory_space<vmem>> -> memref<80x32xf32, #tpu.memory_space<vmem>>
      %dma_start3A_36 = tpu.memref_slice %arg18[%add3A_12] : memref<10000xi32, #tpu.memory_space<vmem>> -> memref<80xi32, #tpu.memory_space<vmem>>
      %dma_start3A_37 = arith.constant 0 : i32
      %dma_start3A_38 = arith.constant 0 : i32
      %dma_start3A_39 = tpu.memref_slice %arg5[%dma_start3A_37, %dma_start3A_38] : memref<10000x32xf32, #tpu.memory_space<hbm>> -> memref<10000x32xf32, #tpu.memory_space<hbm>>
      tpu.enqueue_indirect_dma source(%dma_start3A_39 : memref<10000x32xf32, #tpu.memory_space<hbm>>) target(%dma_start3A_35 : memref<80x32xf32, #tpu.memory_space<vmem>>) offsets(%dma_start3A_36 : memref<80xi32, #tpu.memory_space<vmem>>) semaphore(%arg25 : memref<!tpu.dma_semaphore, #tpu.memory_space<semaphore_mem>>)
      %dma_start3A_40 = arith.constant 0 : i32
      %dma_start3A_41 = arith.constant 0 : i32
      %dma_start3A_42 = tpu.memref_slice %arg24[%dma_start3A_40, %dma_start3A_41] : memref<400x32xf32, #tpu.memory_space<vmem>> -> memref<80x32xf32, #tpu.memory_space<vmem>>
      %dma_start3A_43 = tpu.memref_slice %arg19[%add3A_12] : memref<10000xi32, #tpu.memory_space<vmem>> -> memref<80xi32, #tpu.memory_space<vmem>>
      %dma_start3A_44 = arith.constant 0 : i32
      %dma_start3A_45 = arith.constant 0 : i32
      %dma_start3A_46 = tpu.memref_slice %arg6[%dma_start3A_44, %dma_start3A_45] : memref<10000x32xf32, #tpu.memory_space<hbm>> -> memref<10000x32xf32, #tpu.memory_space<hbm>>
      tpu.enqueue_indirect_dma source(%dma_start3A_46 : memref<10000x32xf32, #tpu.memory_space<hbm>>) target(%dma_start3A_42 : memref<80x32xf32, #tpu.memory_space<vmem>>) offsets(%dma_start3A_43 : memref<80xi32, #tpu.memory_space<vmem>>) semaphore(%arg25 : memref<!tpu.dma_semaphore, #tpu.memory_space<semaphore_mem>>)
      %add3A_47 = arith.constant 80 : i32
      %add3A_48 = arith.addi %multiple_of3A, %add3A_47 : i32
      %dma_start3A_49 = arith.constant 80 : i32
      %dma_start3A_50 = arith.constant 0 : i32
      %dma_start3A_51 = tpu.memref_slice %arg20[%dma_start3A_49, %dma_start3A_50] : memref<400x32xf32, #tpu.memory_space<vmem>> -> memref<80x32xf32, #tpu.memory_space<vmem>>
      %dma_start3A_52 = tpu.memref_slice %arg17[%add3A_48] : memref<10000xi32, #tpu.memory_space<vmem>> -> memref<80xi32, #tpu.memory_space<vmem>>
      %dma_start3A_53 = arith.constant 0 : i32
      %dma_start3A_54 = arith.constant 0 : i32
      %dma_start3A_55 = tpu.memref_slice %arg2[%dma_start3A_53, %dma_start3A_54] : memref<10000x32xf32, #tpu.memory_space<hbm>> -> memref<10000x32xf32, #tpu.memory_space<hbm>>
      tpu.enqueue_indirect_dma source(%dma_start3A_55 : memref<10000x32xf32, #tpu.memory_space<hbm>>) target(%dma_start3A_51 : memref<80x32xf32, #tpu.memory_space<vmem>>) offsets(%dma_start3A_52 : memref<80xi32, #tpu.memory_space<vmem>>) semaphore(%arg25 : memref<!tpu.dma_semaphore, #tpu.memory_space<semaphore_mem>>)
      %dma_start3A_56 = arith.constant 80 : i32
      %dma_start3A_57 = arith.constant 0 : i32
      %dma_start3A_58 = tpu.memref_slice %arg21[%dma_start3A_56, %dma_start3A_57] : memref<400x32xf32, #tpu.memory_space<vmem>> -> memref<80x32xf32, #tpu.memory_space<vmem>>
      %dma_start3A_59 = tpu.memref_slice %arg16[%add3A_48] : memref<10000xi32, #tpu.memory_space<vmem>> -> memref<80xi32, #tpu.memory_space<vmem>>
      %dma_start3A_60 = arith.constant 0 : i32
      %dma_start3A_61 = arith.constant 0 : i32
      %dma_start3A_62 = tpu.memref_slice %arg3[%dma_start3A_60, %dma_start3A_61] : memref<10000x32xf32, #tpu.memory_space<hbm>> -> memref<10000x32xf32, #tpu.memory_space<hbm>>
      tpu.enqueue_indirect_dma source(%dma_start3A_62 : memref<10000x32xf32, #tpu.memory_space<hbm>>) target(%dma_start3A_58 : memref<80x32xf32, #tpu.memory_space<vmem>>) offsets(%dma_start3A_59 : memref<80xi32, #tpu.memory_space<vmem>>) semaphore(%arg25 : memref<!tpu.dma_semaphore, #tpu.memory_space<semaphore_mem>>)
      %dma_start3A_63 = arith.constant 80 : i32
      %dma_start3A_64 = arith.constant 0 : i32
      %dma_start3A_65 = tpu.memref_slice %arg22[%dma_start3A_63, %dma_start3A_64] : memref<400x32xf32, #tpu.memory_space<vmem>> -> memref<80x32xf32, #tpu.memory_space<vmem>>
      %dma_start3A_66 = tpu.memref_slice %arg16[%add3A_48] : memref<10000xi32, #tpu.memory_space<vmem>> -> memref<80xi32, #tpu.memory_space<vmem>>
      %dma_start3A_67 = arith.constant 0 : i32
      %dma_start3A_68 = arith.constant 0 : i32
      %dma_start3A_69 = tpu.memref_slice %arg4[%dma_start3A_67, %dma_start3A_68] : memref<10000x32xf32, #tpu.memory_space<hbm>> -> memref<10000x32xf32, #tpu.memory_space<hbm>>
      tpu.enqueue_indirect_dma source(%dma_start3A_69 : memref<10000x32xf32, #tpu.memory_space<hbm>>) target(%dma_start3A_65 : memref<80x32xf32, #tpu.memory_space<vmem>>) offsets(%dma_start3A_66 : memref<80xi32, #tpu.memory_space<vmem>>) semaphore(%arg25 : memref<!tpu.dma_semaphore, #tpu.memory_space<semaphore_mem>>)
      %dma_start3A_70 = arith.constant 80 : i32
      %dma_start3A_71 = arith.constant 0 : i32
      %dma_start3A_72 = tpu.memref_slice %arg23[%dma_start3A_70, %dma_start3A_71] : memref<400x32xf32, #tpu.memory_space<vmem>> -> memref<80x32xf32, #tpu.memory_space<vmem>>
      %dma_start3A_73 = tpu.memref_slice %arg18[%add3A_48] : memref<10000xi32, #tpu.memory_space<vmem>> -> memref<80xi32, #tpu.memory_space<vmem>>
      %dma_start3A_74 = arith.constant 0 : i32
      %dma_start3A_75 = arith.constant 0 : i32
      %dma_start3A_76 = tpu.memref_slice %arg5[%dma_start3A_74, %dma_start3A_75] : memref<10000x32xf32, #tpu.memory_space<hbm>> -> memref<10000x32xf32, #tpu.memory_space<hbm>>
      tpu.enqueue_indirect_dma source(%dma_start3A_76 : memref<10000x32xf32, #tpu.memory_space<hbm>>) target(%dma_start3A_72 : memref<80x32xf32, #tpu.memory_space<vmem>>) offsets(%dma_start3A_73 : memref<80xi32, #tpu.memory_space<vmem>>) semaphore(%arg25 : memref<!tpu.dma_semaphore, #tpu.memory_space<semaphore_mem>>)
      %dma_start3A_77 = arith.constant 80 : i32
      %dma_start3A_78 = arith.constant 0 : i32
      %dma_start3A_79 = tpu.memref_slice %arg24[%dma_start3A_77, %dma_start3A_78] : memref<400x32xf32, #tpu.memory_space<vmem>> -> memref<80x32xf32, #tpu.memory_space<vmem>>
      %dma_start3A_80 = tpu.memref_slice %arg19[%add3A_48] : memref<10000xi32, #tpu.memory_space<vmem>> -> memref<80xi32, #tpu.memory_space<vmem>>
      %dma_start3A_81 = arith.constant 0 : i32
      %dma_start3A_82 = arith.constant 0 : i32
      %dma_start3A_83 = tpu.memref_slice %arg6[%dma_start3A_81, %dma_start3A_82] : memref<10000x32xf32, #tpu.memory_space<hbm>> -> memref<10000x32xf32, #tpu.memory_space<hbm>>
      tpu.enqueue_indirect_dma source(%dma_start3A_83 : memref<10000x32xf32, #tpu.memory_space<hbm>>) target(%dma_start3A_79 : memref<80x32xf32, #tpu.memory_space<vmem>>) offsets(%dma_start3A_80 : memref<80xi32, #tpu.memory_space<vmem>>) semaphore(%arg25 : memref<!tpu.dma_semaphore, #tpu.memory_space<semaphore_mem>>)
      %add3A_84 = arith.constant 160 : i32
      %add3A_85 = arith.addi %multiple_of3A, %add3A_84 : i32
      %dma_start3A_86 = arith.constant 160 : i32
      %dma_start3A_87 = arith.constant 0 : i32
      %dma_start3A_88 = tpu.memref_slice %arg20[%dma_start3A_86, %dma_start3A_87] : memref<400x32xf32, #tpu.memory_space<vmem>> -> memref<80x32xf32, #tpu.memory_space<vmem>>
      %dma_start3A_89 = tpu.memref_slice %arg17[%add3A_85] : memref<10000xi32, #tpu.memory_space<vmem>> -> memref<80xi32, #tpu.memory_space<vmem>>
      %dma_start3A_90 = arith.constant 0 : i32
      %dma_start3A_91 = arith.constant 0 : i32
      %dma_start3A_92 = tpu.memref_slice %arg2[%dma_start3A_90, %dma_start3A_91] : memref<10000x32xf32, #tpu.memory_space<hbm>> -> memref<10000x32xf32, #tpu.memory_space<hbm>>
      tpu.enqueue_indirect_dma source(%dma_start3A_92 : memref<10000x32xf32, #tpu.memory_space<hbm>>) target(%dma_start3A_88 : memref<80x32xf32, #tpu.memory_space<vmem>>) offsets(%dma_start3A_89 : memref<80xi32, #tpu.memory_space<vmem>>) semaphore(%arg25 : memref<!tpu.dma_semaphore, #tpu.memory_space<semaphore_mem>>)
      %dma_start3A_93 = arith.constant 160 : i32
      %dma_start3A_94 = arith.constant 0 : i32
      %dma_start3A_95 = tpu.memref_slice %arg21[%dma_start3A_93, %dma_start3A_94] : memref<400x32xf32, #tpu.memory_space<vmem>> -> memref<80x32xf32, #tpu.memory_space<vmem>>
      %dma_start3A_96 = tpu.memref_slice %arg16[%add3A_85] : memref<10000xi32, #tpu.memory_space<vmem>> -> memref<80xi32, #tpu.memory_space<vmem>>
      %dma_start3A_97 = arith.constant 0 : i32
      %dma_start3A_98 = arith.constant 0 : i32
      %dma_start3A_99 = tpu.memref_slice %arg3[%dma_start3A_97, %dma_start3A_98] : memref<10000x32xf32, #tpu.memory_space<hbm>> -> memref<10000x32xf32, #tpu.memory_space<hbm>>
      tpu.enqueue_indirect_dma source(%dma_start3A_99 : memref<10000x32xf32, #tpu.memory_space<hbm>>) target(%dma_start3A_95 : memref<80x32xf32, #tpu.memory_space<vmem>>) offsets(%dma_start3A_96 : memref<80xi32, #tpu.memory_space<vmem>>) semaphore(%arg25 : memref<!tpu.dma_semaphore, #tpu.memory_space<semaphore_mem>>)
      %dma_start3A_100 = arith.constant 160 : i32
      %dma_start3A_101 = arith.constant 0 : i32
      %dma_start3A_102 = tpu.memref_slice %arg22[%dma_start3A_100, %dma_start3A_101] : memref<400x32xf32, #tpu.memory_space<vmem>> -> memref<80x32xf32, #tpu.memory_space<vmem>>
      %dma_start3A_103 = tpu.memref_slice %arg16[%add3A_85] : memref<10000xi32, #tpu.memory_space<vmem>> -> memref<80xi32, #tpu.memory_space<vmem>>
      %dma_start3A_104 = arith.constant 0 : i32
      %dma_start3A_105 = arith.constant 0 : i32
      %dma_start3A_106 = tpu.memref_slice %arg4[%dma_start3A_104, %dma_start3A_105] : memref<10000x32xf32, #tpu.memory_space<hbm>> -> memref<10000x32xf32, #tpu.memory_space<hbm>>
      tpu.enqueue_indirect_dma source(%dma_start3A_106 : memref<10000x32xf32, #tpu.memory_space<hbm>>) target(%dma_start3A_102 : memref<80x32xf32, #tpu.memory_space<vmem>>) offsets(%dma_start3A_103 : memref<80xi32, #tpu.memory_space<vmem>>) semaphore(%arg25 : memref<!tpu.dma_semaphore, #tpu.memory_space<semaphore_mem>>)
      %dma_start3A_107 = arith.constant 160 : i32
      %dma_start3A_108 = arith.constant 0 : i32
      %dma_start3A_109 = tpu.memref_slice %arg23[%dma_start3A_107, %dma_start3A_108] : memref<400x32xf32, #tpu.memory_space<vmem>> -> memref<80x32xf32, #tpu.memory_space<vmem>>
      %dma_start3A_110 = tpu.memref_slice %arg18[%add3A_85] : memref<10000xi32, #tpu.memory_space<vmem>> -> memref<80xi32, #tpu.memory_space<vmem>>
      %dma_start3A_111 = arith.constant 0 : i32
      %dma_start3A_112 = arith.constant 0 : i32
      %dma_start3A_113 = tpu.memref_slice %arg5[%dma_start3A_111, %dma_start3A_112] : memref<10000x32xf32, #tpu.memory_space<hbm>> -> memref<10000x32xf32, #tpu.memory_space<hbm>>
      tpu.enqueue_indirect_dma source(%dma_start3A_113 : memref<10000x32xf32, #tpu.memory_space<hbm>>) target(%dma_start3A_109 : memref<80x32xf32, #tpu.memory_space<vmem>>) offsets(%dma_start3A_110 : memref<80xi32, #tpu.memory_space<vmem>>) semaphore(%arg25 : memref<!tpu.dma_semaphore, #tpu.memory_space<semaphore_mem>>)
      %dma_start3A_114 = arith.constant 160 : i32
      %dma_start3A_115 = arith.constant 0 : i32
      %dma_start3A_116 = tpu.memref_slice %arg24[%dma_start3A_114, %dma_start3A_115] : memref<400x32xf32, #tpu.memory_space<vmem>> -> memref<80x32xf32, #tpu.memory_space<vmem>>
      %dma_start3A_117 = tpu.memref_slice %arg19[%add3A_85] : memref<10000xi32, #tpu.memory_space<vmem>> -> memref<80xi32, #tpu.memory_space<vmem>>
      %dma_start3A_118 = arith.constant 0 : i32
      %dma_start3A_119 = arith.constant 0 : i32
      %dma_start3A_120 = tpu.memref_slice %arg6[%dma_start3A_118, %dma_start3A_119] : memref<10000x32xf32, #tpu.memory_space<hbm>> -> memref<10000x32xf32, #tpu.memory_space<hbm>>
      tpu.enqueue_indirect_dma source(%dma_start3A_120 : memref<10000x32xf32, #tpu.memory_space<hbm>>) target(%dma_start3A_116 : memref<80x32xf32, #tpu.memory_space<vmem>>) offsets(%dma_start3A_117 : memref<80xi32, #tpu.memory_space<vmem>>) semaphore(%arg25 : memref<!tpu.dma_semaphore, #tpu.memory_space<semaphore_mem>>)
      %add3A_121 = arith.constant 240 : i32
      %add3A_122 = arith.addi %multiple_of3A, %add3A_121 : i32
      %dma_start3A_123 = arith.constant 240 : i32
      %dma_start3A_124 = arith.constant 0 : i32
      %dma_start3A_125 = tpu.memref_slice %arg20[%dma_start3A_123, %dma_start3A_124] : memref<400x32xf32, #tpu.memory_space<vmem>> -> memref<80x32xf32, #tpu.memory_space<vmem>>
      %dma_start3A_126 = tpu.memref_slice %arg17[%add3A_122] : memref<10000xi32, #tpu.memory_space<vmem>> -> memref<80xi32, #tpu.memory_space<vmem>>
      %dma_start3A_127 = arith.constant 0 : i32
      %dma_start3A_128 = arith.constant 0 : i32
      %dma_start3A_129 = tpu.memref_slice %arg2[%dma_start3A_127, %dma_start3A_128] : memref<10000x32xf32, #tpu.memory_space<hbm>> -> memref<10000x32xf32, #tpu.memory_space<hbm>>
      tpu.enqueue_indirect_dma source(%dma_start3A_129 : memref<10000x32xf32, #tpu.memory_space<hbm>>) target(%dma_start3A_125 : memref<80x32xf32, #tpu.memory_space<vmem>>) offsets(%dma_start3A_126 : memref<80xi32, #tpu.memory_space<vmem>>) semaphore(%arg25 : memref<!tpu.dma_semaphore, #tpu.memory_space<semaphore_mem>>)
      %dma_start3A_130 = arith.constant 240 : i32
      %dma_start3A_131 = arith.constant 0 : i32
      %dma_start3A_132 = tpu.memref_slice %arg21[%dma_start3A_130, %dma_start3A_131] : memref<400x32xf32, #tpu.memory_space<vmem>> -> memref<80x32xf32, #tpu.memory_space<vmem>>
      %dma_start3A_133 = tpu.memref_slice %arg16[%add3A_122] : memref<10000xi32, #tpu.memory_space<vmem>> -> memref<80xi32, #tpu.memory_space<vmem>>
      %dma_start3A_134 = arith.constant 0 : i32
      %dma_start3A_135 = arith.constant 0 : i32
      %dma_start3A_136 = tpu.memref_slice %arg3[%dma_start3A_134, %dma_start3A_135] : memref<10000x32xf32, #tpu.memory_space<hbm>> -> memref<10000x32xf32, #tpu.memory_space<hbm>>
      tpu.enqueue_indirect_dma source(%dma_start3A_136 : memref<10000x32xf32, #tpu.memory_space<hbm>>) target(%dma_start3A_132 : memref<80x32xf32, #tpu.memory_space<vmem>>) offsets(%dma_start3A_133 : memref<80xi32, #tpu.memory_space<vmem>>) semaphore(%arg25 : memref<!tpu.dma_semaphore, #tpu.memory_space<semaphore_mem>>)
      %dma_start3A_137 = arith.constant 240 : i32
      %dma_start3A_138 = arith.constant 0 : i32
      %dma_start3A_139 = tpu.memref_slice %arg22[%dma_start3A_137, %dma_start3A_138] : memref<400x32xf32, #tpu.memory_space<vmem>> -> memref<80x32xf32, #tpu.memory_space<vmem>>
      %dma_start3A_140 = tpu.memref_slice %arg16[%add3A_122] : memref<10000xi32, #tpu.memory_space<vmem>> -> memref<80xi32, #tpu.memory_space<vmem>>
      %dma_start3A_141 = arith.constant 0 : i32
      %dma_start3A_142 = arith.constant 0 : i32
      %dma_start3A_143 = tpu.memref_slice %arg4[%dma_start3A_141, %dma_start3A_142] : memref<10000x32xf32, #tpu.memory_space<hbm>> -> memref<10000x32xf32, #tpu.memory_space<hbm>>
      tpu.enqueue_indirect_dma source(%dma_start3A_143 : memref<10000x32xf32, #tpu.memory_space<hbm>>) target(%dma_start3A_139 : memref<80x32xf32, #tpu.memory_space<vmem>>) offsets(%dma_start3A_140 : memref<80xi32, #tpu.memory_space<vmem>>) semaphore(%arg25 : memref<!tpu.dma_semaphore, #tpu.memory_space<semaphore_mem>>)
      %dma_start3A_144 = arith.constant 240 : i32
      %dma_start3A_145 = arith.constant 0 : i32
      %dma_start3A_146 = tpu.memref_slice %arg23[%dma_start3A_144, %dma_start3A_145] : memref<400x32xf32, #tpu.memory_space<vmem>> -> memref<80x32xf32, #tpu.memory_space<vmem>>
      %dma_start3A_147 = tpu.memref_slice %arg18[%add3A_122] : memref<10000xi32, #tpu.memory_space<vmem>> -> memref<80xi32, #tpu.memory_space<vmem>>
      %dma_start3A_148 = arith.constant 0 : i32
      %dma_start3A_149 = arith.constant 0 : i32
      %dma_start3A_150 = tpu.memref_slice %arg5[%dma_start3A_148, %dma_start3A_149] : memref<10000x32xf32, #tpu.memory_space<hbm>> -> memref<10000x32xf32, #tpu.memory_space<hbm>>
      tpu.enqueue_indirect_dma source(%dma_start3A_150 : memref<10000x32xf32, #tpu.memory_space<hbm>>) target(%dma_start3A_146 : memref<80x32xf32, #tpu.memory_space<vmem>>) offsets(%dma_start3A_147 : memref<80xi32, #tpu.memory_space<vmem>>) semaphore(%arg25 : memref<!tpu.dma_semaphore, #tpu.memory_space<semaphore_mem>>)
      %dma_start3A_151 = arith.constant 240 : i32
      %dma_start3A_152 = arith.constant 0 : i32
      %dma_start3A_153 = tpu.memref_slice %arg24[%dma_start3A_151, %dma_start3A_152] : memref<400x32xf32, #tpu.memory_space<vmem>> -> memref<80x32xf32, #tpu.memory_space<vmem>>
      %dma_start3A_154 = tpu.memref_slice %arg19[%add3A_122] : memref<10000xi32, #tpu.memory_space<vmem>> -> memref<80xi32, #tpu.memory_space<vmem>>
      %dma_start3A_155 = arith.constant 0 : i32
      %dma_start3A_156 = arith.constant 0 : i32
      %dma_start3A_157 = tpu.memref_slice %arg6[%dma_start3A_155, %dma_start3A_156] : memref<10000x32xf32, #tpu.memory_space<hbm>> -> memref<10000x32xf32, #tpu.memory_space<hbm>>
      tpu.enqueue_indirect_dma source(%dma_start3A_157 : memref<10000x32xf32, #tpu.memory_space<hbm>>) target(%dma_start3A_153 : memref<80x32xf32, #tpu.memory_space<vmem>>) offsets(%dma_start3A_154 : memref<80xi32, #tpu.memory_space<vmem>>) semaphore(%arg25 : memref<!tpu.dma_semaphore, #tpu.memory_space<semaphore_mem>>)
      %add3A_158 = arith.constant 320 : i32
      %add3A_159 = arith.addi %multiple_of3A, %add3A_158 : i32
      %dma_start3A_160 = arith.constant 320 : i32
      %dma_start3A_161 = arith.constant 0 : i32
      %dma_start3A_162 = tpu.memref_slice %arg20[%dma_start3A_160, %dma_start3A_161] : memref<400x32xf32, #tpu.memory_space<vmem>> -> memref<80x32xf32, #tpu.memory_space<vmem>>
      %dma_start3A_163 = tpu.memref_slice %arg17[%add3A_159] : memref<10000xi32, #tpu.memory_space<vmem>> -> memref<80xi32, #tpu.memory_space<vmem>>
      %dma_start3A_164 = arith.constant 0 : i32
      %dma_start3A_165 = arith.constant 0 : i32
      %dma_start3A_166 = tpu.memref_slice %arg2[%dma_start3A_164, %dma_start3A_165] : memref<10000x32xf32, #tpu.memory_space<hbm>> -> memref<10000x32xf32, #tpu.memory_space<hbm>>
      tpu.enqueue_indirect_dma source(%dma_start3A_166 : memref<10000x32xf32, #tpu.memory_space<hbm>>) target(%dma_start3A_162 : memref<80x32xf32, #tpu.memory_space<vmem>>) offsets(%dma_start3A_163 : memref<80xi32, #tpu.memory_space<vmem>>) semaphore(%arg25 : memref<!tpu.dma_semaphore, #tpu.memory_space<semaphore_mem>>)
      %dma_start3A_167 = arith.constant 320 : i32
      %dma_start3A_168 = arith.constant 0 : i32
      %dma_start3A_169 = tpu.memref_slice %arg21[%dma_start3A_167, %dma_start3A_168] : memref<400x32xf32, #tpu.memory_space<vmem>> -> memref<80x32xf32, #tpu.memory_space<vmem>>
      %dma_start3A_170 = tpu.memref_slice %arg16[%add3A_159] : memref<10000xi32, #tpu.memory_space<vmem>> -> memref<80xi32, #tpu.memory_space<vmem>>
      %dma_start3A_171 = arith.constant 0 : i32
      %dma_start3A_172 = arith.constant 0 : i32
      %dma_start3A_173 = tpu.memref_slice %arg3[%dma_start3A_171, %dma_start3A_172] : memref<10000x32xf32, #tpu.memory_space<hbm>> -> memref<10000x32xf32, #tpu.memory_space<hbm>>
      tpu.enqueue_indirect_dma source(%dma_start3A_173 : memref<10000x32xf32, #tpu.memory_space<hbm>>) target(%dma_start3A_169 : memref<80x32xf32, #tpu.memory_space<vmem>>) offsets(%dma_start3A_170 : memref<80xi32, #tpu.memory_space<vmem>>) semaphore(%arg25 : memref<!tpu.dma_semaphore, #tpu.memory_space<semaphore_mem>>)
      %dma_start3A_174 = arith.constant 320 : i32
      %dma_start3A_175 = arith.constant 0 : i32
      %dma_start3A_176 = tpu.memref_slice %arg22[%dma_start3A_174, %dma_start3A_175] : memref<400x32xf32, #tpu.memory_space<vmem>> -> memref<80x32xf32, #tpu.memory_space<vmem>>
      %dma_start3A_177 = tpu.memref_slice %arg16[%add3A_159] : memref<10000xi32, #tpu.memory_space<vmem>> -> memref<80xi32, #tpu.memory_space<vmem>>
      %dma_start3A_178 = arith.constant 0 : i32
      %dma_start3A_179 = arith.constant 0 : i32
      %dma_start3A_180 = tpu.memref_slice %arg4[%dma_start3A_178, %dma_start3A_179] : memref<10000x32xf32, #tpu.memory_space<hbm>> -> memref<10000x32xf32, #tpu.memory_space<hbm>>
      tpu.enqueue_indirect_dma source(%dma_start3A_180 : memref<10000x32xf32, #tpu.memory_space<hbm>>) target(%dma_start3A_176 : memref<80x32xf32, #tpu.memory_space<vmem>>) offsets(%dma_start3A_177 : memref<80xi32, #tpu.memory_space<vmem>>) semaphore(%arg25 : memref<!tpu.dma_semaphore, #tpu.memory_space<semaphore_mem>>)
      %dma_start3A_181 = arith.constant 320 : i32
      %dma_start3A_182 = arith.constant 0 : i32
      %dma_start3A_183 = tpu.memref_slice %arg23[%dma_start3A_181, %dma_start3A_182] : memref<400x32xf32, #tpu.memory_space<vmem>> -> memref<80x32xf32, #tpu.memory_space<vmem>>
      %dma_start3A_184 = tpu.memref_slice %arg18[%add3A_159] : memref<10000xi32, #tpu.memory_space<vmem>> -> memref<80xi32, #tpu.memory_space<vmem>>
      %dma_start3A_185 = arith.constant 0 : i32
      %dma_start3A_186 = arith.constant 0 : i32
      %dma_start3A_187 = tpu.memref_slice %arg5[%dma_start3A_185, %dma_start3A_186] : memref<10000x32xf32, #tpu.memory_space<hbm>> -> memref<10000x32xf32, #tpu.memory_space<hbm>>
      tpu.enqueue_indirect_dma source(%dma_start3A_187 : memref<10000x32xf32, #tpu.memory_space<hbm>>) target(%dma_start3A_183 : memref<80x32xf32, #tpu.memory_space<vmem>>) offsets(%dma_start3A_184 : memref<80xi32, #tpu.memory_space<vmem>>) semaphore(%arg25 : memref<!tpu.dma_semaphore, #tpu.memory_space<semaphore_mem>>)
      %dma_start3A_188 = arith.constant 320 : i32
      %dma_start3A_189 = arith.constant 0 : i32
      %dma_start3A_190 = tpu.memref_slice %arg24[%dma_start3A_188, %dma_start3A_189] : memref<400x32xf32, #tpu.memory_space<vmem>> -> memref<80x32xf32, #tpu.memory_space<vmem>>
      %dma_start3A_191 = tpu.memref_slice %arg19[%add3A_159] : memref<10000xi32, #tpu.memory_space<vmem>> -> memref<80xi32, #tpu.memory_space<vmem>>
      %dma_start3A_192 = arith.constant 0 : i32
      %dma_start3A_193 = arith.constant 0 : i32
      %dma_start3A_194 = tpu.memref_slice %arg6[%dma_start3A_192, %dma_start3A_193] : memref<10000x32xf32, #tpu.memory_space<hbm>> -> memref<10000x32xf32, #tpu.memory_space<hbm>>
      tpu.enqueue_indirect_dma source(%dma_start3A_194 : memref<10000x32xf32, #tpu.memory_space<hbm>>) target(%dma_start3A_190 : memref<80x32xf32, #tpu.memory_space<vmem>>) offsets(%dma_start3A_191 : memref<80xi32, #tpu.memory_space<vmem>>) semaphore(%arg25 : memref<!tpu.dma_semaphore, #tpu.memory_space<semaphore_mem>>)
      %dma_wait3A = arith.constant 0 : i32
      %dma_wait3A_195 = arith.constant 0 : i32
      %dma_wait3A_196 = tpu.memref_slice %arg20[%dma_wait3A, %dma_wait3A_195] : memref<400x32xf32, #tpu.memory_space<vmem>> -> memref<80x32xf32, #tpu.memory_space<vmem>>
      %dma_wait3A_197 = tpu.memref_slice %arg17[%add3A_12] : memref<10000xi32, #tpu.memory_space<vmem>> -> memref<80xi32, #tpu.memory_space<vmem>>
      %dma_wait3A_198 = arith.constant 0 : i32
      %dma_wait3A_199 = arith.constant 0 : i32
      %dma_wait3A_200 = tpu.memref_slice %arg2[%dma_wait3A_198, %dma_wait3A_199] : memref<10000x32xf32, #tpu.memory_space<hbm>> -> memref<10000x32xf32, #tpu.memory_space<hbm>>
      tpu.wait_indirect_dma semaphore(%arg25 : memref<!tpu.dma_semaphore, #tpu.memory_space<semaphore_mem>>) src(%dma_wait3A_200 : memref<10000x32xf32, #tpu.memory_space<hbm>>) dst(%dma_wait3A_196 : memref<80x32xf32, #tpu.memory_space<vmem>>)
      %dma_wait3A_201 = arith.constant 0 : i32
      %dma_wait3A_202 = arith.constant 0 : i32
      %dma_wait3A_203 = tpu.memref_slice %arg21[%dma_wait3A_201, %dma_wait3A_202] : memref<400x32xf32, #tpu.memory_space<vmem>> -> memref<80x32xf32, #tpu.memory_space<vmem>>
      %dma_wait3A_204 = tpu.memref_slice %arg16[%add3A_12] : memref<10000xi32, #tpu.memory_space<vmem>> -> memref<80xi32, #tpu.memory_space<vmem>>
      %dma_wait3A_205 = arith.constant 0 : i32
      %dma_wait3A_206 = arith.constant 0 : i32
      %dma_wait3A_207 = tpu.memref_slice %arg3[%dma_wait3A_205, %dma_wait3A_206] : memref<10000x32xf32, #tpu.memory_space<hbm>> -> memref<10000x32xf32, #tpu.memory_space<hbm>>
      tpu.wait_indirect_dma semaphore(%arg25 : memref<!tpu.dma_semaphore, #tpu.memory_space<semaphore_mem>>) src(%dma_wait3A_207 : memref<10000x32xf32, #tpu.memory_space<hbm>>) dst(%dma_wait3A_203 : memref<80x32xf32, #tpu.memory_space<vmem>>)
      %dma_wait3A_208 = arith.constant 0 : i32
      %dma_wait3A_209 = arith.constant 0 : i32
      %dma_wait3A_210 = tpu.memref_slice %arg22[%dma_wait3A_208, %dma_wait3A_209] : memref<400x32xf32, #tpu.memory_space<vmem>> -> memref<80x32xf32, #tpu.memory_space<vmem>>
      %dma_wait3A_211 = tpu.memref_slice %arg16[%add3A_12] : memref<10000xi32, #tpu.memory_space<vmem>> -> memref<80xi32, #tpu.memory_space<vmem>>
      %dma_wait3A_212 = arith.constant 0 : i32
      %dma_wait3A_213 = arith.constant 0 : i32
      %dma_wait3A_214 = tpu.memref_slice %arg4[%dma_wait3A_212, %dma_wait3A_213] : memref<10000x32xf32, #tpu.memory_space<hbm>> -> memref<10000x32xf32, #tpu.memory_space<hbm>>
      tpu.wait_indirect_dma semaphore(%arg25 : memref<!tpu.dma_semaphore, #tpu.memory_space<semaphore_mem>>) src(%dma_wait3A_214 : memref<10000x32xf32, #tpu.memory_space<hbm>>) dst(%dma_wait3A_210 : memref<80x32xf32, #tpu.memory_space<vmem>>)
      %dma_wait3A_215 = arith.constant 0 : i32
      %dma_wait3A_216 = arith.constant 0 : i32
      %dma_wait3A_217 = tpu.memref_slice %arg23[%dma_wait3A_215, %dma_wait3A_216] : memref<400x32xf32, #tpu.memory_space<vmem>> -> memref<80x32xf32, #tpu.memory_space<vmem>>
      %dma_wait3A_218 = tpu.memref_slice %arg18[%add3A_12] : memref<10000xi32, #tpu.memory_space<vmem>> -> memref<80xi32, #tpu.memory_space<vmem>>
      %dma_wait3A_219 = arith.constant 0 : i32
      %dma_wait3A_220 = arith.constant 0 : i32
      %dma_wait3A_221 = tpu.memref_slice %arg5[%dma_wait3A_219, %dma_wait3A_220] : memref<10000x32xf32, #tpu.memory_space<hbm>> -> memref<10000x32xf32, #tpu.memory_space<hbm>>
      tpu.wait_indirect_dma semaphore(%arg25 : memref<!tpu.dma_semaphore, #tpu.memory_space<semaphore_mem>>) src(%dma_wait3A_221 : memref<10000x32xf32, #tpu.memory_space<hbm>>) dst(%dma_wait3A_217 : memref<80x32xf32, #tpu.memory_space<vmem>>)
      %dma_wait3A_222 = arith.constant 0 : i32
      %dma_wait3A_223 = arith.constant 0 : i32
      %dma_wait3A_224 = tpu.memref_slice %arg24[%dma_wait3A_222, %dma_wait3A_223] : memref<400x32xf32, #tpu.memory_space<vmem>> -> memref<80x32xf32, #tpu.memory_space<vmem>>
      %dma_wait3A_225 = tpu.memref_slice %arg19[%add3A_12] : memref<10000xi32, #tpu.memory_space<vmem>> -> memref<80xi32, #tpu.memory_space<vmem>>
      %dma_wait3A_226 = arith.constant 0 : i32
      %dma_wait3A_227 = arith.constant 0 : i32
      %dma_wait3A_228 = tpu.memref_slice %arg6[%dma_wait3A_226, %dma_wait3A_227] : memref<10000x32xf32, #tpu.memory_space<hbm>> -> memref<10000x32xf32, #tpu.memory_space<hbm>>
      tpu.wait_indirect_dma semaphore(%arg25 : memref<!tpu.dma_semaphore, #tpu.memory_space<semaphore_mem>>) src(%dma_wait3A_228 : memref<10000x32xf32, #tpu.memory_space<hbm>>) dst(%dma_wait3A_224 : memref<80x32xf32, #tpu.memory_space<vmem>>)
      %dma_wait3A_229 = arith.constant 80 : i32
      %dma_wait3A_230 = arith.constant 0 : i32
      %dma_wait3A_231 = tpu.memref_slice %arg20[%dma_wait3A_229, %dma_wait3A_230] : memref<400x32xf32, #tpu.memory_space<vmem>> -> memref<80x32xf32, #tpu.memory_space<vmem>>
      %dma_wait3A_232 = tpu.memref_slice %arg17[%add3A_48] : memref<10000xi32, #tpu.memory_space<vmem>> -> memref<80xi32, #tpu.memory_space<vmem>>
      %dma_wait3A_233 = arith.constant 0 : i32
      %dma_wait3A_234 = arith.constant 0 : i32
      %dma_wait3A_235 = tpu.memref_slice %arg2[%dma_wait3A_233, %dma_wait3A_234] : memref<10000x32xf32, #tpu.memory_space<hbm>> -> memref<10000x32xf32, #tpu.memory_space<hbm>>
      tpu.wait_indirect_dma semaphore(%arg25 : memref<!tpu.dma_semaphore, #tpu.memory_space<semaphore_mem>>) src(%dma_wait3A_235 : memref<10000x32xf32, #tpu.memory_space<hbm>>) dst(%dma_wait3A_231 : memref<80x32xf32, #tpu.memory_space<vmem>>)
      %dma_wait3A_236 = arith.constant 80 : i32
      %dma_wait3A_237 = arith.constant 0 : i32
      %dma_wait3A_238 = tpu.memref_slice %arg21[%dma_wait3A_236, %dma_wait3A_237] : memref<400x32xf32, #tpu.memory_space<vmem>> -> memref<80x32xf32, #tpu.memory_space<vmem>>
      %dma_wait3A_239 = tpu.memref_slice %arg16[%add3A_48] : memref<10000xi32, #tpu.memory_space<vmem>> -> memref<80xi32, #tpu.memory_space<vmem>>
      %dma_wait3A_240 = arith.constant 0 : i32
      %dma_wait3A_241 = arith.constant 0 : i32
      %dma_wait3A_242 = tpu.memref_slice %arg3[%dma_wait3A_240, %dma_wait3A_241] : memref<10000x32xf32, #tpu.memory_space<hbm>> -> memref<10000x32xf32, #tpu.memory_space<hbm>>
      tpu.wait_indirect_dma semaphore(%arg25 : memref<!tpu.dma_semaphore, #tpu.memory_space<semaphore_mem>>) src(%dma_wait3A_242 : memref<10000x32xf32, #tpu.memory_space<hbm>>) dst(%dma_wait3A_238 : memref<80x32xf32, #tpu.memory_space<vmem>>)
      %dma_wait3A_243 = arith.constant 80 : i32
      %dma_wait3A_244 = arith.constant 0 : i32
      %dma_wait3A_245 = tpu.memref_slice %arg22[%dma_wait3A_243, %dma_wait3A_244] : memref<400x32xf32, #tpu.memory_space<vmem>> -> memref<80x32xf32, #tpu.memory_space<vmem>>
      %dma_wait3A_246 = tpu.memref_slice %arg16[%add3A_48] : memref<10000xi32, #tpu.memory_space<vmem>> -> memref<80xi32, #tpu.memory_space<vmem>>
      %dma_wait3A_247 = arith.constant 0 : i32
      %dma_wait3A_248 = arith.constant 0 : i32
      %dma_wait3A_249 = tpu.memref_slice %arg4[%dma_wait3A_247, %dma_wait3A_248] : memref<10000x32xf32, #tpu.memory_space<hbm>> -> memref<10000x32xf32, #tpu.memory_space<hbm>>
      tpu.wait_indirect_dma semaphore(%arg25 : memref<!tpu.dma_semaphore, #tpu.memory_space<semaphore_mem>>) src(%dma_wait3A_249 : memref<10000x32xf32, #tpu.memory_space<hbm>>) dst(%dma_wait3A_245 : memref<80x32xf32, #tpu.memory_space<vmem>>)
      %dma_wait3A_250 = arith.constant 80 : i32
      %dma_wait3A_251 = arith.constant 0 : i32
      %dma_wait3A_252 = tpu.memref_slice %arg23[%dma_wait3A_250, %dma_wait3A_251] : memref<400x32xf32, #tpu.memory_space<vmem>> -> memref<80x32xf32, #tpu.memory_space<vmem>>
      %dma_wait3A_253 = tpu.memref_slice %arg18[%add3A_48] : memref<10000xi32, #tpu.memory_space<vmem>> -> memref<80xi32, #tpu.memory_space<vmem>>
      %dma_wait3A_254 = arith.constant 0 : i32
      %dma_wait3A_255 = arith.constant 0 : i32
      %dma_wait3A_256 = tpu.memref_slice %arg5[%dma_wait3A_254, %dma_wait3A_255] : memref<10000x32xf32, #tpu.memory_space<hbm>> -> memref<10000x32xf32, #tpu.memory_space<hbm>>
      tpu.wait_indirect_dma semaphore(%arg25 : memref<!tpu.dma_semaphore, #tpu.memory_space<semaphore_mem>>) src(%dma_wait3A_256 : memref<10000x32xf32, #tpu.memory_space<hbm>>) dst(%dma_wait3A_252 : memref<80x32xf32, #tpu.memory_space<vmem>>)
      %dma_wait3A_257 = arith.constant 80 : i32
      %dma_wait3A_258 = arith.constant 0 : i32
      %dma_wait3A_259 = tpu.memref_slice %arg24[%dma_wait3A_257, %dma_wait3A_258] : memref<400x32xf32, #tpu.memory_space<vmem>> -> memref<80x32xf32, #tpu.memory_space<vmem>>
      %dma_wait3A_260 = tpu.memref_slice %arg19[%add3A_48] : memref<10000xi32, #tpu.memory_space<vmem>> -> memref<80xi32, #tpu.memory_space<vmem>>
      %dma_wait3A_261 = arith.constant 0 : i32
      %dma_wait3A_262 = arith.constant 0 : i32
      %dma_wait3A_263 = tpu.memref_slice %arg6[%dma_wait3A_261, %dma_wait3A_262] : memref<10000x32xf32, #tpu.memory_space<hbm>> -> memref<10000x32xf32, #tpu.memory_space<hbm>>
      tpu.wait_indirect_dma semaphore(%arg25 : memref<!tpu.dma_semaphore, #tpu.memory_space<semaphore_mem>>) src(%dma_wait3A_263 : memref<10000x32xf32, #tpu.memory_space<hbm>>) dst(%dma_wait3A_259 : memref<80x32xf32, #tpu.memory_space<vmem>>)
      %dma_wait3A_264 = arith.constant 160 : i32
      %dma_wait3A_265 = arith.constant 0 : i32
      %dma_wait3A_266 = tpu.memref_slice %arg20[%dma_wait3A_264, %dma_wait3A_265] : memref<400x32xf32, #tpu.memory_space<vmem>> -> memref<80x32xf32, #tpu.memory_space<vmem>>
      %dma_wait3A_267 = tpu.memref_slice %arg17[%add3A_85] : memref<10000xi32, #tpu.memory_space<vmem>> -> memref<80xi32, #tpu.memory_space<vmem>>
      %dma_wait3A_268 = arith.constant 0 : i32
      %dma_wait3A_269 = arith.constant 0 : i32
      %dma_wait3A_270 = tpu.memref_slice %arg2[%dma_wait3A_268, %dma_wait3A_269] : memref<10000x32xf32, #tpu.memory_space<hbm>> -> memref<10000x32xf32, #tpu.memory_space<hbm>>
      tpu.wait_indirect_dma semaphore(%arg25 : memref<!tpu.dma_semaphore, #tpu.memory_space<semaphore_mem>>) src(%dma_wait3A_270 : memref<10000x32xf32, #tpu.memory_space<hbm>>) dst(%dma_wait3A_266 : memref<80x32xf32, #tpu.memory_space<vmem>>)
      %dma_wait3A_271 = arith.constant 160 : i32
      %dma_wait3A_272 = arith.constant 0 : i32
      %dma_wait3A_273 = tpu.memref_slice %arg21[%dma_wait3A_271, %dma_wait3A_272] : memref<400x32xf32, #tpu.memory_space<vmem>> -> memref<80x32xf32, #tpu.memory_space<vmem>>
      %dma_wait3A_274 = tpu.memref_slice %arg16[%add3A_85] : memref<10000xi32, #tpu.memory_space<vmem>> -> memref<80xi32, #tpu.memory_space<vmem>>
      %dma_wait3A_275 = arith.constant 0 : i32
      %dma_wait3A_276 = arith.constant 0 : i32
      %dma_wait3A_277 = tpu.memref_slice %arg3[%dma_wait3A_275, %dma_wait3A_276] : memref<10000x32xf32, #tpu.memory_space<hbm>> -> memref<10000x32xf32, #tpu.memory_space<hbm>>
      tpu.wait_indirect_dma semaphore(%arg25 : memref<!tpu.dma_semaphore, #tpu.memory_space<semaphore_mem>>) src(%dma_wait3A_277 : memref<10000x32xf32, #tpu.memory_space<hbm>>) dst(%dma_wait3A_273 : memref<80x32xf32, #tpu.memory_space<vmem>>)
      %dma_wait3A_278 = arith.constant 160 : i32
      %dma_wait3A_279 = arith.constant 0 : i32
      %dma_wait3A_280 = tpu.memref_slice %arg22[%dma_wait3A_278, %dma_wait3A_279] : memref<400x32xf32, #tpu.memory_space<vmem>> -> memref<80x32xf32, #tpu.memory_space<vmem>>
      %dma_wait3A_281 = tpu.memref_slice %arg16[%add3A_85] : memref<10000xi32, #tpu.memory_space<vmem>> -> memref<80xi32, #tpu.memory_space<vmem>>
      %dma_wait3A_282 = arith.constant 0 : i32
      %dma_wait3A_283 = arith.constant 0 : i32
      %dma_wait3A_284 = tpu.memref_slice %arg4[%dma_wait3A_282, %dma_wait3A_283] : memref<10000x32xf32, #tpu.memory_space<hbm>> -> memref<10000x32xf32, #tpu.memory_space<hbm>>
      tpu.wait_indirect_dma semaphore(%arg25 : memref<!tpu.dma_semaphore, #tpu.memory_space<semaphore_mem>>) src(%dma_wait3A_284 : memref<10000x32xf32, #tpu.memory_space<hbm>>) dst(%dma_wait3A_280 : memref<80x32xf32, #tpu.memory_space<vmem>>)
      %dma_wait3A_285 = arith.constant 160 : i32
      %dma_wait3A_286 = arith.constant 0 : i32
      %dma_wait3A_287 = tpu.memref_slice %arg23[%dma_wait3A_285, %dma_wait3A_286] : memref<400x32xf32, #tpu.memory_space<vmem>> -> memref<80x32xf32, #tpu.memory_space<vmem>>
      %dma_wait3A_288 = tpu.memref_slice %arg18[%add3A_85] : memref<10000xi32, #tpu.memory_space<vmem>> -> memref<80xi32, #tpu.memory_space<vmem>>
      %dma_wait3A_289 = arith.constant 0 : i32
      %dma_wait3A_290 = arith.constant 0 : i32
      %dma_wait3A_291 = tpu.memref_slice %arg5[%dma_wait3A_289, %dma_wait3A_290] : memref<10000x32xf32, #tpu.memory_space<hbm>> -> memref<10000x32xf32, #tpu.memory_space<hbm>>
      tpu.wait_indirect_dma semaphore(%arg25 : memref<!tpu.dma_semaphore, #tpu.memory_space<semaphore_mem>>) src(%dma_wait3A_291 : memref<10000x32xf32, #tpu.memory_space<hbm>>) dst(%dma_wait3A_287 : memref<80x32xf32, #tpu.memory_space<vmem>>)
      %dma_wait3A_292 = arith.constant 160 : i32
      %dma_wait3A_293 = arith.constant 0 : i32
      %dma_wait3A_294 = tpu.memref_slice %arg24[%dma_wait3A_292, %dma_wait3A_293] : memref<400x32xf32, #tpu.memory_space<vmem>> -> memref<80x32xf32, #tpu.memory_space<vmem>>
      %dma_wait3A_295 = tpu.memref_slice %arg19[%add3A_85] : memref<10000xi32, #tpu.memory_space<vmem>> -> memref<80xi32, #tpu.memory_space<vmem>>
      %dma_wait3A_296 = arith.constant 0 : i32
      %dma_wait3A_297 = arith.constant 0 : i32
      %dma_wait3A_298 = tpu.memref_slice %arg6[%dma_wait3A_296, %dma_wait3A_297] : memref<10000x32xf32, #tpu.memory_space<hbm>> -> memref<10000x32xf32, #tpu.memory_space<hbm>>
      tpu.wait_indirect_dma semaphore(%arg25 : memref<!tpu.dma_semaphore, #tpu.memory_space<semaphore_mem>>) src(%dma_wait3A_298 : memref<10000x32xf32, #tpu.memory_space<hbm>>) dst(%dma_wait3A_294 : memref<80x32xf32, #tpu.memory_space<vmem>>)
      %dma_wait3A_299 = arith.constant 240 : i32
      %dma_wait3A_300 = arith.constant 0 : i32
      %dma_wait3A_301 = tpu.memref_slice %arg20[%dma_wait3A_299, %dma_wait3A_300] : memref<400x32xf32, #tpu.memory_space<vmem>> -> memref<80x32xf32, #tpu.memory_space<vmem>>
      %dma_wait3A_302 = tpu.memref_slice %arg17[%add3A_122] : memref<10000xi32, #tpu.memory_space<vmem>> -> memref<80xi32, #tpu.memory_space<vmem>>
      %dma_wait3A_303 = arith.constant 0 : i32
      %dma_wait3A_304 = arith.constant 0 : i32
      %dma_wait3A_305 = tpu.memref_slice %arg2[%dma_wait3A_303, %dma_wait3A_304] : memref<10000x32xf32, #tpu.memory_space<hbm>> -> memref<10000x32xf32, #tpu.memory_space<hbm>>
      tpu.wait_indirect_dma semaphore(%arg25 : memref<!tpu.dma_semaphore, #tpu.memory_space<semaphore_mem>>) src(%dma_wait3A_305 : memref<10000x32xf32, #tpu.memory_space<hbm>>) dst(%dma_wait3A_301 : memref<80x32xf32, #tpu.memory_space<vmem>>)
      %dma_wait3A_306 = arith.constant 240 : i32
      %dma_wait3A_307 = arith.constant 0 : i32
      %dma_wait3A_308 = tpu.memref_slice %arg21[%dma_wait3A_306, %dma_wait3A_307] : memref<400x32xf32, #tpu.memory_space<vmem>> -> memref<80x32xf32, #tpu.memory_space<vmem>>
      %dma_wait3A_309 = tpu.memref_slice %arg16[%add3A_122] : memref<10000xi32, #tpu.memory_space<vmem>> -> memref<80xi32, #tpu.memory_space<vmem>>
      %dma_wait3A_310 = arith.constant 0 : i32
      %dma_wait3A_311 = arith.constant 0 : i32
      %dma_wait3A_312 = tpu.memref_slice %arg3[%dma_wait3A_310, %dma_wait3A_311] : memref<10000x32xf32, #tpu.memory_space<hbm>> -> memref<10000x32xf32, #tpu.memory_space<hbm>>
      tpu.wait_indirect_dma semaphore(%arg25 : memref<!tpu.dma_semaphore, #tpu.memory_space<semaphore_mem>>) src(%dma_wait3A_312 : memref<10000x32xf32, #tpu.memory_space<hbm>>) dst(%dma_wait3A_308 : memref<80x32xf32, #tpu.memory_space<vmem>>)
      %dma_wait3A_313 = arith.constant 240 : i32
      %dma_wait3A_314 = arith.constant 0 : i32
      %dma_wait3A_315 = tpu.memref_slice %arg22[%dma_wait3A_313, %dma_wait3A_314] : memref<400x32xf32, #tpu.memory_space<vmem>> -> memref<80x32xf32, #tpu.memory_space<vmem>>
      %dma_wait3A_316 = tpu.memref_slice %arg16[%add3A_122] : memref<10000xi32, #tpu.memory_space<vmem>> -> memref<80xi32, #tpu.memory_space<vmem>>
      %dma_wait3A_317 = arith.constant 0 : i32
      %dma_wait3A_318 = arith.constant 0 : i32
      %dma_wait3A_319 = tpu.memref_slice %arg4[%dma_wait3A_317, %dma_wait3A_318] : memref<10000x32xf32, #tpu.memory_space<hbm>> -> memref<10000x32xf32, #tpu.memory_space<hbm>>
      tpu.wait_indirect_dma semaphore(%arg25 : memref<!tpu.dma_semaphore, #tpu.memory_space<semaphore_mem>>) src(%dma_wait3A_319 : memref<10000x32xf32, #tpu.memory_space<hbm>>) dst(%dma_wait3A_315 : memref<80x32xf32, #tpu.memory_space<vmem>>)
      %dma_wait3A_320 = arith.constant 240 : i32
      %dma_wait3A_321 = arith.constant 0 : i32
      %dma_wait3A_322 = tpu.memref_slice %arg23[%dma_wait3A_320, %dma_wait3A_321] : memref<400x32xf32, #tpu.memory_space<vmem>> -> memref<80x32xf32, #tpu.memory_space<vmem>>
      %dma_wait3A_323 = tpu.memref_slice %arg18[%add3A_122] : memref<10000xi32, #tpu.memory_space<vmem>> -> memref<80xi32, #tpu.memory_space<vmem>>
      %dma_wait3A_324 = arith.constant 0 : i32
      %dma_wait3A_325 = arith.constant 0 : i32
      %dma_wait3A_326 = tpu.memref_slice %arg5[%dma_wait3A_324, %dma_wait3A_325] : memref<10000x32xf32, #tpu.memory_space<hbm>> -> memref<10000x32xf32, #tpu.memory_space<hbm>>
      tpu.wait_indirect_dma semaphore(%arg25 : memref<!tpu.dma_semaphore, #tpu.memory_space<semaphore_mem>>) src(%dma_wait3A_326 : memref<10000x32xf32, #tpu.memory_space<hbm>>) dst(%dma_wait3A_322 : memref<80x32xf32, #tpu.memory_space<vmem>>)
      %dma_wait3A_327 = arith.constant 240 : i32
      %dma_wait3A_328 = arith.constant 0 : i32
      %dma_wait3A_329 = tpu.memref_slice %arg24[%dma_wait3A_327, %dma_wait3A_328] : memref<400x32xf32, #tpu.memory_space<vmem>> -> memref<80x32xf32, #tpu.memory_space<vmem>>
      %dma_wait3A_330 = tpu.memref_slice %arg19[%add3A_122] : memref<10000xi32, #tpu.memory_space<vmem>> -> memref<80xi32, #tpu.memory_space<vmem>>
      %dma_wait3A_331 = arith.constant 0 : i32
      %dma_wait3A_332 = arith.constant 0 : i32
      %dma_wait3A_333 = tpu.memref_slice %arg6[%dma_wait3A_331, %dma_wait3A_332] : memref<10000x32xf32, #tpu.memory_space<hbm>> -> memref<10000x32xf32, #tpu.memory_space<hbm>>
      tpu.wait_indirect_dma semaphore(%arg25 : memref<!tpu.dma_semaphore, #tpu.memory_space<semaphore_mem>>) src(%dma_wait3A_333 : memref<10000x32xf32, #tpu.memory_space<hbm>>) dst(%dma_wait3A_329 : memref<80x32xf32, #tpu.memory_space<vmem>>)
      %dma_wait3A_334 = arith.constant 320 : i32
      %dma_wait3A_335 = arith.constant 0 : i32
      %dma_wait3A_336 = tpu.memref_slice %arg20[%dma_wait3A_334, %dma_wait3A_335] : memref<400x32xf32, #tpu.memory_space<vmem>> -> memref<80x32xf32, #tpu.memory_space<vmem>>
      %dma_wait3A_337 = tpu.memref_slice %arg17[%add3A_159] : memref<10000xi32, #tpu.memory_space<vmem>> -> memref<80xi32, #tpu.memory_space<vmem>>
      %dma_wait3A_338 = arith.constant 0 : i32
      %dma_wait3A_339 = arith.constant 0 : i32
      %dma_wait3A_340 = tpu.memref_slice %arg2[%dma_wait3A_338, %dma_wait3A_339] : memref<10000x32xf32, #tpu.memory_space<hbm>> -> memref<10000x32xf32, #tpu.memory_space<hbm>>
      tpu.wait_indirect_dma semaphore(%arg25 : memref<!tpu.dma_semaphore, #tpu.memory_space<semaphore_mem>>) src(%dma_wait3A_340 : memref<10000x32xf32, #tpu.memory_space<hbm>>) dst(%dma_wait3A_336 : memref<80x32xf32, #tpu.memory_space<vmem>>)
      %dma_wait3A_341 = arith.constant 320 : i32
      %dma_wait3A_342 = arith.constant 0 : i32
      %dma_wait3A_343 = tpu.memref_slice %arg21[%dma_wait3A_341, %dma_wait3A_342] : memref<400x32xf32, #tpu.memory_space<vmem>> -> memref<80x32xf32, #tpu.memory_space<vmem>>
      %dma_wait3A_344 = tpu.memref_slice %arg16[%add3A_159] : memref<10000xi32, #tpu.memory_space<vmem>> -> memref<80xi32, #tpu.memory_space<vmem>>
      %dma_wait3A_345 = arith.constant 0 : i32
      %dma_wait3A_346 = arith.constant 0 : i32
      %dma_wait3A_347 = tpu.memref_slice %arg3[%dma_wait3A_345, %dma_wait3A_346] : memref<10000x32xf32, #tpu.memory_space<hbm>> -> memref<10000x32xf32, #tpu.memory_space<hbm>>
      tpu.wait_indirect_dma semaphore(%arg25 : memref<!tpu.dma_semaphore, #tpu.memory_space<semaphore_mem>>) src(%dma_wait3A_347 : memref<10000x32xf32, #tpu.memory_space<hbm>>) dst(%dma_wait3A_343 : memref<80x32xf32, #tpu.memory_space<vmem>>)
      %dma_wait3A_348 = arith.constant 320 : i32
      %dma_wait3A_349 = arith.constant 0 : i32
      %dma_wait3A_350 = tpu.memref_slice %arg22[%dma_wait3A_348, %dma_wait3A_349] : memref<400x32xf32, #tpu.memory_space<vmem>> -> memref<80x32xf32, #tpu.memory_space<vmem>>
      %dma_wait3A_351 = tpu.memref_slice %arg16[%add3A_159] : memref<10000xi32, #tpu.memory_space<vmem>> -> memref<80xi32, #tpu.memory_space<vmem>>
      %dma_wait3A_352 = arith.constant 0 : i32
      %dma_wait3A_353 = arith.constant 0 : i32
      %dma_wait3A_354 = tpu.memref_slice %arg4[%dma_wait3A_352, %dma_wait3A_353] : memref<10000x32xf32, #tpu.memory_space<hbm>> -> memref<10000x32xf32, #tpu.memory_space<hbm>>
      tpu.wait_indirect_dma semaphore(%arg25 : memref<!tpu.dma_semaphore, #tpu.memory_space<semaphore_mem>>) src(%dma_wait3A_354 : memref<10000x32xf32, #tpu.memory_space<hbm>>) dst(%dma_wait3A_350 : memref<80x32xf32, #tpu.memory_space<vmem>>)
      %dma_wait3A_355 = arith.constant 320 : i32
      %dma_wait3A_356 = arith.constant 0 : i32
      %dma_wait3A_357 = tpu.memref_slice %arg23[%dma_wait3A_355, %dma_wait3A_356] : memref<400x32xf32, #tpu.memory_space<vmem>> -> memref<80x32xf32, #tpu.memory_space<vmem>>
      %dma_wait3A_358 = tpu.memref_slice %arg18[%add3A_159] : memref<10000xi32, #tpu.memory_space<vmem>> -> memref<80xi32, #tpu.memory_space<vmem>>
      %dma_wait3A_359 = arith.constant 0 : i32
      %dma_wait3A_360 = arith.constant 0 : i32
      %dma_wait3A_361 = tpu.memref_slice %arg5[%dma_wait3A_359, %dma_wait3A_360] : memref<10000x32xf32, #tpu.memory_space<hbm>> -> memref<10000x32xf32, #tpu.memory_space<hbm>>
      tpu.wait_indirect_dma semaphore(%arg25 : memref<!tpu.dma_semaphore, #tpu.memory_space<semaphore_mem>>) src(%dma_wait3A_361 : memref<10000x32xf32, #tpu.memory_space<hbm>>) dst(%dma_wait3A_357 : memref<80x32xf32, #tpu.memory_space<vmem>>)
      %dma_wait3A_362 = arith.constant 320 : i32
      %dma_wait3A_363 = arith.constant 0 : i32
      %dma_wait3A_364 = tpu.memref_slice %arg24[%dma_wait3A_362, %dma_wait3A_363] : memref<400x32xf32, #tpu.memory_space<vmem>> -> memref<80x32xf32, #tpu.memory_space<vmem>>
      %dma_wait3A_365 = tpu.memref_slice %arg19[%add3A_159] : memref<10000xi32, #tpu.memory_space<vmem>> -> memref<80xi32, #tpu.memory_space<vmem>>
      %dma_wait3A_366 = arith.constant 0 : i32
      %dma_wait3A_367 = arith.constant 0 : i32
      %dma_wait3A_368 = tpu.memref_slice %arg6[%dma_wait3A_366, %dma_wait3A_367] : memref<10000x32xf32, #tpu.memory_space<hbm>> -> memref<10000x32xf32, #tpu.memory_space<hbm>>
      tpu.wait_indirect_dma semaphore(%arg25 : memref<!tpu.dma_semaphore, #tpu.memory_space<semaphore_mem>>) src(%dma_wait3A_368 : memref<10000x32xf32, #tpu.memory_space<hbm>>) dst(%dma_wait3A_364 : memref<80x32xf32, #tpu.memory_space<vmem>>)
      %add3A_369 = arith.addi %mul3A_2, %multiple_of3A : i32
      %dma_start3A_370 = arith.constant 0 : i32
      %dma_start3A_371 = tpu.memref_slice %arg11[%add3A_369, %dma_start3A_370] : memref<320000x32xf32, #tpu.memory_space<hbm>> -> memref<400x32xf32, #tpu.memory_space<hbm>>
      %dma_start3A_372 = arith.constant 0 : i32
      %dma_start3A_373 = tpu.memref_slice %arg11[%add3A_369, %dma_start3A_372] : memref<320000x32xf32, #tpu.memory_space<hbm>> -> memref<400x32xf32, #tpu.memory_space<hbm>>
      tpu.enqueue_dma source(%arg20 : memref<400x32xf32, #tpu.memory_space<vmem>>) target(%dma_start3A_373 : memref<400x32xf32, #tpu.memory_space<hbm>>) target_semaphore(%arg25 : memref<!tpu.dma_semaphore, #tpu.memory_space<semaphore_mem>>)
      %dma_start3A_374 = arith.constant 0 : i32
      %dma_start3A_375 = tpu.memref_slice %arg12[%add3A_369, %dma_start3A_374] : memref<320000x32xf32, #tpu.memory_space<hbm>> -> memref<400x32xf32, #tpu.memory_space<hbm>>
      %dma_start3A_376 = arith.constant 0 : i32
      %dma_start3A_377 = tpu.memref_slice %arg12[%add3A_369, %dma_start3A_376] : memref<320000x32xf32, #tpu.memory_space<hbm>> -> memref<400x32xf32, #tpu.memory_space<hbm>>
      tpu.enqueue_dma source(%arg21 : memref<400x32xf32, #tpu.memory_space<vmem>>) target(%dma_start3A_377 : memref<400x32xf32, #tpu.memory_space<hbm>>) target_semaphore(%arg25 : memref<!tpu.dma_semaphore, #tpu.memory_space<semaphore_mem>>)
      %dma_start3A_378 = arith.constant 0 : i32
      %dma_start3A_379 = tpu.memref_slice %arg13[%add3A_369, %dma_start3A_378] : memref<320000x32xf32, #tpu.memory_space<hbm>> -> memref<400x32xf32, #tpu.memory_space<hbm>>
      %dma_start3A_380 = arith.constant 0 : i32
      %dma_start3A_381 = tpu.memref_slice %arg13[%add3A_369, %dma_start3A_380] : memref<320000x32xf32, #tpu.memory_space<hbm>> -> memref<400x32xf32, #tpu.memory_space<hbm>>
      tpu.enqueue_dma source(%arg22 : memref<400x32xf32, #tpu.memory_space<vmem>>) target(%dma_start3A_381 : memref<400x32xf32, #tpu.memory_space<hbm>>) target_semaphore(%arg25 : memref<!tpu.dma_semaphore, #tpu.memory_space<semaphore_mem>>)
      %dma_start3A_382 = arith.constant 0 : i32
      %dma_start3A_383 = tpu.memref_slice %arg14[%add3A_369, %dma_start3A_382] : memref<320000x32xf32, #tpu.memory_space<hbm>> -> memref<400x32xf32, #tpu.memory_space<hbm>>
      %dma_start3A_384 = arith.constant 0 : i32
      %dma_start3A_385 = tpu.memref_slice %arg14[%add3A_369, %dma_start3A_384] : memref<320000x32xf32, #tpu.memory_space<hbm>> -> memref<400x32xf32, #tpu.memory_space<hbm>>
      tpu.enqueue_dma source(%arg23 : memref<400x32xf32, #tpu.memory_space<vmem>>) target(%dma_start3A_385 : memref<400x32xf32, #tpu.memory_space<hbm>>) target_semaphore(%arg25 : memref<!tpu.dma_semaphore, #tpu.memory_space<semaphore_mem>>)
      %dma_start3A_386 = arith.constant 0 : i32
      %dma_start3A_387 = tpu.memref_slice %arg15[%add3A_369, %dma_start3A_386] : memref<320000x32xf32, #tpu.memory_space<hbm>> -> memref<400x32xf32, #tpu.memory_space<hbm>>
      %dma_start3A_388 = arith.constant 0 : i32
      %dma_start3A_389 = tpu.memref_slice %arg15[%add3A_369, %dma_start3A_388] : memref<320000x32xf32, #tpu.memory_space<hbm>> -> memref<400x32xf32, #tpu.memory_space<hbm>>
      tpu.enqueue_dma source(%arg24 : memref<400x32xf32, #tpu.memory_space<vmem>>) target(%dma_start3A_389 : memref<400x32xf32, #tpu.memory_space<hbm>>) target_semaphore(%arg25 : memref<!tpu.dma_semaphore, #tpu.memory_space<semaphore_mem>>)
      %dma_wait3A_390 = arith.constant 0 : i32
      %dma_wait3A_391 = tpu.memref_slice %arg11[%add3A_369, %dma_wait3A_390] : memref<320000x32xf32, #tpu.memory_space<hbm>> -> memref<400x32xf32, #tpu.memory_space<hbm>>
      %dma_wait3A_392 = arith.constant 0 : i32
      %dma_wait3A_393 = tpu.memref_slice %arg11[%add3A_369, %dma_wait3A_392] : memref<320000x32xf32, #tpu.memory_space<hbm>> -> memref<400x32xf32, #tpu.memory_space<hbm>>
      tpu.wait_dma2 semaphore(%arg25 : memref<!tpu.dma_semaphore, #tpu.memory_space<semaphore_mem>>) src(%arg20 : memref<400x32xf32, #tpu.memory_space<vmem>>) dst(%dma_wait3A_393 : memref<400x32xf32, #tpu.memory_space<hbm>>)
      %dma_wait3A_394 = arith.constant 0 : i32
      %dma_wait3A_395 = tpu.memref_slice %arg12[%add3A_369, %dma_wait3A_394] : memref<320000x32xf32, #tpu.memory_space<hbm>> -> memref<400x32xf32, #tpu.memory_space<hbm>>
      %dma_wait3A_396 = arith.constant 0 : i32
      %dma_wait3A_397 = tpu.memref_slice %arg12[%add3A_369, %dma_wait3A_396] : memref<320000x32xf32, #tpu.memory_space<hbm>> -> memref<400x32xf32, #tpu.memory_space<hbm>>
      tpu.wait_dma2 semaphore(%arg25 : memref<!tpu.dma_semaphore, #tpu.memory_space<semaphore_mem>>) src(%arg21 : memref<400x32xf32, #tpu.memory_space<vmem>>) dst(%dma_wait3A_397 : memref<400x32xf32, #tpu.memory_space<hbm>>)
      %dma_wait3A_398 = arith.constant 0 : i32
      %dma_wait3A_399 = tpu.memref_slice %arg13[%add3A_369, %dma_wait3A_398] : memref<320000x32xf32, #tpu.memory_space<hbm>> -> memref<400x32xf32, #tpu.memory_space<hbm>>
      %dma_wait3A_400 = arith.constant 0 : i32
      %dma_wait3A_401 = tpu.memref_slice %arg13[%add3A_369, %dma_wait3A_400] : memref<320000x32xf32, #tpu.memory_space<hbm>> -> memref<400x32xf32, #tpu.memory_space<hbm>>
      tpu.wait_dma2 semaphore(%arg25 : memref<!tpu.dma_semaphore, #tpu.memory_space<semaphore_mem>>) src(%arg22 : memref<400x32xf32, #tpu.memory_space<vmem>>) dst(%dma_wait3A_401 : memref<400x32xf32, #tpu.memory_space<hbm>>)
      %dma_wait3A_402 = arith.constant 0 : i32
      %dma_wait3A_403 = tpu.memref_slice %arg14[%add3A_369, %dma_wait3A_402] : memref<320000x32xf32, #tpu.memory_space<hbm>> -> memref<400x32xf32, #tpu.memory_space<hbm>>
      %dma_wait3A_404 = arith.constant 0 : i32
      %dma_wait3A_405 = tpu.memref_slice %arg14[%add3A_369, %dma_wait3A_404] : memref<320000x32xf32, #tpu.memory_space<hbm>> -> memref<400x32xf32, #tpu.memory_space<hbm>>
      tpu.wait_dma2 semaphore(%arg25 : memref<!tpu.dma_semaphore, #tpu.memory_space<semaphore_mem>>) src(%arg23 : memref<400x32xf32, #tpu.memory_space<vmem>>) dst(%dma_wait3A_405 : memref<400x32xf32, #tpu.memory_space<hbm>>)
      %dma_wait3A_406 = arith.constant 0 : i32
      %dma_wait3A_407 = tpu.memref_slice %arg15[%add3A_369, %dma_wait3A_406] : memref<320000x32xf32, #tpu.memory_space<hbm>> -> memref<400x32xf32, #tpu.memory_space<hbm>>
      %dma_wait3A_408 = arith.constant 0 : i32
      %dma_wait3A_409 = tpu.memref_slice %arg15[%add3A_369, %dma_wait3A_408] : memref<320000x32xf32, #tpu.memory_space<hbm>> -> memref<400x32xf32, #tpu.memory_space<hbm>>
      tpu.wait_dma2 semaphore(%arg25 : memref<!tpu.dma_semaphore, #tpu.memory_space<semaphore_mem>>) src(%arg24 : memref<400x32xf32, #tpu.memory_space<vmem>>) dst(%dma_wait3A_409 : memref<400x32xf32, #tpu.memory_space<hbm>>)
    }
    %scan3A_7 = arith.constant 25 : i32
    return
  }
}

#map = affine_map<(d0, d1) -> (0, 0)>
#map1 = affine_map<(d0, d1) -> (0)>
#map2 = affine_map<(d0, d1) -> (0, 0, 0)>
module attributes {stable_mosaic.version = 14 : i64} {
  func.func @_seg32_body(%arg0: i32, %arg1: i32, %arg2: memref<320000x32xf32, #tpu.memory_space<hbm>>, %arg3: memref<320000xi32, #tpu.memory_space<hbm>>, %arg4: memref<640x32xf32, #tpu.memory_space<hbm>>, %arg5: memref<2x10240x32xf32, #tpu.memory_space<hbm>>, %arg6: memref<10000xi32, #tpu.memory_space<vmem>>, %arg7: memref<400x32xf32, #tpu.memory_space<vmem>>, %arg8: memref<10240x32xf32, #tpu.memory_space<vmem_shared>>, %arg9: memref<!tpu.dma_semaphore, #tpu.memory_space<semaphore_mem>>) attributes {dimension_semantics = [#tpu.dimension_semantics<core_parallel>, #tpu.dimension_semantics<subcore_parallel>], iteration_bounds = array<i64: 2, 16>, scalar_prefetch = 0 : i64, scratch_operands = 4 : i64, tpu.core_type = #tpu.core_type<sc_vector_subcore>, window_params = [{transform_indices = #map}, {transform_indices = #map1}, {transform_indices = #map}, {transform_indices = #map2}]} {
    %mul3A = arith.constant 16 : i32
    %mul3A_0 = arith.muli %arg0, %mul3A : i32
    %add3A = arith.addi %mul3A_0, %arg1 : i32
    %mul3A_1 = arith.constant 640 : i32
    %mul3A_2 = arith.muli %arg1, %mul3A_1 : i32
    "tpu.region"() ({
      %run_scoped3A = tpu.sem_alloc : memref<!tpu.dma_semaphore, #tpu.memory_space<semaphore_mem>>
      %dma_start3A = arith.constant 0 : i32
      %dma_start3A_13 = tpu.memref_slice %arg8[%mul3A_2, %dma_start3A] : memref<10240x32xf32, #tpu.memory_space<vmem_shared>> -> memref<640x32xf32, #tpu.memory_space<vmem_shared>>
      tpu.enqueue_dma source(%arg4 : memref<640x32xf32, #tpu.memory_space<hbm>>) target(%dma_start3A_13 : memref<640x32xf32, #tpu.memory_space<vmem_shared>>) target_semaphore(%run_scoped3A : memref<!tpu.dma_semaphore, #tpu.memory_space<semaphore_mem>>)
      %dma_wait3A = arith.constant 0 : i32
      %dma_wait3A_14 = tpu.memref_slice %arg8[%mul3A_2, %dma_wait3A] : memref<10240x32xf32, #tpu.memory_space<vmem_shared>> -> memref<640x32xf32, #tpu.memory_space<vmem_shared>>
      tpu.wait_dma2 semaphore(%run_scoped3A : memref<!tpu.dma_semaphore, #tpu.memory_space<semaphore_mem>>) src(%arg4 : memref<640x32xf32, #tpu.memory_space<hbm>>) dst(%dma_wait3A_14 : memref<640x32xf32, #tpu.memory_space<vmem_shared>>)
      tpu.yield
    }) : () -> ()
    %barrier3A = arith.constant 0 : index
    tpu.barrier barrier_id(%barrier3A)
    %mul3A_3 = arith.constant 10000 : i32
    %mul3A_4 = arith.muli %add3A, %mul3A_3 : i32
    "tpu.region"() ({
      %run_scoped3A = tpu.sem_alloc : memref<!tpu.dma_semaphore, #tpu.memory_space<semaphore_mem>>
      %dma_start3A = tpu.memref_slice %arg3[%mul3A_4] : memref<320000xi32, #tpu.memory_space<hbm>> -> memref<10000xi32, #tpu.memory_space<hbm>>
      %dma_start3A_13 = tpu.memref_slice %arg3[%mul3A_4] : memref<320000xi32, #tpu.memory_space<hbm>> -> memref<10000xi32, #tpu.memory_space<hbm>>
      tpu.enqueue_dma source(%dma_start3A_13 : memref<10000xi32, #tpu.memory_space<hbm>>) target(%arg6 : memref<10000xi32, #tpu.memory_space<vmem>>) target_semaphore(%run_scoped3A : memref<!tpu.dma_semaphore, #tpu.memory_space<semaphore_mem>>)
      %dma_wait3A = tpu.memref_slice %arg3[%mul3A_4] : memref<320000xi32, #tpu.memory_space<hbm>> -> memref<10000xi32, #tpu.memory_space<hbm>>
      %dma_wait3A_14 = tpu.memref_slice %arg3[%mul3A_4] : memref<320000xi32, #tpu.memory_space<hbm>> -> memref<10000xi32, #tpu.memory_space<hbm>>
      tpu.wait_dma2 semaphore(%run_scoped3A : memref<!tpu.dma_semaphore, #tpu.memory_space<semaphore_mem>>) src(%dma_wait3A_14 : memref<10000xi32, #tpu.memory_space<hbm>>) dst(%arg6 : memref<10000xi32, #tpu.memory_space<vmem>>)
      tpu.yield
    }) : () -> ()
    %scan3A = arith.constant 0 : i32
    %scan3A_5 = arith.constant 0 : i32
    %scan3A_6 = arith.constant 25 : i32
    %scan3A_7 = arith.addi %scan3A_5, %scan3A_6 : i32
    %scan3A_8 = arith.constant 1 : i32
    scf.for %scan3A_13 = %scan3A_5 to %scan3A_7 step %scan3A_8  : i32 {
      %mul3A_14 = arith.constant 400 : i32
      %mul3A_15 = arith.muli %scan3A_13, %mul3A_14 : i32
      %multiple_of3A = tpu.assume_multiple %mul3A_15, 8 : i32
      %add3A_16 = arith.addi %mul3A_4, %multiple_of3A : i32
      "tpu.region"() ({
        %run_scoped3A = tpu.sem_alloc : memref<!tpu.dma_semaphore, #tpu.memory_space<semaphore_mem>>
        %dma_start3A_95 = arith.constant 0 : i32
        %dma_start3A_96 = tpu.memref_slice %arg2[%add3A_16, %dma_start3A_95] : memref<320000x32xf32, #tpu.memory_space<hbm>> -> memref<400x32xf32, #tpu.memory_space<hbm>>
        %dma_start3A_97 = arith.constant 0 : i32
        %dma_start3A_98 = tpu.memref_slice %arg2[%add3A_16, %dma_start3A_97] : memref<320000x32xf32, #tpu.memory_space<hbm>> -> memref<400x32xf32, #tpu.memory_space<hbm>>
        tpu.enqueue_dma source(%dma_start3A_98 : memref<400x32xf32, #tpu.memory_space<hbm>>) target(%arg7 : memref<400x32xf32, #tpu.memory_space<vmem>>) target_semaphore(%run_scoped3A : memref<!tpu.dma_semaphore, #tpu.memory_space<semaphore_mem>>)
        %dma_wait3A_99 = arith.constant 0 : i32
        %dma_wait3A_100 = tpu.memref_slice %arg2[%add3A_16, %dma_wait3A_99] : memref<320000x32xf32, #tpu.memory_space<hbm>> -> memref<400x32xf32, #tpu.memory_space<hbm>>
        %dma_wait3A_101 = arith.constant 0 : i32
        %dma_wait3A_102 = tpu.memref_slice %arg2[%add3A_16, %dma_wait3A_101] : memref<320000x32xf32, #tpu.memory_space<hbm>> -> memref<400x32xf32, #tpu.memory_space<hbm>>
        tpu.wait_dma2 semaphore(%run_scoped3A : memref<!tpu.dma_semaphore, #tpu.memory_space<semaphore_mem>>) src(%dma_wait3A_102 : memref<400x32xf32, #tpu.memory_space<hbm>>) dst(%arg7 : memref<400x32xf32, #tpu.memory_space<vmem>>)
        tpu.yield
      }) : () -> ()
      %add3A_17 = arith.constant 0 : i32
      %add3A_18 = arith.addi %multiple_of3A, %add3A_17 : i32
      %dma_start3A = arith.constant 0 : i32
      %dma_start3A_19 = arith.constant 0 : i32
      %dma_start3A_20 = tpu.memref_slice %arg7[%dma_start3A, %dma_start3A_19] : memref<400x32xf32, #tpu.memory_space<vmem>> -> memref<80x32xf32, #tpu.memory_space<vmem>>
      %dma_start3A_21 = tpu.memref_slice %arg6[%add3A_18] : memref<10000xi32, #tpu.memory_space<vmem>> -> memref<80xi32, #tpu.memory_space<vmem>>
      %dma_start3A_22 = arith.constant 0 : i32
      %dma_start3A_23 = arith.constant 0 : i32
      %dma_start3A_24 = tpu.memref_slice %arg8[%dma_start3A_22, %dma_start3A_23] : memref<10240x32xf32, #tpu.memory_space<vmem_shared>> -> memref<10240x32xf32, #tpu.memory_space<vmem_shared>>
      tpu.enqueue_indirect_dma source(%dma_start3A_20 : memref<80x32xf32, #tpu.memory_space<vmem>>) target(%dma_start3A_24 : memref<10240x32xf32, #tpu.memory_space<vmem_shared>>) offsets(%dma_start3A_21 : memref<80xi32, #tpu.memory_space<vmem>>) semaphore(%arg9 : memref<!tpu.dma_semaphore, #tpu.memory_space<semaphore_mem>>) {add = true}
      %add3A_25 = arith.constant 80 : i32
      %add3A_26 = arith.addi %multiple_of3A, %add3A_25 : i32
      %dma_start3A_27 = arith.constant 80 : i32
      %dma_start3A_28 = arith.constant 0 : i32
      %dma_start3A_29 = tpu.memref_slice %arg7[%dma_start3A_27, %dma_start3A_28] : memref<400x32xf32, #tpu.memory_space<vmem>> -> memref<80x32xf32, #tpu.memory_space<vmem>>
      %dma_start3A_30 = tpu.memref_slice %arg6[%add3A_26] : memref<10000xi32, #tpu.memory_space<vmem>> -> memref<80xi32, #tpu.memory_space<vmem>>
      %dma_start3A_31 = arith.constant 0 : i32
      %dma_start3A_32 = arith.constant 0 : i32
      %dma_start3A_33 = tpu.memref_slice %arg8[%dma_start3A_31, %dma_start3A_32] : memref<10240x32xf32, #tpu.memory_space<vmem_shared>> -> memref<10240x32xf32, #tpu.memory_space<vmem_shared>>
      tpu.enqueue_indirect_dma source(%dma_start3A_29 : memref<80x32xf32, #tpu.memory_space<vmem>>) target(%dma_start3A_33 : memref<10240x32xf32, #tpu.memory_space<vmem_shared>>) offsets(%dma_start3A_30 : memref<80xi32, #tpu.memory_space<vmem>>) semaphore(%arg9 : memref<!tpu.dma_semaphore, #tpu.memory_space<semaphore_mem>>) {add = true}
      %add3A_34 = arith.constant 160 : i32
      %add3A_35 = arith.addi %multiple_of3A, %add3A_34 : i32
      %dma_start3A_36 = arith.constant 160 : i32
      %dma_start3A_37 = arith.constant 0 : i32
      %dma_start3A_38 = tpu.memref_slice %arg7[%dma_start3A_36, %dma_start3A_37] : memref<400x32xf32, #tpu.memory_space<vmem>> -> memref<80x32xf32, #tpu.memory_space<vmem>>
      %dma_start3A_39 = tpu.memref_slice %arg6[%add3A_35] : memref<10000xi32, #tpu.memory_space<vmem>> -> memref<80xi32, #tpu.memory_space<vmem>>
      %dma_start3A_40 = arith.constant 0 : i32
      %dma_start3A_41 = arith.constant 0 : i32
      %dma_start3A_42 = tpu.memref_slice %arg8[%dma_start3A_40, %dma_start3A_41] : memref<10240x32xf32, #tpu.memory_space<vmem_shared>> -> memref<10240x32xf32, #tpu.memory_space<vmem_shared>>
      tpu.enqueue_indirect_dma source(%dma_start3A_38 : memref<80x32xf32, #tpu.memory_space<vmem>>) target(%dma_start3A_42 : memref<10240x32xf32, #tpu.memory_space<vmem_shared>>) offsets(%dma_start3A_39 : memref<80xi32, #tpu.memory_space<vmem>>) semaphore(%arg9 : memref<!tpu.dma_semaphore, #tpu.memory_space<semaphore_mem>>) {add = true}
      %add3A_43 = arith.constant 240 : i32
      %add3A_44 = arith.addi %multiple_of3A, %add3A_43 : i32
      %dma_start3A_45 = arith.constant 240 : i32
      %dma_start3A_46 = arith.constant 0 : i32
      %dma_start3A_47 = tpu.memref_slice %arg7[%dma_start3A_45, %dma_start3A_46] : memref<400x32xf32, #tpu.memory_space<vmem>> -> memref<80x32xf32, #tpu.memory_space<vmem>>
      %dma_start3A_48 = tpu.memref_slice %arg6[%add3A_44] : memref<10000xi32, #tpu.memory_space<vmem>> -> memref<80xi32, #tpu.memory_space<vmem>>
      %dma_start3A_49 = arith.constant 0 : i32
      %dma_start3A_50 = arith.constant 0 : i32
      %dma_start3A_51 = tpu.memref_slice %arg8[%dma_start3A_49, %dma_start3A_50] : memref<10240x32xf32, #tpu.memory_space<vmem_shared>> -> memref<10240x32xf32, #tpu.memory_space<vmem_shared>>
      tpu.enqueue_indirect_dma source(%dma_start3A_47 : memref<80x32xf32, #tpu.memory_space<vmem>>) target(%dma_start3A_51 : memref<10240x32xf32, #tpu.memory_space<vmem_shared>>) offsets(%dma_start3A_48 : memref<80xi32, #tpu.memory_space<vmem>>) semaphore(%arg9 : memref<!tpu.dma_semaphore, #tpu.memory_space<semaphore_mem>>) {add = true}
      %add3A_52 = arith.constant 320 : i32
      %add3A_53 = arith.addi %multiple_of3A, %add3A_52 : i32
      %dma_start3A_54 = arith.constant 320 : i32
      %dma_start3A_55 = arith.constant 0 : i32
      %dma_start3A_56 = tpu.memref_slice %arg7[%dma_start3A_54, %dma_start3A_55] : memref<400x32xf32, #tpu.memory_space<vmem>> -> memref<80x32xf32, #tpu.memory_space<vmem>>
      %dma_start3A_57 = tpu.memref_slice %arg6[%add3A_53] : memref<10000xi32, #tpu.memory_space<vmem>> -> memref<80xi32, #tpu.memory_space<vmem>>
      %dma_start3A_58 = arith.constant 0 : i32
      %dma_start3A_59 = arith.constant 0 : i32
      %dma_start3A_60 = tpu.memref_slice %arg8[%dma_start3A_58, %dma_start3A_59] : memref<10240x32xf32, #tpu.memory_space<vmem_shared>> -> memref<10240x32xf32, #tpu.memory_space<vmem_shared>>
      tpu.enqueue_indirect_dma source(%dma_start3A_56 : memref<80x32xf32, #tpu.memory_space<vmem>>) target(%dma_start3A_60 : memref<10240x32xf32, #tpu.memory_space<vmem_shared>>) offsets(%dma_start3A_57 : memref<80xi32, #tpu.memory_space<vmem>>) semaphore(%arg9 : memref<!tpu.dma_semaphore, #tpu.memory_space<semaphore_mem>>) {add = true}
      %dma_wait3A = arith.constant 0 : i32
      %dma_wait3A_61 = arith.constant 0 : i32
      %dma_wait3A_62 = tpu.memref_slice %arg7[%dma_wait3A, %dma_wait3A_61] : memref<400x32xf32, #tpu.memory_space<vmem>> -> memref<80x32xf32, #tpu.memory_space<vmem>>
      %dma_wait3A_63 = tpu.memref_slice %arg6[%add3A_18] : memref<10000xi32, #tpu.memory_space<vmem>> -> memref<80xi32, #tpu.memory_space<vmem>>
      %dma_wait3A_64 = arith.constant 0 : i32
      %dma_wait3A_65 = arith.constant 0 : i32
      %dma_wait3A_66 = tpu.memref_slice %arg8[%dma_wait3A_64, %dma_wait3A_65] : memref<10240x32xf32, #tpu.memory_space<vmem_shared>> -> memref<10240x32xf32, #tpu.memory_space<vmem_shared>>
      tpu.wait_indirect_dma semaphore(%arg9 : memref<!tpu.dma_semaphore, #tpu.memory_space<semaphore_mem>>) src(%dma_wait3A_62 : memref<80x32xf32, #tpu.memory_space<vmem>>) dst(%dma_wait3A_66 : memref<10240x32xf32, #tpu.memory_space<vmem_shared>>)
      %dma_wait3A_67 = arith.constant 80 : i32
      %dma_wait3A_68 = arith.constant 0 : i32
      %dma_wait3A_69 = tpu.memref_slice %arg7[%dma_wait3A_67, %dma_wait3A_68] : memref<400x32xf32, #tpu.memory_space<vmem>> -> memref<80x32xf32, #tpu.memory_space<vmem>>
      %dma_wait3A_70 = tpu.memref_slice %arg6[%add3A_26] : memref<10000xi32, #tpu.memory_space<vmem>> -> memref<80xi32, #tpu.memory_space<vmem>>
      %dma_wait3A_71 = arith.constant 0 : i32
      %dma_wait3A_72 = arith.constant 0 : i32
      %dma_wait3A_73 = tpu.memref_slice %arg8[%dma_wait3A_71, %dma_wait3A_72] : memref<10240x32xf32, #tpu.memory_space<vmem_shared>> -> memref<10240x32xf32, #tpu.memory_space<vmem_shared>>
      tpu.wait_indirect_dma semaphore(%arg9 : memref<!tpu.dma_semaphore, #tpu.memory_space<semaphore_mem>>) src(%dma_wait3A_69 : memref<80x32xf32, #tpu.memory_space<vmem>>) dst(%dma_wait3A_73 : memref<10240x32xf32, #tpu.memory_space<vmem_shared>>)
      %dma_wait3A_74 = arith.constant 160 : i32
      %dma_wait3A_75 = arith.constant 0 : i32
      %dma_wait3A_76 = tpu.memref_slice %arg7[%dma_wait3A_74, %dma_wait3A_75] : memref<400x32xf32, #tpu.memory_space<vmem>> -> memref<80x32xf32, #tpu.memory_space<vmem>>
      %dma_wait3A_77 = tpu.memref_slice %arg6[%add3A_35] : memref<10000xi32, #tpu.memory_space<vmem>> -> memref<80xi32, #tpu.memory_space<vmem>>
      %dma_wait3A_78 = arith.constant 0 : i32
      %dma_wait3A_79 = arith.constant 0 : i32
      %dma_wait3A_80 = tpu.memref_slice %arg8[%dma_wait3A_78, %dma_wait3A_79] : memref<10240x32xf32, #tpu.memory_space<vmem_shared>> -> memref<10240x32xf32, #tpu.memory_space<vmem_shared>>
      tpu.wait_indirect_dma semaphore(%arg9 : memref<!tpu.dma_semaphore, #tpu.memory_space<semaphore_mem>>) src(%dma_wait3A_76 : memref<80x32xf32, #tpu.memory_space<vmem>>) dst(%dma_wait3A_80 : memref<10240x32xf32, #tpu.memory_space<vmem_shared>>)
      %dma_wait3A_81 = arith.constant 240 : i32
      %dma_wait3A_82 = arith.constant 0 : i32
      %dma_wait3A_83 = tpu.memref_slice %arg7[%dma_wait3A_81, %dma_wait3A_82] : memref<400x32xf32, #tpu.memory_space<vmem>> -> memref<80x32xf32, #tpu.memory_space<vmem>>
      %dma_wait3A_84 = tpu.memref_slice %arg6[%add3A_44] : memref<10000xi32, #tpu.memory_space<vmem>> -> memref<80xi32, #tpu.memory_space<vmem>>
      %dma_wait3A_85 = arith.constant 0 : i32
      %dma_wait3A_86 = arith.constant 0 : i32
      %dma_wait3A_87 = tpu.memref_slice %arg8[%dma_wait3A_85, %dma_wait3A_86] : memref<10240x32xf32, #tpu.memory_space<vmem_shared>> -> memref<10240x32xf32, #tpu.memory_space<vmem_shared>>
      tpu.wait_indirect_dma semaphore(%arg9 : memref<!tpu.dma_semaphore, #tpu.memory_space<semaphore_mem>>) src(%dma_wait3A_83 : memref<80x32xf32, #tpu.memory_space<vmem>>) dst(%dma_wait3A_87 : memref<10240x32xf32, #tpu.memory_space<vmem_shared>>)
      %dma_wait3A_88 = arith.constant 320 : i32
      %dma_wait3A_89 = arith.constant 0 : i32
      %dma_wait3A_90 = tpu.memref_slice %arg7[%dma_wait3A_88, %dma_wait3A_89] : memref<400x32xf32, #tpu.memory_space<vmem>> -> memref<80x32xf32, #tpu.memory_space<vmem>>
      %dma_wait3A_91 = tpu.memref_slice %arg6[%add3A_53] : memref<10000xi32, #tpu.memory_space<vmem>> -> memref<80xi32, #tpu.memory_space<vmem>>
      %dma_wait3A_92 = arith.constant 0 : i32
      %dma_wait3A_93 = arith.constant 0 : i32
      %dma_wait3A_94 = tpu.memref_slice %arg8[%dma_wait3A_92, %dma_wait3A_93] : memref<10240x32xf32, #tpu.memory_space<vmem_shared>> -> memref<10240x32xf32, #tpu.memory_space<vmem_shared>>
      tpu.wait_indirect_dma semaphore(%arg9 : memref<!tpu.dma_semaphore, #tpu.memory_space<semaphore_mem>>) src(%dma_wait3A_90 : memref<80x32xf32, #tpu.memory_space<vmem>>) dst(%dma_wait3A_94 : memref<10240x32xf32, #tpu.memory_space<vmem_shared>>)
    }
    %scan3A_9 = arith.constant 25 : i32
    %barrier3A_10 = arith.constant 0 : index
    tpu.barrier barrier_id(%barrier3A_10)
    %mul3A_11 = arith.constant 640 : i32
    %mul3A_12 = arith.muli %arg1, %mul3A_11 : i32
    "tpu.region"() ({
      %run_scoped3A = tpu.sem_alloc : memref<!tpu.dma_semaphore, #tpu.memory_space<semaphore_mem>>
      %dma_start3A = arith.constant 0 : i32
      %dma_start3A_13 = arith.constant 0 : i32
      %dma_start3A_14 = tpu.memref_slice %arg5[%arg0, %dma_start3A, %dma_start3A_13] : memref<2x10240x32xf32, #tpu.memory_space<hbm>> -> memref<1x10240x32xf32, #tpu.memory_space<hbm>>
      %dma_start3A_15 = tpu.memref_squeeze %dma_start3A_14 : memref<1x10240x32xf32, #tpu.memory_space<hbm>> -> memref<10240x32xf32, #tpu.memory_space<hbm>>
      %dma_start3A_16 = arith.constant 0 : i32
      %dma_start3A_17 = tpu.memref_slice %dma_start3A_15[%mul3A_12, %dma_start3A_16] : memref<10240x32xf32, #tpu.memory_space<hbm>> -> memref<640x32xf32, #tpu.memory_space<hbm>>
      %dma_start3A_18 = arith.constant 0 : i32
      %dma_start3A_19 = tpu.memref_slice %arg8[%mul3A_12, %dma_start3A_18] : memref<10240x32xf32, #tpu.memory_space<vmem_shared>> -> memref<640x32xf32, #tpu.memory_space<vmem_shared>>
      tpu.enqueue_dma source(%dma_start3A_19 : memref<640x32xf32, #tpu.memory_space<vmem_shared>>) target(%dma_start3A_17 : memref<640x32xf32, #tpu.memory_space<hbm>>) target_semaphore(%run_scoped3A : memref<!tpu.dma_semaphore, #tpu.memory_space<semaphore_mem>>)
      %dma_wait3A = arith.constant 0 : i32
      %dma_wait3A_20 = arith.constant 0 : i32
      %dma_wait3A_21 = tpu.memref_slice %arg5[%arg0, %dma_wait3A, %dma_wait3A_20] : memref<2x10240x32xf32, #tpu.memory_space<hbm>> -> memref<1x10240x32xf32, #tpu.memory_space<hbm>>
      %dma_wait3A_22 = tpu.memref_squeeze %dma_wait3A_21 : memref<1x10240x32xf32, #tpu.memory_space<hbm>> -> memref<10240x32xf32, #tpu.memory_space<hbm>>
      %dma_wait3A_23 = arith.constant 0 : i32
      %dma_wait3A_24 = tpu.memref_slice %dma_wait3A_22[%mul3A_12, %dma_wait3A_23] : memref<10240x32xf32, #tpu.memory_space<hbm>> -> memref<640x32xf32, #tpu.memory_space<hbm>>
      %dma_wait3A_25 = arith.constant 0 : i32
      %dma_wait3A_26 = tpu.memref_slice %arg8[%mul3A_12, %dma_wait3A_25] : memref<10240x32xf32, #tpu.memory_space<vmem_shared>> -> memref<640x32xf32, #tpu.memory_space<vmem_shared>>
      tpu.wait_dma2 semaphore(%run_scoped3A : memref<!tpu.dma_semaphore, #tpu.memory_space<semaphore_mem>>) src(%dma_wait3A_26 : memref<640x32xf32, #tpu.memory_space<vmem_shared>>) dst(%dma_wait3A_24 : memref<640x32xf32, #tpu.memory_space<hbm>>)
      tpu.yield
    }) : () -> ()
    return
  }
}

module attributes {stable_mosaic.version = 14 : i64} {
  func.func @_node_pre_body(%arg0: i32, %arg1: memref<400x128xf32, #tpu.memory_space<vmem>>, %arg2: memref<400x8xf32, #tpu.memory_space<vmem>>, %arg3: memref<400x24xf32, #tpu.memory_space<vmem>>, %arg4: memref<128x40xf32, #tpu.memory_space<vmem>>, %arg5: memref<8x40xf32, #tpu.memory_space<vmem>>, %arg6: memref<24x80xf32, #tpu.memory_space<vmem>>, %arg7: memref<400x40xf32, #tpu.memory_space<vmem>>, %arg8: memref<400x40xf32, #tpu.memory_space<vmem>>, %arg9: memref<400x32xf32, #tpu.memory_space<vmem>>, %arg10: memref<400x32xf32, #tpu.memory_space<vmem>>, %arg11: memref<400x32xf32, #tpu.memory_space<vmem>>, %arg12: memref<400x20xf32, #tpu.memory_space<vmem>>) attributes {dimension_semantics = [#tpu.dimension_semantics<arbitrary>], iteration_bounds = array<i64: 25>, scalar_prefetch = 0 : i64, scratch_operands = 0 : i64, tpu.core_type = #tpu.core_type<tc>, window_params = [{transform_indices = @transform_0, window_bounds = array<i64: 400, 128>}, {transform_indices = @transform_1, window_bounds = array<i64: 400, 8>}, {transform_indices = @transform_2, window_bounds = array<i64: 400, 24>}, {pipeline_mode = #tpu.pipeline_mode<synchronous>, transform_indices = @transform_3, window_bounds = array<i64: 128, 40>}, {pipeline_mode = #tpu.pipeline_mode<synchronous>, transform_indices = @transform_4, window_bounds = array<i64: 8, 40>}, {pipeline_mode = #tpu.pipeline_mode<synchronous>, transform_indices = @transform_5, window_bounds = array<i64: 24, 80>}, {transform_indices = @transform_6, window_bounds = array<i64: 400, 40>}, {transform_indices = @transform_7, window_bounds = array<i64: 400, 40>}, {transform_indices = @transform_8, window_bounds = array<i64: 400, 32>}, {transform_indices = @transform_9, window_bounds = array<i64: 400, 32>}, {transform_indices = @transform_10, window_bounds = array<i64: 400, 32>}, {transform_indices = @transform_11, window_bounds = array<i64: 400, 20>}]} {
    %get3A = arith.constant 0 : index
    %get3A_0 = arith.constant 0 : index
    %get3A_1 = vector.load %arg1[%get3A, %get3A_0] : memref<400x128xf32, #tpu.memory_space<vmem>>, vector<400x128xf32>
    %get3A_2 = arith.constant 0 : index
    %get3A_3 = arith.constant 0 : index
    %get3A_4 = vector.load %arg4[%get3A_2, %get3A_3] : memref<128x40xf32, #tpu.memory_space<vmem>>, vector<128x40xf32>
    %dot_general3A = arith.constant dense<0.000000e+00> : vector<400x40xf32>
    %dot_general3A_5 = tpu.matmul %get3A_1, %get3A_4, %dot_general3A {dimension_numbers = #tpu.dot_dimension_numbers<[1], [0], [0], [1], [0, 0, 1, 1], [], []>, transpose_lhs_hint = false} : vector<400x128xf32>, vector<128x40xf32>, vector<400x40xf32> -> vector<400x40xf32>
    %swap3A = arith.constant 0 : index
    %swap3A_6 = arith.constant 0 : index
    %swap3A_7 = vector.load %arg7[%swap3A, %swap3A_6] : memref<400x40xf32, #tpu.memory_space<vmem>>, vector<400x40xf32>
    tpu.vector_store %arg7[%swap3A, %swap3A_6], %dot_general3A_5 {strides = array<i32>} : memref<400x40xf32, #tpu.memory_space<vmem>>, vector<400x40xf32>,
    %get3A_8 = arith.constant 0 : index
    %get3A_9 = arith.constant 0 : index
    %get3A_10 = vector.load %arg2[%get3A_8, %get3A_9] : memref<400x8xf32, #tpu.memory_space<vmem>>, vector<400x8xf32>
    %get3A_11 = arith.constant 0 : index
    %get3A_12 = arith.constant 0 : index
    %get3A_13 = vector.load %arg5[%get3A_11, %get3A_12] : memref<8x40xf32, #tpu.memory_space<vmem>>, vector<8x40xf32>
    %dot_general3A_14 = arith.constant dense<0.000000e+00> : vector<400x40xf32>
    %dot_general3A_15 = tpu.matmul %get3A_10, %get3A_13, %dot_general3A_14 {dimension_numbers = #tpu.dot_dimension_numbers<[1], [0], [0], [1], [0, 0, 1, 1], [], []>, transpose_lhs_hint = false} : vector<400x8xf32>, vector<8x40xf32>, vector<400x40xf32> -> vector<400x40xf32>
    %swap3A_16 = arith.constant 0 : index
    %swap3A_17 = arith.constant 0 : index
    %swap3A_18 = vector.load %arg8[%swap3A_16, %swap3A_17] : memref<400x40xf32, #tpu.memory_space<vmem>>, vector<400x40xf32>
    tpu.vector_store %arg8[%swap3A_16, %swap3A_17], %dot_general3A_15 {strides = array<i32>} : memref<400x40xf32, #tpu.memory_space<vmem>>, vector<400x40xf32>,
    %get3A_19 = arith.constant 0 : index
    %get3A_20 = arith.constant 0 : index
    %get3A_21 = vector.load %arg3[%get3A_19, %get3A_20] : memref<400x24xf32, #tpu.memory_space<vmem>>, vector<400x24xf32>
    %get3A_22 = arith.constant 0 : index
    %get3A_23 = arith.constant 0 : index
    %get3A_24 = vector.load %arg6[%get3A_22, %get3A_23] : memref<24x80xf32, #tpu.memory_space<vmem>>, vector<24x80xf32>
    %dot_general3A_25 = arith.constant dense<0.000000e+00> : vector<400x80xf32>
    %dot_general3A_26 = tpu.matmul %get3A_21, %get3A_24, %dot_general3A_25 {dimension_numbers = #tpu.dot_dimension_numbers<[1], [0], [0], [1], [0, 0, 1, 1], [], []>, transpose_lhs_hint = false} : vector<400x24xf32>, vector<24x80xf32>, vector<400x80xf32> -> vector<400x80xf32>
    %broadcast_in_dim3A = arith.constant 0.000000e+00 : f32
    %broadcast_in_dim3A_27 = vector.broadcast %broadcast_in_dim3A : f32 to vector<400x12xf32>
    %slice3A = vector.extract_strided_slice %dot_general3A_26 {offsets = [0, 0], sizes = [400, 20], strides = [1, 1]} : vector<400x80xf32> to vector<400x20xf32>
    %concatenate3A = tpu.concatenate %slice3A, %broadcast_in_dim3A_27 in 1 : vector<400x20xf32>, vector<400x12xf32> -> vector<400x32xf32>
    %swap3A_28 = arith.constant 0 : index
    %swap3A_29 = arith.constant 0 : index
    %swap3A_30 = vector.load %arg9[%swap3A_28, %swap3A_29] : memref<400x32xf32, #tpu.memory_space<vmem>>, vector<400x32xf32>
    tpu.vector_store %arg9[%swap3A_28, %swap3A_29], %concatenate3A {strides = array<i32>} : memref<400x32xf32, #tpu.memory_space<vmem>>, vector<400x32xf32>,
    %slice3A_31 = vector.extract_strided_slice %dot_general3A_26 {offsets = [0, 20], sizes = [400, 20], strides = [1, 1]} : vector<400x80xf32> to vector<400x20xf32>
    %concatenate3A_32 = tpu.concatenate %slice3A_31, %broadcast_in_dim3A_27 in 1 : vector<400x20xf32>, vector<400x12xf32> -> vector<400x32xf32>
    %swap3A_33 = arith.constant 0 : index
    %swap3A_34 = arith.constant 0 : index
    %swap3A_35 = vector.load %arg10[%swap3A_33, %swap3A_34] : memref<400x32xf32, #tpu.memory_space<vmem>>, vector<400x32xf32>
    tpu.vector_store %arg10[%swap3A_33, %swap3A_34], %concatenate3A_32 {strides = array<i32>} : memref<400x32xf32, #tpu.memory_space<vmem>>, vector<400x32xf32>,
    %slice3A_36 = vector.extract_strided_slice %dot_general3A_26 {offsets = [0, 40], sizes = [400, 20], strides = [1, 1]} : vector<400x80xf32> to vector<400x20xf32>
    %concatenate3A_37 = tpu.concatenate %slice3A_36, %broadcast_in_dim3A_27 in 1 : vector<400x20xf32>, vector<400x12xf32> -> vector<400x32xf32>
    %swap3A_38 = arith.constant 0 : index
    %swap3A_39 = arith.constant 0 : index
    %swap3A_40 = vector.load %arg11[%swap3A_38, %swap3A_39] : memref<400x32xf32, #tpu.memory_space<vmem>>, vector<400x32xf32>
    tpu.vector_store %arg11[%swap3A_38, %swap3A_39], %concatenate3A_37 {strides = array<i32>} : memref<400x32xf32, #tpu.memory_space<vmem>>, vector<400x32xf32>,
    %slice3A_41 = vector.extract_strided_slice %dot_general3A_26 {offsets = [0, 60], sizes = [400, 20], strides = [1, 1]} : vector<400x80xf32> to vector<400x20xf32>
    %swap3A_42 = arith.constant 0 : index
    %swap3A_43 = arith.constant 0 : index
    %swap3A_44 = vector.load %arg12[%swap3A_42, %swap3A_43] : memref<400x20xf32, #tpu.memory_space<vmem>>, vector<400x20xf32>
    tpu.vector_store %arg12[%swap3A_42, %swap3A_43], %slice3A_41 {strides = array<i32>} : memref<400x20xf32, #tpu.memory_space<vmem>>, vector<400x20xf32>,
    return
  }
  func.func @transform_0(%arg0: i32) -> (i32, i32) {
    %c0_i32 = arith.constant 0 : i32
    %c0_i32_0 = arith.constant 0 : i32
    return %arg0, %c0_i32 : i32, i32
  }
  func.func @transform_1(%arg0: i32) -> (i32, i32) {
    %c0_i32 = arith.constant 0 : i32
    %c0_i32_0 = arith.constant 0 : i32
    return %arg0, %c0_i32 : i32, i32
  }
  func.func @transform_2(%arg0: i32) -> (i32, i32) {
    %c0_i32 = arith.constant 0 : i32
    %c0_i32_0 = arith.constant 0 : i32
    return %arg0, %c0_i32 : i32, i32
  }
  func.func @transform_3(%arg0: i32) -> (i32, i32) {
    %c0_i32 = arith.constant 0 : i32
    %c0_i32_0 = arith.constant 0 : i32
    %c0_i32_1 = arith.constant 0 : i32
    return %c0_i32, %c0_i32_0 : i32, i32
  }
  func.func @transform_4(%arg0: i32) -> (i32, i32) {
    %c0_i32 = arith.constant 0 : i32
    %c0_i32_0 = arith.constant 0 : i32
    %c0_i32_1 = arith.constant 0 : i32
    return %c0_i32, %c0_i32_0 : i32, i32
  }
  func.func @transform_5(%arg0: i32) -> (i32, i32) {
    %c0_i32 = arith.constant 0 : i32
    %c0_i32_0 = arith.constant 0 : i32
    %c0_i32_1 = arith.constant 0 : i32
    return %c0_i32, %c0_i32_0 : i32, i32
  }
  func.func @transform_6(%arg0: i32) -> (i32, i32) {
    %c0_i32 = arith.constant 0 : i32
    %c0_i32_0 = arith.constant 0 : i32
    return %arg0, %c0_i32 : i32, i32
  }
  func.func @transform_7(%arg0: i32) -> (i32, i32) {
    %c0_i32 = arith.constant 0 : i32
    %c0_i32_0 = arith.constant 0 : i32
    return %arg0, %c0_i32 : i32, i32
  }
  func.func @transform_8(%arg0: i32) -> (i32, i32) {
    %c0_i32 = arith.constant 0 : i32
    %c0_i32_0 = arith.constant 0 : i32
    return %arg0, %c0_i32 : i32, i32
  }
  func.func @transform_9(%arg0: i32) -> (i32, i32) {
    %c0_i32 = arith.constant 0 : i32
    %c0_i32_0 = arith.constant 0 : i32
    return %arg0, %c0_i32 : i32, i32
  }
  func.func @transform_10(%arg0: i32) -> (i32, i32) {
    %c0_i32 = arith.constant 0 : i32
    %c0_i32_0 = arith.constant 0 : i32
    return %arg0, %c0_i32 : i32, i32
  }
  func.func @transform_11(%arg0: i32) -> (i32, i32) {
    %c0_i32 = arith.constant 0 : i32
    %c0_i32_0 = arith.constant 0 : i32
    return %arg0, %c0_i32 : i32, i32
  }
}

module attributes {stable_mosaic.version = 14 : i64} {
  func.func @_combine_body(%arg0: i32, %arg1: memref<2x2000x40xf32, #tpu.memory_space<vmem>>, %arg2: memref<2000x40xf32, #tpu.memory_space<vmem>>, %arg3: memref<2000x32xf32, #tpu.memory_space<vmem>>, %arg4: memref<2000x32xf32, #tpu.memory_space<vmem>>) attributes {dimension_semantics = [#tpu.dimension_semantics<arbitrary>], iteration_bounds = array<i64: 5>, scalar_prefetch = 0 : i64, scratch_operands = 0 : i64, tpu.core_type = #tpu.core_type<tc>, window_params = [{transform_indices = @transform_0, window_bounds = array<i64: 2, 2000, 40>}, {transform_indices = @transform_1, window_bounds = array<i64: 2000, 40>}, {transform_indices = @transform_2, window_bounds = array<i64: 2000, 32>}, {transform_indices = @transform_3, window_bounds = array<i64: 2000, 32>}]} {
    %get3A = arith.constant 0 : index
    %get3A_0 = arith.constant 0 : index
    %get3A_1 = arith.constant 0 : index
    %get3A_2 = vector.load %arg1[%get3A, %get3A_0, %get3A_1] : memref<2x2000x40xf32, #tpu.memory_space<vmem>>, vector<1x2000x40xf32>
    %get3A_3 = vector.shape_cast %get3A_2 : vector<1x2000x40xf32> to vector<2000x40xf32>
    %get3A_4 = arith.constant 1 : index
    %get3A_5 = arith.constant 0 : index
    %get3A_6 = arith.constant 0 : index
    %get3A_7 = vector.load %arg1[%get3A_4, %get3A_5, %get3A_6] : memref<2x2000x40xf32, #tpu.memory_space<vmem>>, vector<1x2000x40xf32>
    %get3A_8 = vector.shape_cast %get3A_7 : vector<1x2000x40xf32> to vector<2000x40xf32>
    %add3A = arith.addf %get3A_3, %get3A_8 : vector<2000x40xf32>
    %get3A_9 = arith.constant 0 : index
    %get3A_10 = arith.constant 0 : index
    %get3A_11 = vector.load %arg2[%get3A_9, %get3A_10] : memref<2000x40xf32, #tpu.memory_space<vmem>>, vector<2000x40xf32>
    %add3A_12 = arith.addf %add3A, %get3A_11 : vector<2000x40xf32>
    %broadcast_in_dim3A = arith.constant 0.000000e+00 : f32
    %broadcast_in_dim3A_13 = vector.broadcast %broadcast_in_dim3A : f32 to vector<2000x12xf32>
    %slice3A = vector.extract_strided_slice %add3A_12 {offsets = [0, 0], sizes = [2000, 20], strides = [1, 1]} : vector<2000x40xf32> to vector<2000x20xf32>
    %concatenate3A = tpu.concatenate %slice3A, %broadcast_in_dim3A_13 in 1 : vector<2000x20xf32>, vector<2000x12xf32> -> vector<2000x32xf32>
    %swap3A = arith.constant 0 : index
    %swap3A_14 = arith.constant 0 : index
    %swap3A_15 = vector.load %arg3[%swap3A, %swap3A_14] : memref<2000x32xf32, #tpu.memory_space<vmem>>, vector<2000x32xf32>
    tpu.vector_store %arg3[%swap3A, %swap3A_14], %concatenate3A {strides = array<i32>} : memref<2000x32xf32, #tpu.memory_space<vmem>>, vector<2000x32xf32>,
    %slice3A_16 = vector.extract_strided_slice %add3A_12 {offsets = [0, 20], sizes = [2000, 20], strides = [1, 1]} : vector<2000x40xf32> to vector<2000x20xf32>
    %concatenate3A_17 = tpu.concatenate %slice3A_16, %broadcast_in_dim3A_13 in 1 : vector<2000x20xf32>, vector<2000x12xf32> -> vector<2000x32xf32>
    %swap3A_18 = arith.constant 0 : index
    %swap3A_19 = arith.constant 0 : index
    %swap3A_20 = vector.load %arg4[%swap3A_18, %swap3A_19] : memref<2000x32xf32, #tpu.memory_space<vmem>>, vector<2000x32xf32>
    tpu.vector_store %arg4[%swap3A_18, %swap3A_19], %concatenate3A_17 {strides = array<i32>} : memref<2000x32xf32, #tpu.memory_space<vmem>>, vector<2000x32xf32>,
    return
  }
  func.func @transform_0(%arg0: i32) -> (i32, i32, i32) {
    %c0_i32 = arith.constant 0 : i32
    %c0_i32_0 = arith.constant 0 : i32
    %c0_i32_1 = arith.constant 0 : i32
    return %c0_i32, %arg0, %c0_i32_0 : i32, i32, i32
  }
  func.func @transform_1(%arg0: i32) -> (i32, i32) {
    %c0_i32 = arith.constant 0 : i32
    %c0_i32_0 = arith.constant 0 : i32
    return %arg0, %c0_i32 : i32, i32
  }
  func.func @transform_2(%arg0: i32) -> (i32, i32) {
    %c0_i32 = arith.constant 0 : i32
    %c0_i32_0 = arith.constant 0 : i32
    return %arg0, %c0_i32 : i32, i32
  }
  func.func @transform_3(%arg0: i32) -> (i32, i32) {
    %c0_i32 = arith.constant 0 : i32
    %c0_i32_0 = arith.constant 0 : i32
    return %arg0, %c0_i32 : i32, i32
  }
}

module attributes {stable_mosaic.version = 14 : i64} {
  func.func @_edge_dense_body(%arg0: i32, %arg1: memref<2000x128xf32, #tpu.memory_space<vmem>>, %arg2: memref<2000x128xf32, #tpu.memory_space<vmem>>, %arg3: memref<2000x128xf32, #tpu.memory_space<vmem>>, %arg4: memref<2000x128xf32, #tpu.memory_space<vmem>>, %arg5: memref<2000x128xf32, #tpu.memory_space<vmem>>, %arg6: memref<2000x72xf32, #tpu.memory_space<vmem>>, %arg7: memref<72x128xf32, #tpu.memory_space<vmem>>, %arg8: memref<128x8xf32, #tpu.memory_space<vmem>>, %arg9: memref<8x128xf32, #tpu.memory_space<vmem>>, %arg10: memref<2000x128xf32, #tpu.memory_space<vmem>>) attributes {dimension_semantics = [#tpu.dimension_semantics<arbitrary>], iteration_bounds = array<i64: 40>, scalar_prefetch = 0 : i64, scratch_operands = 0 : i64, tpu.core_type = #tpu.core_type<tc>, window_params = [{transform_indices = @transform_0, window_bounds = array<i64: 2000, 128>}, {transform_indices = @transform_1, window_bounds = array<i64: 2000, 128>}, {transform_indices = @transform_2, window_bounds = array<i64: 2000, 128>}, {transform_indices = @transform_3, window_bounds = array<i64: 2000, 128>}, {transform_indices = @transform_4, window_bounds = array<i64: 2000, 128>}, {transform_indices = @transform_5, window_bounds = array<i64: 2000, 72>}, {pipeline_mode = #tpu.pipeline_mode<synchronous>, transform_indices = @transform_6, window_bounds = array<i64: 72, 128>}, {pipeline_mode = #tpu.pipeline_mode<synchronous>, transform_indices = @transform_7, window_bounds = array<i64: 128, 8>}, {pipeline_mode = #tpu.pipeline_mode<synchronous>, transform_indices = @transform_8, window_bounds = array<i64: 8, 128>}, {transform_indices = @transform_9, window_bounds = array<i64: 2000, 128>}]} {
    %iota3A = tpu.iota {dimensions = array<i32: 1>} : vector<2000x128xi32>
    %jit3A = arith.constant 32 : i32
    %eq3A = arith.constant 0 : i32
    %eq3A_0 = arith.cmpi eq, %jit3A, %eq3A : i32
    %jit3A_1 = arith.constant 1 : i32
    %select_n3A = arith.select %eq3A_0, %jit3A_1, %jit3A : i32
    %rem3A = vector.broadcast %select_n3A : i32 to vector<2000x128xi32>
    %rem3A_2 = arith.remsi %iota3A, %rem3A : vector<2000x128xi32>
    %ne3A = arith.constant 0 : i32
    %ne3A_3 = vector.broadcast %ne3A : i32 to vector<2000x128xi32>
    %ne3A_4 = arith.cmpi ne, %rem3A_2, %ne3A_3 : vector<2000x128xi32>
    %lt3A = arith.constant 0 : i32
    %lt3A_5 = vector.broadcast %lt3A : i32 to vector<2000x128xi32>
    %lt3A_6 = arith.cmpi slt, %rem3A_2, %lt3A_5 : vector<2000x128xi32>
    %lt3A_7 = arith.constant 0 : i32
    %lt3A_8 = arith.cmpi slt, %select_n3A, %lt3A_7 : i32
    %ne3A_9 = vector.broadcast %lt3A_8 : i1 to vector<2000x128xi1>
    %ne3A_10 = vector.broadcast %ne3A_9 : vector<2000x128xi1> to vector<2000x128xi1>
    %ne3A_11 = arith.xori %lt3A_6, %ne3A_10 : vector<2000x128xi1>
    %and3A = arith.andi %ne3A_11, %ne3A_4 : vector<2000x128xi1>
    %add3A = vector.broadcast %select_n3A : i32 to vector<2000x128xi32>
    %add3A_12 = arith.addi %rem3A_2, %add3A : vector<2000x128xi32>
    %select_n3A_13 = arith.select %and3A, %add3A_12, %rem3A_2 : vector<2000x128xi1>, vector<2000x128xi32>
    %get3A = arith.constant 0 : index
    %get3A_14 = arith.constant 0 : index
    %get3A_15 = vector.load %arg6[%get3A, %get3A_14] : memref<2000x72xf32, #tpu.memory_space<vmem>>, vector<2000x72xf32>
    %get3A_16 = arith.constant 0 : index
    %get3A_17 = arith.constant 0 : index
    %get3A_18 = vector.load %arg7[%get3A_16, %get3A_17] : memref<72x128xf32, #tpu.memory_space<vmem>>, vector<72x128xf32>
    %dot_general3A = arith.constant dense<0.000000e+00> : vector<2000x128xf32>
    %dot_general3A_19 = tpu.matmul %get3A_15, %get3A_18, %dot_general3A {dimension_numbers = #tpu.dot_dimension_numbers<[1], [0], [0], [1], [0, 0, 1, 1], [], []>, transpose_lhs_hint = false} : vector<2000x72xf32>, vector<72x128xf32>, vector<2000x128xf32> -> vector<2000x128xf32>
    %get3A_20 = arith.constant 1 : index
    %get3A_21 = arith.constant 0 : index
    %get3A_22 = vector.load %arg9[%get3A_20, %get3A_21] : memref<8x128xf32, #tpu.memory_space<vmem>>, vector<1x128xf32>
    %add3A_23 = vector.broadcast %get3A_22 : vector<1x128xf32> to vector<2000x128xf32>
    %add3A_24 = arith.addf %dot_general3A_19, %add3A_23 : vector<2000x128xf32>
    %get3A_25 = arith.constant 0 : index
    %get3A_26 = arith.constant 0 : index
    %get3A_27 = vector.load %arg4[%get3A_25, %get3A_26] : memref<2000x128xf32, #tpu.memory_space<vmem>>, vector<2000x128xf32>
    %get3A_28 = arith.constant 0 : index
    %get3A_29 = arith.constant 0 : index
    %get3A_30 = vector.load %arg5[%get3A_28, %get3A_29] : memref<2000x128xf32, #tpu.memory_space<vmem>>, vector<2000x128xf32>
    %add3A_31 = arith.addf %get3A_27, %get3A_30 : vector<2000x128xf32>
    %add3A_32 = arith.addf %add3A_31, %add3A_24 : vector<2000x128xf32>
    %get3A_33 = arith.constant 0 : index
    %get3A_34 = arith.constant 0 : index
    %get3A_35 = vector.load %arg2[%get3A_33, %get3A_34] : memref<2000x128xf32, #tpu.memory_space<vmem>>, vector<2000x128xf32>
    %add3A_36 = arith.addf %get3A_35, %add3A_32 : vector<2000x128xf32>
    %get3A_37 = arith.constant 0 : index
    %get3A_38 = arith.constant 0 : index
    %get3A_39 = vector.load %arg3[%get3A_37, %get3A_38] : memref<2000x128xf32, #tpu.memory_space<vmem>>, vector<2000x128xf32>
    %add3A_40 = arith.addf %get3A_39, %add3A_32 : vector<2000x128xf32>
    %get3A_41 = arith.constant 0 : index
    %get3A_42 = arith.constant 0 : index
    %get3A_43 = vector.load %arg1[%get3A_41, %get3A_42] : memref<2000x128xf32, #tpu.memory_space<vmem>>, vector<2000x128xf32>
    %mul3A = arith.mulf %get3A_43, %add3A_36 : vector<2000x128xf32>
    %get3A_44 = arith.constant 0 : index
    %get3A_45 = arith.constant 0 : index
    %get3A_46 = vector.load %arg8[%get3A_44, %get3A_45] : memref<128x8xf32, #tpu.memory_space<vmem>>, vector<128x8xf32>
    %dot_general3A_47 = arith.constant dense<0.000000e+00> : vector<2000x8xf32>
    %dot_general3A_48 = tpu.matmul %mul3A, %get3A_46, %dot_general3A_47 {dimension_numbers = #tpu.dot_dimension_numbers<[1], [0], [0], [1], [0, 0, 1, 1], [], []>, transpose_lhs_hint = false} : vector<2000x128xf32>, vector<128x8xf32>, vector<2000x8xf32> -> vector<2000x8xf32>
    %slice3A = vector.extract_strided_slice %dot_general3A_48 {offsets = [0, 0], sizes = [2000, 4], strides = [1, 1]} : vector<2000x8xf32> to vector<2000x4xf32>
    %mul3A_49 = arith.constant 0.223606795 : f32
    %mul3A_50 = vector.broadcast %mul3A_49 : f32 to vector<2000x4xf32>
    %mul3A_51 = arith.mulf %slice3A, %mul3A_50 : vector<2000x4xf32>
    %sub3A = arith.constant 1.500000e+01 : f32
    %sub3A_52 = vector.broadcast %sub3A : f32 to vector<2000x4xf32>
    %sub3A_53 = arith.subf %mul3A_51, %sub3A_52 : vector<2000x4xf32>
    %exp3A = math.exp %sub3A_53 : vector<2000x4xf32>
    %get3A_54 = arith.constant 2 : index
    %get3A_55 = arith.constant 0 : index
    %get3A_56 = vector.load %arg9[%get3A_54, %get3A_55] : memref<8x128xf32, #tpu.memory_space<vmem>>, vector<4x128xf32>
    %dot_general3A_57 = arith.constant dense<0.000000e+00> : vector<2000x128xf32>
    %dot_general3A_58 = tpu.matmul %exp3A, %get3A_56, %dot_general3A_57 {dimension_numbers = #tpu.dot_dimension_numbers<[1], [0], [0], [1], [0, 0, 1, 1], [], []>, transpose_lhs_hint = false} : vector<2000x4xf32>, vector<4x128xf32>, vector<2000x128xf32> -> vector<2000x128xf32>
    %lt3A_59 = arith.constant 20 : i32
    %lt3A_60 = vector.broadcast %lt3A_59 : i32 to vector<2000x128xi32>
    %lt3A_61 = arith.cmpi slt, %select_n3A_13, %lt3A_60 : vector<2000x128xi32>
    %mul3A_62 = arith.mulf %dot_general3A_58, %add3A_40 : vector<2000x128xf32>
    %eq3A_63 = arith.constant 20 : i32
    %eq3A_64 = vector.broadcast %eq3A_63 : i32 to vector<2000x128xi32>
    %eq3A_65 = arith.cmpi eq, %select_n3A_13, %eq3A_64 : vector<2000x128xi32>
    %jit3A_66 = arith.constant 0.000000e+00 : f32
    %broadcast_in_dim3A = vector.broadcast %jit3A_66 : f32 to vector<2000x128xf32>
    %select_n3A_67 = arith.select %eq3A_65, %dot_general3A_58, %broadcast_in_dim3A : vector<2000x128xi1>, vector<2000x128xf32>
    %select_n3A_68 = arith.select %lt3A_61, %mul3A_62, %select_n3A_67 : vector<2000x128xi1>, vector<2000x128xf32>
    %swap3A = arith.constant 0 : index
    %swap3A_69 = arith.constant 0 : index
    %swap3A_70 = vector.load %arg10[%swap3A, %swap3A_69] : memref<2000x128xf32, #tpu.memory_space<vmem>>, vector<2000x128xf32>
    tpu.vector_store %arg10[%swap3A, %swap3A_69], %select_n3A_68 {strides = array<i32>} : memref<2000x128xf32, #tpu.memory_space<vmem>>, vector<2000x128xf32>,
    return
  }
  func.func @transform_0(%arg0: i32) -> (i32, i32) {
    %c0_i32 = arith.constant 0 : i32
    %c0_i32_0 = arith.constant 0 : i32
    return %arg0, %c0_i32 : i32, i32
  }
  func.func @transform_1(%arg0: i32) -> (i32, i32) {
    %c0_i32 = arith.constant 0 : i32
    %c0_i32_0 = arith.constant 0 : i32
    return %arg0, %c0_i32 : i32, i32
  }
  func.func @transform_2(%arg0: i32) -> (i32, i32) {
    %c0_i32 = arith.constant 0 : i32
    %c0_i32_0 = arith.constant 0 : i32
    return %arg0, %c0_i32 : i32, i32
  }
  func.func @transform_3(%arg0: i32) -> (i32, i32) {
    %c0_i32 = arith.constant 0 : i32
    %c0_i32_0 = arith.constant 0 : i32
    return %arg0, %c0_i32 : i32, i32
  }
  func.func @transform_4(%arg0: i32) -> (i32, i32) {
    %c0_i32 = arith.constant 0 : i32
    %c0_i32_0 = arith.constant 0 : i32
    return %arg0, %c0_i32 : i32, i32
  }
  func.func @transform_5(%arg0: i32) -> (i32, i32) {
    %c0_i32 = arith.constant 0 : i32
    %c0_i32_0 = arith.constant 0 : i32
    return %arg0, %c0_i32 : i32, i32
  }
  func.func @transform_6(%arg0: i32) -> (i32, i32) {
    %c0_i32 = arith.constant 0 : i32
    %c0_i32_0 = arith.constant 0 : i32
    %c0_i32_1 = arith.constant 0 : i32
    return %c0_i32, %c0_i32_0 : i32, i32
  }
  func.func @transform_7(%arg0: i32) -> (i32, i32) {
    %c0_i32 = arith.constant 0 : i32
    %c0_i32_0 = arith.constant 0 : i32
    %c0_i32_1 = arith.constant 0 : i32
    return %c0_i32, %c0_i32_0 : i32, i32
  }
  func.func @transform_8(%arg0: i32) -> (i32, i32) {
    %c0_i32 = arith.constant 0 : i32
    %c0_i32_0 = arith.constant 0 : i32
    %c0_i32_1 = arith.constant 0 : i32
    return %c0_i32, %c0_i32_0 : i32, i32
  }
  func.func @transform_9(%arg0: i32) -> (i32, i32) {
    %c0_i32 = arith.constant 0 : i32
    %c0_i32_0 = arith.constant 0 : i32
    return %arg0, %c0_i32 : i32, i32
  }
}

module attributes {stable_mosaic.version = 14 : i64} {
  func.func @_final_body(%arg0: i32, %arg1: memref<2x2000x32xf32, #tpu.memory_space<vmem>>, %arg2: memref<2000x20xf32, #tpu.memory_space<vmem>>, %arg3: memref<2000x20xf32, #tpu.memory_space<vmem>>) attributes {dimension_semantics = [#tpu.dimension_semantics<arbitrary>], iteration_bounds = array<i64: 5>, scalar_prefetch = 0 : i64, scratch_operands = 0 : i64, tpu.core_type = #tpu.core_type<tc>, window_params = [{transform_indices = @transform_0, window_bounds = array<i64: 2, 2000, 32>}, {transform_indices = @transform_1, window_bounds = array<i64: 2000, 20>}, {transform_indices = @transform_2, window_bounds = array<i64: 2000, 20>}]} {
    %get3A = arith.constant 0 : index
    %get3A_0 = arith.constant 0 : index
    %get3A_1 = arith.constant 0 : index
    %get3A_2 = vector.load %arg1[%get3A, %get3A_0, %get3A_1] : memref<2x2000x32xf32, #tpu.memory_space<vmem>>, vector<1x2000x32xf32>
    %get3A_3 = vector.shape_cast %get3A_2 : vector<1x2000x32xf32> to vector<2000x32xf32>
    %get3A_4 = arith.constant 1 : index
    %get3A_5 = arith.constant 0 : index
    %get3A_6 = arith.constant 0 : index
    %get3A_7 = vector.load %arg1[%get3A_4, %get3A_5, %get3A_6] : memref<2x2000x32xf32, #tpu.memory_space<vmem>>, vector<1x2000x32xf32>
    %get3A_8 = vector.shape_cast %get3A_7 : vector<1x2000x32xf32> to vector<2000x32xf32>
    %add3A = arith.addf %get3A_3, %get3A_8 : vector<2000x32xf32>
    %slice3A = vector.extract_strided_slice %add3A {offsets = [0, 20], sizes = [2000, 1], strides = [1, 1]} : vector<2000x32xf32> to vector<2000x1xf32>
    %slice3A_9 = vector.extract_strided_slice %add3A {offsets = [0, 0], sizes = [2000, 20], strides = [1, 1]} : vector<2000x32xf32> to vector<2000x20xf32>
    %add3A_10 = arith.constant 1.000000e-16 : f32
    %add3A_11 = vector.broadcast %add3A_10 : f32 to vector<2000x1xf32>
    %add3A_12 = arith.addf %slice3A, %add3A_11 : vector<2000x1xf32>
    %div3A = vector.broadcast %add3A_12 : vector<2000x1xf32> to vector<2000x20xf32>
    %div3A_13 = arith.divf %slice3A_9, %div3A : vector<2000x20xf32>
    %get3A_14 = arith.constant 0 : index
    %get3A_15 = arith.constant 0 : index
    %get3A_16 = vector.load %arg2[%get3A_14, %get3A_15] : memref<2000x20xf32, #tpu.memory_space<vmem>>, vector<2000x20xf32>
    %add3A_17 = arith.addf %div3A_13, %get3A_16 : vector<2000x20xf32>
    %swap3A = arith.constant 0 : index
    %swap3A_18 = arith.constant 0 : index
    %swap3A_19 = vector.load %arg3[%swap3A, %swap3A_18] : memref<2000x20xf32, #tpu.memory_space<vmem>>, vector<2000x20xf32>
    tpu.vector_store %arg3[%swap3A, %swap3A_18], %add3A_17 {strides = array<i32>} : memref<2000x20xf32, #tpu.memory_space<vmem>>, vector<2000x20xf32>,
    return
  }
  func.func @transform_0(%arg0: i32) -> (i32, i32, i32) {
    %c0_i32 = arith.constant 0 : i32
    %c0_i32_0 = arith.constant 0 : i32
    %c0_i32_1 = arith.constant 0 : i32
    return %c0_i32, %arg0, %c0_i32_0 : i32, i32, i32
  }
  func.func @transform_1(%arg0: i32) -> (i32, i32) {
    %c0_i32 = arith.constant 0 : i32
    %c0_i32_0 = arith.constant 0 : i32
    return %arg0, %c0_i32 : i32, i32
  }
  func.func @transform_2(%arg0: i32) -> (i32, i32) {
    %c0_i32 = arith.constant 0 : i32
    %c0_i32_0 = arith.constant 0 : i32
    return %arg0, %c0_i32 : i32, i32
  }
}

</mosaic_0001>

<sc_bundles>
// kernel: _run.12.cloned.1.call-start
scs
__scs_entry_jumppad:
0x0: {  	(pc) =	sbr.rel $0x88, $3  }
0x1: {  	(tag) =	ssettag $0x0;
	lr =	simm.s32 $0x1  }
0x2: {  	[smem:$0x3F8D] =	sst lr;
	_ =	strace $0xD0000000  }
0x3: {  	_ = 	snop  }
0x4: {  	_ = 	snop  }
0x5: {  	_ = 	snop  }
0x6: {  	_ = 	snop  }
0x7: {  	_ = 	snop  }
__scs_overlays_trampoline_lowered:
0x8: {  	[smem:$0x3F9C] =	sst s0  }
0x9: {  	[smem:$0x3F9D] =	sst s1  }
0xa: {  	[smem:$0x3F9E] =	sst s2  }
0xb: {  	[smem:$0x3F9F] =	sst s3  }
0xc: {  	[smem:$0x3FA0] =	sst s4  }
0xd: {  	[smem:$0x3FA1] =	sst s5  }
0xe: {  	[smem:$0x3FA2] =	sst s6  }
0xf: {  	[smem:$0x3FA3] =	sst s7  }
0x10: {  	[smem:$0x3FA4] =	sst s8  }
0x11: {  	[smem:$0x3FA5] =	sst s9;
	s0 =	simm.s32 @!p0 $0x0  }
0x12: {  	s1 =	sld [smem:$0x3F8B];
	s0 =	simm.s32 @p0 $0x1  }
0x13: {  	[smem:$0x3FA6] =	sst s0;
	s0 =	simm.s32 @!p1 $0x0  }
0x14: {  	s2 =	sld [smem:$0x3F8A];
	s0 =	simm.s32 @p1 $0x1  }
0x15: {  	[smem:$0x3FA7] =	sst s0;
	s0 =	simm.s32 @!p2 $0x0  }
0x16: {  	s3 =	sld [smem:$0x3FDB];
	s0 =	simm.s32 @p2 $0x1  }
0x17: {  	s4 =	simm.s32 $0x1BF5;
	[smem:$0x3FA9] =	sst s0  }
0x18: {  	s0 =	sld [smem:$0x3F8C];
	_ =	swait.ge [sflag:s4], $0x0  }
0x19: {  	s7 =	sld [smem:$0x3F8D]  }
0x1a: {  	s8 =	sadd.s32 $0xFFFFE003, lr  }
0x1b: {  	s9 =	sadd.s32 $0xFFFFFEF7, lr;
	s5 =	simm.s32 $0xFFFFFFFF;
	p2 =	slt.u32 s8, $0xFFFFF086  }
0x1c: {  	p1 =	slt.u32 s9, $0xF7A;
	s5 =	simm.s32 @!p2 $0x0  }
0x1d: {  	s5 =	simm.s32 @p1 $0x1;
	p0 =	seq.s32 s7, s2  }
0x1e: {  	s7 =	smul.u32 @!p0 $0xF7A, s2;
	p2 =	seq.s32 @!p0 s5, $0x0  }
0x1f: {  	s9 =	smul.u32 $0xF7A, s1;
	s8 =	simm.s32 @!p0 $0x1BF5;
	p2 =	por !p2, p0  }
0x20: {  	[sflag:s8] =	ssyncset.s32 @!p0 $0xFFFFF086;
	s6 =	sadd.s32 @!p0 s3, s7;
	s7 =	simm.s32 @!p0 $0x108  }
0x21: {  	s3 =	sadd.s32 s3, s9;
	s6 =	sadd.s32 @!p0 $0x88, s6;
	s7 =	simm.s32 @p2 $0x1082  }
0x22: {  	[simem:s7], [sflag:s8] =	dma.local @!p0 [hbm:s6], $0xF7A  }
0x23: {  	s9 =	sor.u32 $0xD0000000, s2;
	s6 =	simm.s32 $0x108;
	_ =	swait.ge @!p0 [sflag:s8], $0x0  }
0x24: {  	s3 =	sadd.s32 $0x88, s3;
	s6 =	simm.s32 @!p1 $0x1082;
	[sflag:s4] =	ssyncset.s32 $0xFFFFF086  }
0x25: {  	[simem:s6], [sflag:s4] =	dma.local [hbm:s3], $0xF7A  }
0x26: {  	[smem:$0x3F8D] =	sst s1;
	(tag) =	ssettag s2;
	_ =	strace s9  }
0x27: {  	s1 =	sld [smem:$0x3F9D]  }
0x28: {  	s2 =	sld [smem:$0x3F9E]  }
0x29: {  	s4 =	sld [smem:$0x3FA0]  }
0x2a: {  	p0 =	seq.s32 s5, $0x0;
	s5 =	sld [smem:$0x3FA1]  }
0x2b: {  	s6 =	sld [smem:$0x3FA2]  }
0x2c: {  	s7 =	sld [smem:$0x3FA3]  }
0x2d: {  	s3 =	simm.s32 $0x108;
	s8 =	sld [smem:$0x3FA4]  }
0x2e: {  	s3 =	simm.s32 @!p0 $0x1082;
	s9 =	sld [smem:$0x3FA5]  }
0x2f: {  	lr =	sadd.s32 s0, s3;
	s0 =	sld [smem:$0x3F9C]  }
0x30: {  	s3 =	sld [smem:$0x3F9F]  }
0x31: {  	[smem:$0x3FA8] =	sst s10  }
0x32: {  	s10 =	sld [smem:$0x3FA6];
	_ =	sdelay $0x3  }
0x33: {  	p0 =	seq.s32 s10, $0x1;
	s10 =	sld [smem:$0x3FA8];
	_ =	sdelay $0x3  }
0x34: {  	[smem:$0x3FA8] =	sst s10  }
0x35: {  	s10 =	sld [smem:$0x3FA7];
	_ =	sdelay $0x3  }
0x36: {  	p1 =	seq.s32 s10, $0x1;
	s10 =	sld [smem:$0x3FA8];
	_ =	sdelay $0x3  }
0x37: {  	[smem:$0x3FA8] =	sst s10  }
0x38: {  	s10 =	sld [smem:$0x3FA9]  }
0x39: {  	_ = 	snop;
	(pc) =	sbr.ind lr, $3  }
0x3a: {  	_ = 	snop  }
0x3b: {  	_ = 	snop  }
0x3c: {  	p2 =	seq.s32 s10, $0x1;
	s10 =	sld [smem:$0x3FA8]  }
0x3d: {  	_ =	shalt  }
0x3e: {  	_ =	shalt  }
0x3f: {  	_ =	shalt  }
0x40: {  	_ =	shalt  }
0x41: {  	_ =	shalt  }
0x42: {  	_ =	shalt  }
0x43: {  	_ =	shalt  }
0x44: {  	_ =	shalt  }
0x45: {  	_ =	shalt  }
0x46: {  	_ =	shalt  }
0x47: {  	_ =	shalt  }
0x48: {  	_ =	shalt  }
0x49: {  	_ =	shalt  }
0x4a: {  	_ =	shalt  }
0x4b: {  	_ =	shalt  }
0x4c: {  	_ =	shalt  }
0x4d: {  	_ =	shalt  }
0x4e: {  	_ =	shalt  }
0x4f: {  	_ =	shalt  }
0x50: {  	_ =	shalt  }
0x51: {  	_ =	shalt  }
0x52: {  	_ =	shalt  }
0x53: {  	_ =	shalt  }
0x54: {  	_ =	shalt  }
0x55: {  	_ =	shalt  }
0x56: {  	_ =	shalt  }
0x57: {  	_ =	shalt  }
0x58: {  	_ =	shalt  }
0x59: {  	_ =	shalt  }
0x5a: {  	_ =	shalt  }
0x5b: {  	_ =	shalt  }
0x5c: {  	_ =	shalt  }
0x5d: {  	_ =	shalt  }
0x5e: {  	_ =	shalt  }
0x5f: {  	_ =	shalt  }
0x60: {  	_ =	shalt  }
0x61: {  	_ =	shalt  }
0x62: {  	_ =	shalt  }
0x63: {  	_ =	shalt  }
0x64: {  	_ =	shalt  }
0x65: {  	_ =	shalt  }
0x66: {  	_ =	shalt  }
0x67: {  	_ =	shalt  }
0x68: {  	_ =	shalt  }
0x69: {  	_ =	shalt  }
0x6a: {  	_ =	shalt  }
0x6b: {  	_ =	shalt  }
0x6c: {  	_ =	shalt  }
0x6d: {  	_ =	shalt  }
0x6e: {  	_ =	shalt  }
0x6f: {  	_ =	shalt  }
0x70: {  	_ =	shalt  }
0x71: {  	_ =	shalt  }
0x72: {  	_ =	shalt  }
0x73: {  	_ =	shalt  }
0x74: {  	_ =	shalt  }
0x75: {  	_ =	shalt  }
0x76: {  	_ =	shalt  }
0x77: {  	_ =	shalt  }
0x78: {  	_ =	shalt  }
0x79: {  	_ =	shalt  }
0x7a: {  	_ =	shalt  }
0x7b: {  	_ =	shalt  }
0x7c: {  	_ =	shalt  }
0x7d: {  	_ =	shalt  }
0x7e: {  	_ =	shalt  }
0x7f: {  	_ =	shalt  }
0x80: {  	_ =	shalt  }
0x81: {  	_ =	shalt  }
0x82: {  	_ =	shalt  }
0x83: {  	_ =	shalt  }
0x84: {  	_ =	shalt  }
0x85: {  	_ =	shalt  }
0x86: {  	_ =	shalt  }
0x87: {  	_ =	shalt  }
.Lfunc_end0:
.L_simem_size_0:
called_computation.1_lowered:
.L_overlay_start_0:
0x88: {  	s2 =	sld [smem:$0x3FD9]  }
0x89: {  	s3 =	sld [smem:$0x3FFE];
	_ =	sdelay $0x1  }
0x8a: {  	s1 =	srdreg.scid  }
0x8b: {  	s0 =	sand.u32 $0x1, s1  }
0x8c: {  	s17 =	sshll.u32 s0, $0xA;
	s2 =	sadd.s32 s3, s2  }
0x8d: {  	s2 =	sadd.s32 s2, s17  }
0x8e: {  	[smem:$0x3FB4] =	sst s2  }
0x8f: {  	_ = 	snop  }
0x90: {  	s2 =	sld [smem:$0x3FC8]  }
0x91: {  	s18 =	sld [smem:$0x3FC7];
	(tm) =	ssettm $0x1  }
0x92: {  	s4 =	sld [smem:$0x3FFB];
	_ =	sdelay $0x3  }
0x93: {  	_ =	strace s4  }
0x94: {  	s4 =	sld [smem:$0x3FFC];
	_ =	sdelay $0x3  }
0x95: {  	_ =	strace s4  }
0x96: {  	s4 =	sld [smem:$0x3FFD];
	_ =	sdelay $0x3  }
0x97: {  	_ =	strace s4  }
0x98: {  	_ =	strace $0x8FFFFFFF  }
0x99: {  	s19 =	sld [smem:$0x3FDB];
	_ =	sdelay $0x1  }
0x9a: {  	s5 =	simm.s32 $_scs_section_size  }
0x9b: {  	s6 =	simm.s32 $_size__tile_overlayer_lowered;
	s7 =	simm.s32 $_tile_overlayer_lowered  }
0x9c: {  	s22 =	simm.s32 $0x1BFF;
	s21 =	sshll.u32 s7, $0x1;
	s4 =	sadd.s32 s5, s19  }
0x9d: {  	s8 =	simm.s32 $0x0;
	s20 =	sshll.u32 s6, $0x1;
	s6 =	sadd.s32 s21, s4  }
0x9e: {  	[timem:s8], [sflag:s22] =	dma.local [hbm:s6], s20  }
0x9f: {  	_ =	swait.ge [sflag:s22], s20  }
0xa0: {  	s5 =	ssub.s32 $0x0, s20;
	[sflag:s22] =	ssyncset.done $0x0  }
0xa1: {  	[sflag:s22] =	ssyncadd.s32 s5;
	_ =	sdelay $0x1  }
0xa2: {  	s23 =	simm.s32 $0x1B8B  }
0xa3: {  	_ =	swait.ge [sflag:s23], $0x1  }
0xa4: {  	[sflag:s23] =	ssyncset.done $0x0  }
0xa5: {  	s25 =	simm.s32 $0x1B8E;
	s24 =	sld [smem:$0x3FFE];
	[sflag:s23] =	ssyncadd.s32 $0xFFFFFFFF  }
0xa6: {  	s26 =	simm.s32 $execute0_lowered;
	[smem:$0x3FD2] =	sst s25  }
0xa7: {  	s6 =	sshll.u32 s26, $0x1;
	_ =	strace $0x80000049;
	[dreg:$0x1] =	wrdreg $0xFFFFFFFF  }
0xa8: {  	s28 =	simm.s32 $_size_execute0_lowered;
	s4 =	sadd.s32 s4, s6;
	[dreg:$0x0] =	wrdreg $0x0  }
0xa9: {  	s6 =	sshll.u32 s28, $0x1;
	[dreg:$0x2] =	wrdreg s4  }
0xaa: {  	[dreg:$0x3] =	wrdreg s6  }
0xab: {  	[dreg:$0x4] =	wrdreg $0xC0  }
0xac: {  	_ =	task [dreg:s8], $0x5FFFF  }
0xad: {  	[dreg:$0x1] =	wrdreg $0xFFFFFFFF  }
0xae: {  	[dreg:$0x0] =	wrdreg $0x60  }
0xaf: {  	[dreg:$0x2] =	wrdreg s24  }
0xb0: {  	[dreg:$0x3] =	wrdreg s2  }
0xb1: {  	[dreg:$0x4] =	wrdreg s18  }
0xb2: {  	[dreg:$0x5] =	wrdreg $0x9  }
0xb3: {  	_ =	task.clear_ibuf [dreg:s8], $0x6FFFF;
	_ =	strace $0x90000049  }
0xb4: {  	s29 =	simm.s32 $0x9;
	_ =	strace $0x8000004B  }
0xb5: {  	_ =	swait.ge [sflag:s29], $0x1  }
0xb6: {  	[sflag:s29] =	ssyncadd.s32 $0xFFFFFFFF  }
0xb7: {  	_ =	strace $0x9000004B  }
0xb8: {  	_ =	sfence  }
0xb9: {  	s30 =	sld [smem:$0x0];
	_ =	sdelay $0x2  }
0xba: {  	s31 =	sshll.u32 s1, $0xD;
	s1 =	sshrl.u32 s1, $0x2  }
0xbb: {  	s3 =	sand.u32 $0x4000, s31;
	s1 =	sadd.s32 s1, s30  }
0xbc: {  	s0 =	sor.u32 s3, s0;
	s1 =	sshll.u32 s1, $0x11  }
0xbd: {  	s0 =	sor.u32 s1, s0  }
0xbe: {  	s0 =	sadd.s32 $0x8F2B, s0  }
0xbf: {  	[sflag:s0] =	ssyncadd.remote.s32 $0x1  }
0xc0: {  	_ =	sfence.sel $0xFFFF  }
0xc1: {  	[dreg:$0x0] =	wrdreg $0xFFFFFFFF;
	(pc) =	sbr.abs _section_cstart, $3  }
0xc2: {  	[dreg:$0x1] =	wrdreg $0xFFFFFFFF  }
0xc3: {  	_ =	task.clear_ibuf [dreg:s8], $0x2FFFF;
	_ =	strace $0x9FFFFFFF  }
0xc4: {  	(tm) =	ssettm $0x7FFFFFFF  }
0xc5: {  	_ =	shalt  }
tec
execute0_lowered:
.L_overlay_start_1:
0x0: {  	(tag) =	ssettag $0x1  }
0x1: {  	s8 =	rddreg [dreg:$0x0]  }
0x2: {  	s10 =	rddreg [dreg:$0x1]  }
0x3: {  	s11 =	rddreg [dreg:$0x2];
	s2 =	simm.s32 $0x0  }
0x4: {  	s18 =	simm.s32 $0xA640;
	[smem:$0x7FF] =	sst s2  }
0x5: {  	s20 =	simm.s32 $0xD840;
	_ =	strace $0x8000004A;
	[dreg:$0x9] =	wrdreg s18  }
0x6: {  	s1 =	srdreg.scid;
	s21 =	simm.s32 $0x10A40;
	[dreg:$0xa] =	wrdreg s20  }
0x7: {  	s23 =	simm.s32 $0x13C40;
	s24 =	simm.s32 $0x16E40;
	[dreg:$0xb] =	wrdreg s21  }
0x8: {  	s15 =	simm.s32 $0xB040;
	s25 =	simm.s32 $0xE240;
	[dreg:$0xc] =	wrdreg s23  }
0x9: {  	s26 =	simm.s32 $0x11440;
	s28 =	simm.s32 $0x14640;
	[dreg:$0xd] =	wrdreg s24  }
0xa: {  	s29 =	simm.s32 $0x17840;
	s30 =	simm.s32 $0xBA40;
	[dreg:$0xe] =	wrdreg s15  }
0xb: {  	s9 =	sand.u32 $0x1, s1;
	s1 =	stileid.u32;
	[dreg:$0xf] =	wrdreg s25  }
0xc: {  	s31 =	simm.s32 $0x18C40;
	s3 =	smul.u32 $0x9C400, s9;
	[dreg:$0x10] =	wrdreg s26  }
0xd: {  	s4 =	sadd.s32 $0xBEA00, s8;
	s5 =	smul.u32 $0x9C40, s1;
	[dreg:$0x11] =	wrdreg s28  }
0xe: {  	s13 =	sshll.u32 s9, $0x4;
	s9 =	ssub.s32 $0x2, s9;
	[dreg:$0x12] =	wrdreg s29  }
0xf: {  	[dreg:$0x13] =	wrdreg s30;
	s15 =	simm.s32 $0x4E20;
	s18 =	simm.s32 $0x15040  }
0x10: {  	s20 =	simm.s32 $0xC440;
	s21 =	simm.s32 $0xF640;
	s23 =	simm.s32 $0x15A40  }
0x11: {  	[dreg:$0x1c] =	wrdreg s31;
	s24 =	simm.s32 $0x0;
	s13 =	sor.u32 s1, s13  }
0x12: {  	s22 =	sshrl.u32 s9, $0x1;
	[dreg:$0x16] =	wrdreg s18;
	s18 =	simm.s32 $0x9C40  }
0x13: {  	[dreg:$0x18] =	wrdreg s20;
	s20 =	simm.s32 $0x10040;
	s6 =	sadd.s32 s3, s8  }
0x14: {  	[dreg:$0x19] =	wrdreg s21;
	s21 =	simm.s32 $0x13240;
	s12 =	sadd.s32 s5, s6  }
0x15: {  	[dreg:$0x1b] =	wrdreg s23;
	s23 =	simm.s32 $0x1;
	s7 =	sadd.s32 $0x5AA800, s12  }
0x16: {  	s3 =	sadd.s32 $0xB4C00, s8;
	s16 =	sadd.s32 $0x472000, s12;
	[dreg:$0x4] =	wrdreg s7  }
0x17: {  	s13 =	smul.u32 $0x2710, s13;
	s17 =	sadd.s32 $0x339800, s12;
	[dreg:$0x5] =	wrdreg s16  }
0x18: {  	s5 =	sadd.s32 $0x64C00, s8;
	s14 =	sadd.s32 $0x201000, s12;
	[dreg:$0x6] =	wrdreg s17  }
0x19: {  	s6 =	sadd.s32 $0x6EA00, s8;
	s12 =	sadd.s32 $0xC8800, s12;
	[dreg:$0x7] =	wrdreg s14  }
0x1a: {  	s13 =	sshrl.u32 s13, $0x3;
	s7 =	sadd.s32 $0x78800, s8;
	[dreg:$0x8] =	wrdreg s12  }
0x1b: {  	s19 =	sadd.s32 s13, s8;
	s12 =	ssub.s32 s9, s22;
	s10 =	sadd.s32 s10, s13  }
0x1c: {  	s11 =	sadd.s32 s11, s13;
	s13 =	simm.s32 $0x2;
	s14 =	simm.s32 $0x2710  }
0x1d: {  	s16 =	simm.s32 $0xEC40;
	s17 =	simm.s32 $0x11E40;
	s22 =	simm.s32 $0x12840  }
0x1e: {  	s8 =	sadd.s32 $0xE600, s19;
	s9 =	sadd.s32 $0x4800, s19;
	[dreg:$0x14] =	wrdreg s16  }
0x1f: {  	s12 =	smax.u32 s12, $0x1;
	s16 =	simm.s32 $0x7530;
	[dreg:$0x15] =	wrdreg s17  }
0x20: {  	s17 =	simm.s32 $0x50;
	s19 =	simm.s32 $0x18240;
	[dreg:$0x1a] =	wrdreg s22  }
0x21: {  	s22 =	simm.s32 $0x16440;
	[dreg:$0x17] =	wrdreg s19;
	s19 =	simm.s32 $0xCE40  }
.LBB2_1:
0x22: {  	[tilespmem:s2], [sflag:$0x2] =	stream.linear.gather [hbm4b:s8+s2], $0x2710, $0x38;
	[tilespmem:$0x19640] =	vst v63  }
0x23: {  	_ =	swait.ge [sflag:s13], $0x2710  }
0x24: {  	[sflag:s13] =	ssyncset.done $0x0  }
0x25: {  	[sflag:s13] =	ssyncadd.s32 $0xFFFFD8F0  }
0x26: {  	[tilespmem:s14], [sflag:$0x2] =	stream.linear.gather [hbm4b:s9+s2], $0x2710, $0x38;
	[tilespmem:$0x19640] =	vst v63  }
0x27: {  	_ =	swait.ge [sflag:s13], $0x2710  }
0x28: {  	[sflag:s13] =	ssyncset.done $0x0  }
0x29: {  	[sflag:s13] =	ssyncadd.s32 $0xFFFFD8F0  }
0x2a: {  	[tilespmem:s15], [sflag:$0x2] =	stream.linear.gather [hbm4b:s10+s2], $0x2710, $0x38;
	[tilespmem:$0x19640] =	vst v63  }
0x2b: {  	_ =	swait.ge [sflag:s13], $0x2710  }
0x2c: {  	[sflag:s13] =	ssyncset.done $0x0  }
0x2d: {  	[sflag:s13] =	ssyncadd.s32 $0xFFFFD8F0  }
0x2e: {  	[tilespmem:s16], [sflag:$0x2] =	stream.linear.gather [hbm4b:s11+s2], $0x2710, $0x38;
	[tilespmem:$0x19640] =	vst v63  }
0x2f: {  	_ =	swait.ge [sflag:s13], $0x2710  }
0x30: {  	[sflag:s13] =	ssyncset.done $0x0  }
0x31: {  	s25 =	simm.s32 $0x2710;
	[sflag:s13] =	ssyncadd.s32 $0xFFFFD8F0  }
0x32: {  	[tilespmem:s18], [sflag:$0x1] =	stream.indirect.gather [hbm4b:s3+s17], $0x20, s25, s17, $0xb8;
	[tilespmem:$0x19640] =	vst v63  }
0x33: {  	s26 =	simm.s32 $0x0  }
0x34: {  	[tilespmem:s19], [sflag:$0x1] =	stream.indirect.gather [hbm4b:s4+s17], $0x20, s26, s17, $0xb8;
	[tilespmem:$0x19640] =	vst v63  }
0x35: {  	_ = 	snop  }
0x36: {  	[tilespmem:s20], [sflag:$0x1] =	stream.indirect.gather [hbm4b:s5+s17], $0x20, s26, s17, $0xb8;
	[tilespmem:$0x19640] =	vst v63  }
0x37: {  	s28 =	simm.s32 $0x4E20  }
0x38: {  	[tilespmem:s21], [sflag:$0x1] =	stream.indirect.gather [hbm4b:s6+s17], $0x20, s28, s17, $0xb8;
	[tilespmem:$0x19640] =	vst v63  }
0x39: {  	s31 =	simm.s32 $0x7530  }
0x3a: {  	[tilespmem:s22], [sflag:$0x1] =	stream.indirect.gather [hbm4b:s7+s17], $0x20, s31, s17, $0xb8;
	[tilespmem:$0x19640] =	vst v63  }
0x3b: {  	s0 =	simm.s32 $0x2760;
	s26 =	rddreg [dreg:$0x9]  }
0x3c: {  	[tilespmem:s26], [sflag:$0x1] =	stream.indirect.gather [hbm4b:s3+s17], $0x20, s0, s17, $0xb8;
	[tilespmem:$0x19640] =	vst v63  }
0x3d: {  	s28 =	rddreg [dreg:$0xa];
	s26 =	simm.s32 $0x50  }
0x3e: {  	[tilespmem:s28], [sflag:$0x1] =	stream.indirect.gather [hbm4b:s4+s17], $0x20, s26, s17, $0xb8;
	[tilespmem:$0x19640] =	vst v63  }
0x3f: {  	s0 =	rddreg [dreg:$0xb]  }
0x40: {  	[tilespmem:s0], [sflag:$0x1] =	stream.indirect.gather [hbm4b:s5+s17], $0x20, s26, s17, $0xb8;
	[tilespmem:$0x19640] =	vst v63  }
0x41: {  	s31 =	rddreg [dreg:$0xc];
	s0 =	simm.s32 $0x4E70  }
0x42: {  	[tilespmem:s31], [sflag:$0x1] =	stream.indirect.gather [hbm4b:s6+s17], $0x20, s0, s17, $0xb8;
	[tilespmem:$0x19640] =	vst v63  }
0x43: {  	s26 =	rddreg [dreg:$0xd];
	s31 =	simm.s32 $0x7580  }
0x44: {  	[tilespmem:s26], [sflag:$0x1] =	stream.indirect.gather [hbm4b:s7+s17], $0x20, s31, s17, $0xb8;
	[tilespmem:$0x19640] =	vst v63  }
0x45: {  	s0 =	rddreg [dreg:$0xe];
	s31 =	simm.s32 $0x27B0  }
0x46: {  	[tilespmem:s0], [sflag:$0x1] =	stream.indirect.gather [hbm4b:s3+s17], $0x20, s31, s17, $0xb8;
	[tilespmem:$0x19640] =	vst v63  }
0x47: {  	s26 =	rddreg [dreg:$0xf];
	s0 =	simm.s32 $0xA0  }
0x48: {  	[tilespmem:s26], [sflag:$0x1] =	stream.indirect.gather [hbm4b:s4+s17], $0x20, s0, s17, $0xb8;
	[tilespmem:$0x19640] =	vst v63  }
0x49: {  	s31 =	rddreg [dreg:$0x10]  }
0x4a: {  	[tilespmem:s31], [sflag:$0x1] =	stream.indirect.gather [hbm4b:s5+s17], $0x20, s0, s17, $0xb8;
	[tilespmem:$0x19640] =	vst v63  }
0x4b: {  	s26 =	rddreg [dreg:$0x11];
	s0 =	simm.s32 $0x4EC0  }
0x4c: {  	[tilespmem:s26], [sflag:$0x1] =	stream.indirect.gather [hbm4b:s6+s17], $0x20, s0, s17, $0xb8;
	[tilespmem:$0x19640] =	vst v63  }
0x4d: {  	s31 =	rddreg [dreg:$0x12];
	s0 =	simm.s32 $0x75D0  }
0x4e: {  	[tilespmem:s31], [sflag:$0x1] =	stream.indirect.gather [hbm4b:s7+s17], $0x20, s0, s17, $0xb8;
	[tilespmem:$0x19640] =	vst v63  }
0x4f: {  	s26 =	rddreg [dreg:$0x13];
	s31 =	simm.s32 $0x2800  }
0x50: {  	[tilespmem:s26], [sflag:$0x1] =	stream.indirect.gather [hbm4b:s3+s17], $0x20, s31, s17, $0xb8;
	[tilespmem:$0x19640] =	vst v63  }
0x51: {  	s0 =	rddreg [dreg:$0x14];
	s26 =	simm.s32 $0xF0  }
0x52: {  	[tilespmem:s0], [sflag:$0x1] =	stream.indirect.gather [hbm4b:s4+s17], $0x20, s26, s17, $0xb8;
	[tilespmem:$0x19640] =	vst v63  }
0x53: {  	s31 =	rddreg [dreg:$0x15]  }
0x54: {  	[tilespmem:s31], [sflag:$0x1] =	stream.indirect.gather [hbm4b:s5+s17], $0x20, s26, s17, $0xb8;
	[tilespmem:$0x19640] =	vst v63  }
0x55: {  	s0 =	rddreg [dreg:$0x16];
	s31 =	simm.s32 $0x4F10  }
0x56: {  	[tilespmem:s0], [sflag:$0x1] =	stream.indirect.gather [hbm4b:s6+s17], $0x20, s31, s17, $0xb8;
	[tilespmem:$0x19640] =	vst v63  }
0x57: {  	s26 =	rddreg [dreg:$0x17];
	s0 =	simm.s32 $0x7620  }
0x58: {  	[tilespmem:s26], [sflag:$0x1] =	stream.indirect.gather [hbm4b:s7+s17], $0x20, s0, s17, $0xb8;
	[tilespmem:$0x19640] =	vst v63  }
0x59: {  	s31 =	rddreg [dreg:$0x18];
	s0 =	simm.s32 $0x2850  }
0x5a: {  	[tilespmem:s31], [sflag:$0x1] =	stream.indirect.gather [hbm4b:s3+s17], $0x20, s0, s17, $0xb8;
	[tilespmem:$0x19640] =	vst v63  }
0x5b: {  	s26 =	rddreg [dreg:$0x19];
	s31 =	simm.s32 $0x140  }
0x5c: {  	[tilespmem:s26], [sflag:$0x1] =	stream.indirect.gather [hbm4b:s4+s17], $0x20, s31, s17, $0xb8;
	[tilespmem:$0x19640] =	vst v63  }
0x5d: {  	s0 =	rddreg [dreg:$0x1a]  }
0x5e: {  	[tilespmem:s0], [sflag:$0x1] =	stream.indirect.gather [hbm4b:s5+s17], $0x20, s31, s17, $0xb8;
	[tilespmem:$0x19640] =	vst v63  }
0x5f: {  	s26 =	rddreg [dreg:$0x1b];
	s31 =	simm.s32 $0x4F60  }
0x60: {  	[tilespmem:s26], [sflag:$0x1] =	stream.indirect.gather [hbm4b:s6+s17], $0x20, s31, s17, $0xb8;
	[tilespmem:$0x19640] =	vst v63  }
0x61: {  	s0 =	rddreg [dreg:$0x1c];
	s26 =	simm.s32 $0x7670  }
0x62: {  	[tilespmem:s0], [sflag:$0x1] =	stream.indirect.gather [hbm4b:s7+s17], $0x20, s26, s17, $0xb8;
	[tilespmem:$0x19640] =	vst v63  }
0x63: {  	_ =	swait.ge [sflag:s23], $0xA00  }
0x64: {  	[sflag:s23] =	ssyncset.done $0x0  }
0x65: {  	[sflag:s23] =	ssyncadd.s32 $0xFFFFF600  }
0x66: {  	_ =	swait.ge [sflag:s23], $0xA00  }
0x67: {  	[sflag:s23] =	ssyncset.done $0x0  }
0x68: {  	[sflag:s23] =	ssyncadd.s32 $0xFFFFF600  }
0x69: {  	_ =	swait.ge [sflag:s23], $0xA00  }
0x6a: {  	[sflag:s23] =	ssyncset.done $0x0  }
0x6b: {  	[sflag:s23] =	ssyncadd.s32 $0xFFFFF600  }
0x6c: {  	_ =	swait.ge [sflag:s23], $0xA00  }
0x6d: {  	[sflag:s23] =	ssyncset.done $0x0  }
0x6e: {  	[sflag:s23] =	ssyncadd.s32 $0xFFFFF600  }
0x6f: {  	_ =	swait.ge [sflag:s23], $0xA00  }
0x70: {  	[sflag:s23] =	ssyncset.done $0x0  }
0x71: {  	[sflag:s23] =	ssyncadd.s32 $0xFFFFF600  }
0x72: {  	_ =	swait.ge [sflag:s23], $0xA00  }
0x73: {  	[sflag:s23] =	ssyncset.done $0x0  }
0x74: {  	[sflag:s23] =	ssyncadd.s32 $0xFFFFF600  }
0x75: {  	_ =	swait.ge [sflag:s23], $0xA00  }
0x76: {  	[sflag:s23] =	ssyncset.done $0x0  }
0x77: {  	[sflag:s23] =	ssyncadd.s32 $0xFFFFF600  }
0x78: {  	_ =	swait.ge [sflag:s23], $0xA00  }
0x79: {  	[sflag:s23] =	ssyncset.done $0x0  }
0x7a: {  	[sflag:s23] =	ssyncadd.s32 $0xFFFFF600  }
0x7b: {  	_ =	swait.ge [sflag:s23], $0xA00  }
0x7c: {  	[sflag:s23] =	ssyncset.done $0x0  }
0x7d: {  	[sflag:s23] =	ssyncadd.s32 $0xFFFFF600  }
0x7e: {  	_ =	swait.ge [sflag:s23], $0xA00  }
0x7f: {  	[sflag:s23] =	ssyncset.done $0x0  }
0x80: {  	[sflag:s23] =	ssyncadd.s32 $0xFFFFF600  }
0x81: {  	_ =	swait.ge [sflag:s23], $0xA00  }
0x82: {  	[sflag:s23] =	ssyncset.done $0x0  }
0x83: {  	[sflag:s23] =	ssyncadd.s32 $0xFFFFF600  }
0x84: {  	_ =	swait.ge [sflag:s23], $0xA00  }
0x85: {  	[sflag:s23] =	ssyncset.done $0x0  }
0x86: {  	[sflag:s23] =	ssyncadd.s32 $0xFFFFF600  }
0x87: {  	_ =	swait.ge [sflag:s23], $0xA00  }
0x88: {  	[sflag:s23] =	ssyncset.done $0x0  }
0x89: {  	[sflag:s23] =	ssyncadd.s32 $0xFFFFF600  }
0x8a: {  	_ =	swait.ge [sflag:s23], $0xA00  }
0x8b: {  	[sflag:s23] =	ssyncset.done $0x0  }
0x8c: {  	[sflag:s23] =	ssyncadd.s32 $0xFFFFF600  }
0x8d: {  	_ =	swait.ge [sflag:s23], $0xA00  }
0x8e: {  	[sflag:s23] =	ssyncset.done $0x0  }
0x8f: {  	[sflag:s23] =	ssyncadd.s32 $0xFFFFF600  }
0x90: {  	_ =	swait.ge [sflag:s23], $0xA00  }
0x91: {  	[sflag:s23] =	ssyncset.done $0x0  }
0x92: {  	[sflag:s23] =	ssyncadd.s32 $0xFFFFF600  }
0x93: {  	_ =	swait.ge [sflag:s23], $0xA00  }
0x94: {  	[sflag:s23] =	ssyncset.done $0x0  }
0x95: {  	[sflag:s23] =	ssyncadd.s32 $0xFFFFF600  }
0x96: {  	_ =	swait.ge [sflag:s23], $0xA00  }
0x97: {  	[sflag:s23] =	ssyncset.done $0x0  }
0x98: {  	[sflag:s23] =	ssyncadd.s32 $0xFFFFF600  }
0x99: {  	_ =	swait.ge [sflag:s23], $0xA00  }
0x9a: {  	[sflag:s23] =	ssyncset.done $0x0  }
0x9b: {  	[sflag:s23] =	ssyncadd.s32 $0xFFFFF600  }
0x9c: {  	_ =	swait.ge [sflag:s23], $0xA00  }
0x9d: {  	[sflag:s23] =	ssyncset.done $0x0  }
0x9e: {  	[sflag:s23] =	ssyncadd.s32 $0xFFFFF600  }
0x9f: {  	_ =	swait.ge [sflag:s23], $0xA00  }
0xa0: {  	[sflag:s23] =	ssyncset.done $0x0  }
0xa1: {  	[sflag:s23] =	ssyncadd.s32 $0xFFFFF600  }
0xa2: {  	_ =	swait.ge [sflag:s23], $0xA00  }
0xa3: {  	[sflag:s23] =	ssyncset.done $0x0  }
0xa4: {  	[sflag:s23] =	ssyncadd.s32 $0xFFFFF600  }
0xa5: {  	_ =	swait.ge [sflag:s23], $0xA00  }
0xa6: {  	[sflag:s23] =	ssyncset.done $0x0  }
0xa7: {  	[sflag:s23] =	ssyncadd.s32 $0xFFFFF600  }
0xa8: {  	_ =	swait.ge [sflag:s23], $0xA00  }
0xa9: {  	[sflag:s23] =	ssyncset.done $0x0  }
0xaa: {  	[sflag:s23] =	ssyncadd.s32 $0xFFFFF600  }
0xab: {  	_ =	swait.ge [sflag:s23], $0xA00  }
0xac: {  	s31 =	rddreg [dreg:$0x8];
	[sflag:s23] =	ssyncset.done $0x0  }
0xad: {  	s0 =	rddreg [dreg:$0x7];
	[sflag:s23] =	ssyncadd.s32 $0xFFFFF600;
	s25 =	sadd.s32 $0x0, s31  }
0xae: {  	[hbm4b:s25+s2] =	stream.linear.scatter [tilespmem:s18], [sflag:$0x1], $0x3200, $0x38;
	[tilespmem:$0x19640] =	vst v63  }
0xaf: {  	s31 =	rddreg [dreg:$0x6];
	s0 =	sadd.s32 $0x0, s0  }
0xb0: {  	[hbm4b:s0+s2] =	stream.linear.scatter [tilespmem:s19], [sflag:$0x1], $0x3200, $0x38;
	[tilespmem:$0x19640] =	vst v63  }
0xb1: {  	s26 =	rddreg [dreg:$0x5];
	s31 =	sadd.s32 $0x0, s31  }
0xb2: {  	[hbm4b:s31+s2] =	stream.linear.scatter [tilespmem:s20], [sflag:$0x1], $0x3200, $0x38;
	[tilespmem:$0x19640] =	vst v63  }
0xb3: {  	s26 =	sadd.s32 $0x0, s26;
	s0 =	rddreg [dreg:$0x4]  }
0xb4: {  	[hbm4b:s26+s2] =	stream.linear.scatter [tilespmem:s21], [sflag:$0x1], $0x3200, $0x38;
	[tilespmem:$0x19640] =	vst v63  }
0xb5: {  	s31 =	sadd.s32 $0x0, s0  }
0xb6: {  	[hbm4b:s31+s2] =	stream.linear.scatter [tilespmem:s22], [sflag:$0x1], $0x3200, $0x38;
	[tilespmem:$0x19640] =	vst v63  }
0xb7: {  	_ =	swait.ge [sflag:s23], $0x3200  }
0xb8: {  	[sflag:s23] =	ssyncset.done $0x0  }
0xb9: {  	[sflag:s23] =	ssyncadd.s32 $0xFFFFCE00  }
0xba: {  	_ =	swait.ge [sflag:s23], $0x3200  }
0xbb: {  	[sflag:s23] =	ssyncset.done $0x0  }
0xbc: {  	[sflag:s23] =	ssyncadd.s32 $0xFFFFCE00  }
0xbd: {  	_ =	swait.ge [sflag:s23], $0x3200  }
0xbe: {  	[sflag:s23] =	ssyncset.done $0x0  }
0xbf: {  	[sflag:s23] =	ssyncadd.s32 $0xFFFFCE00  }
0xc0: {  	_ =	swait.ge [sflag:s23], $0x3200  }
0xc1: {  	[sflag:s23] =	ssyncset.done $0x0  }
0xc2: {  	[sflag:s23] =	ssyncadd.s32 $0xFFFFCE00  }
0xc3: {  	s30 =	simm.s32 $0xC80;
	_ =	swait.ge [sflag:s23], $0x3200  }
0xc4: {  	s29 =	simm.s32 $0x190;
	s25 =	simm.s32 $0x640;
	[sflag:s23] =	ssyncset.done $0x0  }
.LBB2_2:
0xc5: {  	s31 =	sadd.s32 $0x2710, s29;
	[sflag:s23] =	ssyncadd.s32 $0xFFFFCE00  }
0xc6: {  	[tilespmem:s18], [sflag:$0x1] =	stream.indirect.gather [hbm4b:s3+s17], $0x20, s31, s17, $0xb8;
	[tilespmem:$0x19640] =	vst v63  }
0xc7: {  	_ = 	snop  }
0xc8: {  	[tilespmem:s19], [sflag:$0x1] =	stream.indirect.gather [hbm4b:s4+s17], $0x20, s29, s17, $0xb8;
	[tilespmem:$0x19640] =	vst v63  }
0xc9: {  	s28 =	smov.u32 s30  }
0xca: {  	[tilespmem:s20], [sflag:$0x1] =	stream.indirect.gather [hbm4b:s5+s17], $0x20, s29, s17, $0xb8;
	[tilespmem:$0x19640] =	vst v63  }
0xcb: {  	s26 =	sadd.s32 $0x640, s30;
	p0 =	sne.s32 s30, $0x9600;
	s30 =	sadd.s32 $0x4E20, s29  }
0xcc: {  	[tilespmem:s21], [sflag:$0x1] =	stream.indirect.gather [hbm4b:s6+s17], $0x20, s30, s17, $0xb8;
	[tilespmem:$0x19640] =	vst v63  }
0xcd: {  	s30 =	sadd.s32 $0x7530, s29  }
0xce: {  	[tilespmem:s22], [sflag:$0x1] =	stream.indirect.gather [hbm4b:s7+s17], $0x20, s30, s17, $0xb8;
	[tilespmem:$0x19640] =	vst v63  }
0xcf: {  	s31 =	rddreg [dreg:$0x9];
	s30 =	sadd.s32 $0x2760, s29  }
0xd0: {  	[tilespmem:s31], [sflag:$0x1] =	stream.indirect.gather [hbm4b:s3+s17], $0x20, s30, s17, $0xb8;
	[tilespmem:$0x19640] =	vst v63  }
0xd1: {  	s0 =	rddreg [dreg:$0xa];
	s30 =	sadd.s32 $0x50, s29  }
0xd2: {  	[tilespmem:s0], [sflag:$0x1] =	stream.indirect.gather [hbm4b:s4+s17], $0x20, s30, s17, $0xb8;
	[tilespmem:$0x19640] =	vst v63  }
0xd3: {  	s31 =	rddreg [dreg:$0xb]  }
0xd4: {  	[tilespmem:s31], [sflag:$0x1] =	stream.indirect.gather [hbm4b:s5+s17], $0x20, s30, s17, $0xb8;
	[tilespmem:$0x19640] =	vst v63  }
0xd5: {  	s0 =	rddreg [dreg:$0xc];
	s30 =	sadd.s32 $0x4E70, s29  }
0xd6: {  	[tilespmem:s0], [sflag:$0x1] =	stream.indirect.gather [hbm4b:s6+s17], $0x20, s30, s17, $0xb8;
	[tilespmem:$0x19640] =	vst v63  }
0xd7: {  	s31 =	rddreg [dreg:$0xd];
	s0 =	sadd.s32 $0x7580, s29  }
0xd8: {  	[tilespmem:s31], [sflag:$0x1] =	stream.indirect.gather [hbm4b:s7+s17], $0x20, s0, s17, $0xb8;
	[tilespmem:$0x19640] =	vst v63  }
0xd9: {  	s30 =	rddreg [dreg:$0xe];
	s0 =	sadd.s32 $0x27B0, s29  }
0xda: {  	[tilespmem:s30], [sflag:$0x1] =	stream.indirect.gather [hbm4b:s3+s17], $0x20, s0, s17, $0xb8;
	[tilespmem:$0x19640] =	vst v63  }
0xdb: {  	s31 =	rddreg [dreg:$0xf];
	s0 =	sadd.s32 $0xA0, s29  }
0xdc: {  	[tilespmem:s31], [sflag:$0x1] =	stream.indirect.gather [hbm4b:s4+s17], $0x20, s0, s17, $0xb8;
	[tilespmem:$0x19640] =	vst v63  }
0xdd: {  	s30 =	rddreg [dreg:$0x10]  }
0xde: {  	[tilespmem:s30], [sflag:$0x1] =	stream.indirect.gather [hbm4b:s5+s17], $0x20, s0, s17, $0xb8;
	[tilespmem:$0x19640] =	vst v63  }
0xdf: {  	s31 =	rddreg [dreg:$0x11];
	s0 =	sadd.s32 $0x4EC0, s29  }
0xe0: {  	[tilespmem:s31], [sflag:$0x1] =	stream.indirect.gather [hbm4b:s6+s17], $0x20, s0, s17, $0xb8;
	[tilespmem:$0x19640] =	vst v63  }
0xe1: {  	s30 =	rddreg [dreg:$0x12];
	s0 =	sadd.s32 $0x75D0, s29  }
0xe2: {  	[tilespmem:s30], [sflag:$0x1] =	stream.indirect.gather [hbm4b:s7+s17], $0x20, s0, s17, $0xb8;
	[tilespmem:$0x19640] =	vst v63  }
0xe3: {  	s31 =	rddreg [dreg:$0x13];
	s0 =	sadd.s32 $0x2800, s29  }
0xe4: {  	[tilespmem:s31], [sflag:$0x1] =	stream.indirect.gather [hbm4b:s3+s17], $0x20, s0, s17, $0xb8;
	[tilespmem:$0x19640] =	vst v63  }
0xe5: {  	s30 =	rddreg [dreg:$0x14];
	s0 =	sadd.s32 $0xF0, s29  }
0xe6: {  	[tilespmem:s30], [sflag:$0x1] =	stream.indirect.gather [hbm4b:s4+s17], $0x20, s0, s17, $0xb8;
	[tilespmem:$0x19640] =	vst v63  }
0xe7: {  	s31 =	rddreg [dreg:$0x15]  }
0xe8: {  	[tilespmem:s31], [sflag:$0x1] =	stream.indirect.gather [hbm4b:s5+s17], $0x20, s0, s17, $0xb8;
	[tilespmem:$0x19640] =	vst v63  }
0xe9: {  	s30 =	rddreg [dreg:$0x16];
	s0 =	sadd.s32 $0x4F10, s29  }
0xea: {  	[tilespmem:s30], [sflag:$0x1] =	stream.indirect.gather [hbm4b:s6+s17], $0x20, s0, s17, $0xb8;
	[tilespmem:$0x19640] =	vst v63  }
0xeb: {  	s31 =	rddreg [dreg:$0x17];
	s0 =	sadd.s32 $0x7620, s29  }
0xec: {  	[tilespmem:s31], [sflag:$0x1] =	stream.indirect.gather [hbm4b:s7+s17], $0x20, s0, s17, $0xb8;
	[tilespmem:$0x19640] =	vst v63  }
0xed: {  	s30 =	rddreg [dreg:$0x18];
	s0 =	sadd.s32 $0x2850, s29  }
0xee: {  	[tilespmem:s30], [sflag:$0x1] =	stream.indirect.gather [hbm4b:s3+s17], $0x20, s0, s17, $0xb8;
	[tilespmem:$0x19640] =	vst v63  }
0xef: {  	s31 =	rddreg [dreg:$0x19];
	s0 =	sadd.s32 $0x140, s29  }
0xf0: {  	[tilespmem:s31], [sflag:$0x1] =	stream.indirect.gather [hbm4b:s4+s17], $0x20, s0, s17, $0xb8;
	[tilespmem:$0x19640] =	vst v63  }
0xf1: {  	s30 =	rddreg [dreg:$0x1a]  }
0xf2: {  	[tilespmem:s30], [sflag:$0x1] =	stream.indirect.gather [hbm4b:s5+s17], $0x20, s0, s17, $0xb8;
	[tilespmem:$0x19640] =	vst v63  }
0xf3: {  	s31 =	rddreg [dreg:$0x1b];
	s0 =	sadd.s32 $0x4F60, s29  }
0xf4: {  	[tilespmem:s31], [sflag:$0x1] =	stream.indirect.gather [hbm4b:s6+s17], $0x20, s0, s17, $0xb8;
	[tilespmem:$0x19640] =	vst v63  }
0xf5: {  	s30 =	rddreg [dreg:$0x1c];
	s31 =	sadd.s32 $0x7670, s29  }
0xf6: {  	[tilespmem:s30], [sflag:$0x1] =	stream.indirect.gather [hbm4b:s7+s17], $0x20, s31, s17, $0xb8;
	[tilespmem:$0x19640] =	vst v63  }
0xf7: {  	_ =	swait.ge [sflag:s23], $0xA00  }
0xf8: {  	[sflag:s23] =	ssyncset.done $0x0  }
0xf9: {  	[sflag:s23] =	ssyncadd.s32 $0xFFFFF600  }
0xfa: {  	_ =	swait.ge [sflag:s23], $0xA00  }
0xfb: {  	[sflag:s23] =	ssyncset.done $0x0  }
0xfc: {  	[sflag:s23] =	ssyncadd.s32 $0xFFFFF600  }
0xfd: {  	_ =	swait.ge [sflag:s23], $0xA00  }
0xfe: {  	[sflag:s23] =	ssyncset.done $0x0  }
0xff: {  	[sflag:s23] =	ssyncadd.s32 $0xFFFFF600  }
0x100: {  	_ =	swait.ge [sflag:s23], $0xA00  }
0x101: {  	[sflag:s23] =	ssyncset.done $0x0  }
0x102: {  	[sflag:s23] =	ssyncadd.s32 $0xFFFFF600  }
0x103: {  	_ =	swait.ge [sflag:s23], $0xA00  }
0x104: {  	[sflag:s23] =	ssyncset.done $0x0  }
0x105: {  	[sflag:s23] =	ssyncadd.s32 $0xFFFFF600  }
0x106: {  	_ =	swait.ge [sflag:s23], $0xA00  }
0x107: {  	[sflag:s23] =	ssyncset.done $0x0  }
0x108: {  	[sflag:s23] =	ssyncadd.s32 $0xFFFFF600  }
0x109: {  	_ =	swait.ge [sflag:s23], $0xA00  }
0x10a: {  	[sflag:s23] =	ssyncset.done $0x0  }
0x10b: {  	[sflag:s23] =	ssyncadd.s32 $0xFFFFF600  }
0x10c: {  	_ =	swait.ge [sflag:s23], $0xA00  }
0x10d: {  	[sflag:s23] =	ssyncset.done $0x0  }
0x10e: {  	[sflag:s23] =	ssyncadd.s32 $0xFFFFF600  }
0x10f: {  	_ =	swait.ge [sflag:s23], $0xA00  }
0x110: {  	[sflag:s23] =	ssyncset.done $0x0  }
0x111: {  	[sflag:s23] =	ssyncadd.s32 $0xFFFFF600  }
0x112: {  	_ =	swait.ge [sflag:s23], $0xA00  }
0x113: {  	[sflag:s23] =	ssyncset.done $0x0  }
0x114: {  	[sflag:s23] =	ssyncadd.s32 $0xFFFFF600  }
0x115: {  	_ =	swait.ge [sflag:s23], $0xA00  }
0x116: {  	[sflag:s23] =	ssyncset.done $0x0  }
0x117: {  	[sflag:s23] =	ssyncadd.s32 $0xFFFFF600  }
0x118: {  	_ =	swait.ge [sflag:s23], $0xA00  }
0x119: {  	[sflag:s23] =	ssyncset.done $0x0  }
0x11a: {  	[sflag:s23] =	ssyncadd.s32 $0xFFFFF600  }
0x11b: {  	_ =	swait.ge [sflag:s23], $0xA00  }
0x11c: {  	[sflag:s23] =	ssyncset.done $0x0  }
0x11d: {  	[sflag:s23] =	ssyncadd.s32 $0xFFFFF600  }
0x11e: {  	_ =	swait.ge [sflag:s23], $0xA00  }
0x11f: {  	[sflag:s23] =	ssyncset.done $0x0  }
0x120: {  	[sflag:s23] =	ssyncadd.s32 $0xFFFFF600  }
0x121: {  	_ =	swait.ge [sflag:s23], $0xA00  }
0x122: {  	[sflag:s23] =	ssyncset.done $0x0  }
0x123: {  	[sflag:s23] =	ssyncadd.s32 $0xFFFFF600  }
0x124: {  	_ =	swait.ge [sflag:s23], $0xA00  }
0x125: {  	[sflag:s23] =	ssyncset.done $0x0  }
0x126: {  	[sflag:s23] =	ssyncadd.s32 $0xFFFFF600  }
0x127: {  	_ =	swait.ge [sflag:s23], $0xA00  }
0x128: {  	[sflag:s23] =	ssyncset.done $0x0  }
0x129: {  	[sflag:s23] =	ssyncadd.s32 $0xFFFFF600  }
0x12a: {  	_ =	swait.ge [sflag:s23], $0xA00  }
0x12b: {  	[sflag:s23] =	ssyncset.done $0x0  }
0x12c: {  	[sflag:s23] =	ssyncadd.s32 $0xFFFFF600  }
0x12d: {  	_ =	swait.ge [sflag:s23], $0xA00  }
0x12e: {  	[sflag:s23] =	ssyncset.done $0x0  }
0x12f: {  	[sflag:s23] =	ssyncadd.s32 $0xFFFFF600  }
0x130: {  	_ =	swait.ge [sflag:s23], $0xA00  }
0x131: {  	[sflag:s23] =	ssyncset.done $0x0  }
0x132: {  	[sflag:s23] =	ssyncadd.s32 $0xFFFFF600  }
0x133: {  	_ =	swait.ge [sflag:s23], $0xA00  }
0x134: {  	[sflag:s23] =	ssyncset.done $0x0  }
0x135: {  	[sflag:s23] =	ssyncadd.s32 $0xFFFFF600  }
0x136: {  	_ =	swait.ge [sflag:s23], $0xA00  }
0x137: {  	[sflag:s23] =	ssyncset.done $0x0  }
0x138: {  	[sflag:s23] =	ssyncadd.s32 $0xFFFFF600  }
0x139: {  	_ =	swait.ge [sflag:s23], $0xA00  }
0x13a: {  	[sflag:s23] =	ssyncset.done $0x0  }
0x13b: {  	[sflag:s23] =	ssyncadd.s32 $0xFFFFF600  }
0x13c: {  	_ =	swait.ge [sflag:s23], $0xA00  }
0x13d: {  	[sflag:s23] =	ssyncset.done $0x0  }
0x13e: {  	[sflag:s23] =	ssyncadd.s32 $0xFFFFF600  }
0x13f: {  	_ =	swait.ge [sflag:s23], $0xA00  }
0x140: {  	s31 =	rddreg [dreg:$0x8];
	[sflag:s23] =	ssyncset.done $0x0  }
0x141: {  	s29 =	rddreg [dreg:$0x7];
	[sflag:s23] =	ssyncadd.s32 $0xFFFFF600;
	s0 =	sadd.s32 s25, s31  }
0x142: {  	[hbm4b:s0+s2] =	stream.linear.scatter [tilespmem:s18], [sflag:$0x1], $0x3200, $0x38;
	[tilespmem:$0x19640] =	vst v63  }
0x143: {  	s30 =	rddreg [dreg:$0x6];
	s31 =	sadd.s32 s25, s29  }
0x144: {  	[hbm4b:s31+s2] =	stream.linear.scatter [tilespmem:s19], [sflag:$0x1], $0x3200, $0x38;
	[tilespmem:$0x19640] =	vst v63  }
0x145: {  	s29 =	rddreg [dreg:$0x5];
	s31 =	sadd.s32 s25, s30  }
0x146: {  	[hbm4b:s31+s2] =	stream.linear.scatter [tilespmem:s20], [sflag:$0x1], $0x3200, $0x38;
	[tilespmem:$0x19640] =	vst v63  }
0x147: {  	s30 =	rddreg [dreg:$0x4];
	s31 =	sadd.s32 s25, s29  }
0x148: {  	[hbm4b:s31+s2] =	stream.linear.scatter [tilespmem:s21], [sflag:$0x1], $0x3200, $0x38;
	[tilespmem:$0x19640] =	vst v63  }
0x149: {  	s31 =	sadd.s32 s25, s30  }
0x14a: {  	[hbm4b:s31+s2] =	stream.linear.scatter [tilespmem:s22], [sflag:$0x1], $0x3200, $0x38;
	[tilespmem:$0x19640] =	vst v63  }
0x14b: {  	_ =	swait.ge [sflag:s23], $0x3200  }
0x14c: {  	[sflag:s23] =	ssyncset.done $0x0  }
0x14d: {  	[sflag:s23] =	ssyncadd.s32 $0xFFFFCE00  }
0x14e: {  	_ =	swait.ge [sflag:s23], $0x3200  }
0x14f: {  	[sflag:s23] =	ssyncset.done $0x0  }
0x150: {  	[sflag:s23] =	ssyncadd.s32 $0xFFFFCE00  }
0x151: {  	_ =	swait.ge [sflag:s23], $0x3200  }
0x152: {  	[sflag:s23] =	ssyncset.done $0x0  }
0x153: {  	[sflag:s23] =	ssyncadd.s32 $0xFFFFCE00  }
.Ltmp0:
0x154: {  	_ =	swait.ge [sflag:s23], $0x3200;
	(pc) =	sbr.rel @p0 .LBB2_2-.Ltmp0, $4  }
0x155: {  	[sflag:s23] =	ssyncset.done $0x0  }
0x156: {  	[sflag:s23] =	ssyncadd.s32 $0xFFFFCE00  }
0x157: {  	s25 =	smov.u32 s28;
	_ =	swait.ge [sflag:s23], $0x3200  }
0x158: {  	s30 =	smov.u32 s26;
	s29 =	sshra.s32 s25, $0x2;
	[sflag:s23] =	ssyncset.done $0x0  }
0x159: {  	s0 =	sadd.s32 $0x2710, s29;
	[sflag:s23] =	ssyncadd.s32 $0xFFFFCE00  }
0x15a: {  	[tilespmem:s18], [sflag:$0x1] =	stream.indirect.gather [hbm4b:s3+s17], $0x20, s0, s17, $0xb8;
	[tilespmem:$0x19640] =	vst v63  }
0x15b: {  	_ = 	snop  }
0x15c: {  	[tilespmem:s19], [sflag:$0x1] =	stream.indirect.gather [hbm4b:s4+s17], $0x20, s29, s17, $0xb8;
	[tilespmem:$0x19640] =	vst v63  }
0x15d: {  	_ = 	snop  }
0x15e: {  	[tilespmem:s20], [sflag:$0x1] =	stream.indirect.gather [hbm4b:s5+s17], $0x20, s29, s17, $0xb8;
	[tilespmem:$0x19640] =	vst v63  }
0x15f: {  	s28 =	sadd.s32 $0x4E20, s29  }
0x160: {  	[tilespmem:s21], [sflag:$0x1] =	stream.indirect.gather [hbm4b:s6+s17], $0x20, s28, s17, $0xb8;
	[tilespmem:$0x19640] =	vst v63  }
0x161: {  	s30 =	sadd.s32 $0x7530, s29  }
0x162: {  	[tilespmem:s22], [sflag:$0x1] =	stream.indirect.gather [hbm4b:s7+s17], $0x20, s30, s17, $0xb8;
	[tilespmem:$0x19640] =	vst v63  }
0x163: {  	s26 =	rddreg [dreg:$0x9];
	s31 =	sadd.s32 $0x2760, s29  }
0x164: {  	[tilespmem:s26], [sflag:$0x1] =	stream.indirect.gather [hbm4b:s3+s17], $0x20, s31, s17, $0xb8;
	[tilespmem:$0x19640] =	vst v63  }
0x165: {  	s28 =	rddreg [dreg:$0xa];
	s26 =	sadd.s32 $0x50, s29  }
0x166: {  	[tilespmem:s28], [sflag:$0x1] =	stream.indirect.gather [hbm4b:s4+s17], $0x20, s26, s17, $0xb8;
	[tilespmem:$0x19640] =	vst v63  }
0x167: {  	s31 =	rddreg [dreg:$0xb]  }
0x168: {  	[tilespmem:s31], [sflag:$0x1] =	stream.indirect.gather [hbm4b:s5+s17], $0x20, s26, s17, $0xb8;
	[tilespmem:$0x19640] =	vst v63  }
0x169: {  	s30 =	rddreg [dreg:$0xc];
	s31 =	sadd.s32 $0x4E70, s29  }
0x16a: {  	[tilespmem:s30], [sflag:$0x1] =	stream.indirect.gather [hbm4b:s6+s17], $0x20, s31, s17, $0xb8;
	[tilespmem:$0x19640] =	vst v63  }
0x16b: {  	s26 =	rddreg [dreg:$0xd];
	s30 =	sadd.s32 $0x7580, s29  }
0x16c: {  	[tilespmem:s26], [sflag:$0x1] =	stream.indirect.gather [hbm4b:s7+s17], $0x20, s30, s17, $0xb8;
	[tilespmem:$0x19640] =	vst v63  }
0x16d: {  	s31 =	rddreg [dreg:$0xe];
	s30 =	sadd.s32 $0x27B0, s29  }
0x16e: {  	[tilespmem:s31], [sflag:$0x1] =	stream.indirect.gather [hbm4b:s3+s17], $0x20, s30, s17, $0xb8;
	[tilespmem:$0x19640] =	vst v63  }
0x16f: {  	s26 =	rddreg [dreg:$0xf];
	s31 =	sadd.s32 $0xA0, s29  }
0x170: {  	[tilespmem:s26], [sflag:$0x1] =	stream.indirect.gather [hbm4b:s4+s17], $0x20, s31, s17, $0xb8;
	[tilespmem:$0x19640] =	vst v63  }
0x171: {  	s30 =	rddreg [dreg:$0x10]  }
0x172: {  	[tilespmem:s30], [sflag:$0x1] =	stream.indirect.gather [hbm4b:s5+s17], $0x20, s31, s17, $0xb8;
	[tilespmem:$0x19640] =	vst v63  }
0x173: {  	s26 =	rddreg [dreg:$0x11];
	s31 =	sadd.s32 $0x4EC0, s29  }
0x174: {  	[tilespmem:s26], [sflag:$0x1] =	stream.indirect.gather [hbm4b:s6+s17], $0x20, s31, s17, $0xb8;
	[tilespmem:$0x19640] =	vst v63  }
0x175: {  	s30 =	rddreg [dreg:$0x12];
	s31 =	sadd.s32 $0x75D0, s29  }
0x176: {  	[tilespmem:s30], [sflag:$0x1] =	stream.indirect.gather [hbm4b:s7+s17], $0x20, s31, s17, $0xb8;
	[tilespmem:$0x19640] =	vst v63  }
0x177: {  	s26 =	rddreg [dreg:$0x13];
	s30 =	sadd.s32 $0x2800, s29  }
0x178: {  	[tilespmem:s26], [sflag:$0x1] =	stream.indirect.gather [hbm4b:s3+s17], $0x20, s30, s17, $0xb8;
	[tilespmem:$0x19640] =	vst v63  }
0x179: {  	s31 =	rddreg [dreg:$0x14];
	s26 =	sadd.s32 $0xF0, s29  }
0x17a: {  	[tilespmem:s31], [sflag:$0x1] =	stream.indirect.gather [hbm4b:s4+s17], $0x20, s26, s17, $0xb8;
	[tilespmem:$0x19640] =	vst v63  }
0x17b: {  	s30 =	rddreg [dreg:$0x15]  }
0x17c: {  	[tilespmem:s30], [sflag:$0x1] =	stream.indirect.gather [hbm4b:s5+s17], $0x20, s26, s17, $0xb8;
	[tilespmem:$0x19640] =	vst v63  }
0x17d: {  	s31 =	rddreg [dreg:$0x16];
	s30 =	sadd.s32 $0x4F10, s29  }
0x17e: {  	[tilespmem:s31], [sflag:$0x1] =	stream.indirect.gather [hbm4b:s6+s17], $0x20, s30, s17, $0xb8;
	[tilespmem:$0x19640] =	vst v63  }
0x17f: {  	s26 =	rddreg [dreg:$0x17];
	s31 =	sadd.s32 $0x7620, s29  }
0x180: {  	[tilespmem:s26], [sflag:$0x1] =	stream.indirect.gather [hbm4b:s7+s17], $0x20, s31, s17, $0xb8;
	[tilespmem:$0x19640] =	vst v63  }
0x181: {  	s30 =	rddreg [dreg:$0x18];
	s31 =	sadd.s32 $0x2850, s29  }
0x182: {  	[tilespmem:s30], [sflag:$0x1] =	stream.indirect.gather [hbm4b:s3+s17], $0x20, s31, s17, $0xb8;
	[tilespmem:$0x19640] =	vst v63  }
0x183: {  	s26 =	rddreg [dreg:$0x19];
	s30 =	sadd.s32 $0x140, s29  }
0x184: {  	[tilespmem:s26], [sflag:$0x1] =	stream.indirect.gather [hbm4b:s4+s17], $0x20, s30, s17, $0xb8;
	[tilespmem:$0x19640] =	vst v63  }
0x185: {  	s31 =	rddreg [dreg:$0x1a]  }
0x186: {  	[tilespmem:s31], [sflag:$0x1] =	stream.indirect.gather [hbm4b:s5+s17], $0x20, s30, s17, $0xb8;
	[tilespmem:$0x19640] =	vst v63  }
0x187: {  	s26 =	rddreg [dreg:$0x1b];
	s30 =	sadd.s32 $0x4F60, s29  }
0x188: {  	[tilespmem:s26], [sflag:$0x1] =	stream.indirect.gather [hbm4b:s6+s17], $0x20, s30, s17, $0xb8;
	[tilespmem:$0x19640] =	vst v63  }
0x189: {  	s31 =	rddreg [dreg:$0x1c];
	s26 =	sadd.s32 $0x7670, s29  }
0x18a: {  	[tilespmem:s31], [sflag:$0x1] =	stream.indirect.gather [hbm4b:s7+s17], $0x20, s26, s17, $0xb8;
	[tilespmem:$0x19640] =	vst v63  }
0x18b: {  	_ =	swait.ge [sflag:s23], $0xA00  }
0x18c: {  	[sflag:s23] =	ssyncset.done $0x0  }
0x18d: {  	[sflag:s23] =	ssyncadd.s32 $0xFFFFF600  }
0x18e: {  	_ =	swait.ge [sflag:s23], $0xA00  }
0x18f: {  	[sflag:s23] =	ssyncset.done $0x0  }
0x190: {  	[sflag:s23] =	ssyncadd.s32 $0xFFFFF600  }
0x191: {  	_ =	swait.ge [sflag:s23], $0xA00  }
0x192: {  	[sflag:s23] =	ssyncset.done $0x0  }
0x193: {  	[sflag:s23] =	ssyncadd.s32 $0xFFFFF600  }
0x194: {  	_ =	swait.ge [sflag:s23], $0xA00  }
0x195: {  	[sflag:s23] =	ssyncset.done $0x0  }
0x196: {  	[sflag:s23] =	ssyncadd.s32 $0xFFFFF600  }
0x197: {  	_ =	swait.ge [sflag:s23], $0xA00  }
0x198: {  	[sflag:s23] =	ssyncset.done $0x0  }
0x199: {  	[sflag:s23] =	ssyncadd.s32 $0xFFFFF600  }
0x19a: {  	_ =	swait.ge [sflag:s23], $0xA00  }
0x19b: {  	[sflag:s23] =	ssyncset.done $0x0  }
0x19c: {  	[sflag:s23] =	ssyncadd.s32 $0xFFFFF600  }
0x19d: {  	_ =	swait.ge [sflag:s23], $0xA00  }
0x19e: {  	[sflag:s23] =	ssyncset.done $0x0  }
0x19f: {  	[sflag:s23] =	ssyncadd.s32 $0xFFFFF600  }
0x1a0: {  	_ =	swait.ge [sflag:s23], $0xA00  }
0x1a1: {  	[sflag:s23] =	ssyncset.done $0x0  }
0x1a2: {  	[sflag:s23] =	ssyncadd.s32 $0xFFFFF600  }
0x1a3: {  	_ =	swait.ge [sflag:s23], $0xA00  }
0x1a4: {  	[sflag:s23] =	ssyncset.done $0x0  }
0x1a5: {  	[sflag:s23] =	ssyncadd.s32 $0xFFFFF600  }
0x1a6: {  	_ =	swait.ge [sflag:s23], $0xA00  }
0x1a7: {  	[sflag:s23] =	ssyncset.done $0x0  }
0x1a8: {  	[sflag:s23] =	ssyncadd.s32 $0xFFFFF600  }
0x1a9: {  	_ =	swait.ge [sflag:s23], $0xA00  }
0x1aa: {  	[sflag:s23] =	ssyncset.done $0x0  }
0x1ab: {  	[sflag:s23] =	ssyncadd.s32 $0xFFFFF600  }
0x1ac: {  	_ =	swait.ge [sflag:s23], $0xA00  }
0x1ad: {  	[sflag:s23] =	ssyncset.done $0x0  }
0x1ae: {  	[sflag:s23] =	ssyncadd.s32 $0xFFFFF600  }
0x1af: {  	_ =	swait.ge [sflag:s23], $0xA00  }
0x1b0: {  	[sflag:s23] =	ssyncset.done $0x0  }
0x1b1: {  	[sflag:s23] =	ssyncadd.s32 $0xFFFFF600  }
0x1b2: {  	_ =	swait.ge [sflag:s23], $0xA00  }
0x1b3: {  	[sflag:s23] =	ssyncset.done $0x0  }
0x1b4: {  	[sflag:s23] =	ssyncadd.s32 $0xFFFFF600  }
0x1b5: {  	_ =	swait.ge [sflag:s23], $0xA00  }
0x1b6: {  	[sflag:s23] =	ssyncset.done $0x0  }
0x1b7: {  	[sflag:s23] =	ssyncadd.s32 $0xFFFFF600  }
0x1b8: {  	_ =	swait.ge [sflag:s23], $0xA00  }
0x1b9: {  	[sflag:s23] =	ssyncset.done $0x0  }
0x1ba: {  	[sflag:s23] =	ssyncadd.s32 $0xFFFFF600  }
0x1bb: {  	_ =	swait.ge [sflag:s23], $0xA00  }
0x1bc: {  	[sflag:s23] =	ssyncset.done $0x0  }
0x1bd: {  	[sflag:s23] =	ssyncadd.s32 $0xFFFFF600  }
0x1be: {  	_ =	swait.ge [sflag:s23], $0xA00  }
0x1bf: {  	[sflag:s23] =	ssyncset.done $0x0  }
0x1c0: {  	[sflag:s23] =	ssyncadd.s32 $0xFFFFF600  }
0x1c1: {  	_ =	swait.ge [sflag:s23], $0xA00  }
0x1c2: {  	[sflag:s23] =	ssyncset.done $0x0  }
0x1c3: {  	[sflag:s23] =	ssyncadd.s32 $0xFFFFF600  }
0x1c4: {  	_ =	swait.ge [sflag:s23], $0xA00  }
0x1c5: {  	[sflag:s23] =	ssyncset.done $0x0  }
0x1c6: {  	[sflag:s23] =	ssyncadd.s32 $0xFFFFF600  }
0x1c7: {  	_ =	swait.ge [sflag:s23], $0xA00  }
0x1c8: {  	[sflag:s23] =	ssyncset.done $0x0  }
0x1c9: {  	[sflag:s23] =	ssyncadd.s32 $0xFFFFF600  }
0x1ca: {  	_ =	swait.ge [sflag:s23], $0xA00  }
0x1cb: {  	[sflag:s23] =	ssyncset.done $0x0  }
0x1cc: {  	[sflag:s23] =	ssyncadd.s32 $0xFFFFF600  }
0x1cd: {  	_ =	swait.ge [sflag:s23], $0xA00  }
0x1ce: {  	[sflag:s23] =	ssyncset.done $0x0  }
0x1cf: {  	[sflag:s23] =	ssyncadd.s32 $0xFFFFF600  }
0x1d0: {  	_ =	swait.ge [sflag:s23], $0xA00  }
0x1d1: {  	[sflag:s23] =	ssyncset.done $0x0  }
0x1d2: {  	[sflag:s23] =	ssyncadd.s32 $0xFFFFF600  }
0x1d3: {  	_ =	swait.ge [sflag:s23], $0xA00  }
0x1d4: {  	s29 =	rddreg [dreg:$0x8];
	[sflag:s23] =	ssyncset.done $0x0  }
0x1d5: {  	s30 =	rddreg [dreg:$0x7];
	[sflag:s23] =	ssyncadd.s32 $0xFFFFF600;
	s0 =	sadd.s32 s25, s29  }
0x1d6: {  	[hbm4b:s0+s2] =	stream.linear.scatter [tilespmem:s18], [sflag:$0x1], $0x3200, $0x38;
	[tilespmem:$0x19640] =	vst v63  }
0x1d7: {  	s31 =	rddreg [dreg:$0x6];
	s29 =	sadd.s32 s25, s30  }
0x1d8: {  	[hbm4b:s29+s2] =	stream.linear.scatter [tilespmem:s19], [sflag:$0x1], $0x3200, $0x38;
	[tilespmem:$0x19640] =	vst v63  }
0x1d9: {  	s30 =	rddreg [dreg:$0x5];
	s31 =	sadd.s32 s25, s31  }
0x1da: {  	[hbm4b:s31+s2] =	stream.linear.scatter [tilespmem:s20], [sflag:$0x1], $0x3200, $0x38;
	[tilespmem:$0x19640] =	vst v63  }
0x1db: {  	s30 =	sadd.s32 s25, s30;
	s29 =	rddreg [dreg:$0x4]  }
0x1dc: {  	[hbm4b:s30+s2] =	stream.linear.scatter [tilespmem:s21], [sflag:$0x1], $0x3200, $0x38;
	[tilespmem:$0x19640] =	vst v63  }
0x1dd: {  	s31 =	sadd.s32 s25, s29  }
0x1de: {  	[hbm4b:s31+s2] =	stream.linear.scatter [tilespmem:s22], [sflag:$0x1], $0x3200, $0x38;
	[tilespmem:$0x19640] =	vst v63  }
0x1df: {  	_ =	swait.ge [sflag:s23], $0x3200  }
0x1e0: {  	[sflag:s23] =	ssyncset.done $0x0  }
0x1e1: {  	[sflag:s23] =	ssyncadd.s32 $0xFFFFCE00  }
0x1e2: {  	_ =	swait.ge [sflag:s23], $0x3200  }
0x1e3: {  	[sflag:s23] =	ssyncset.done $0x0  }
0x1e4: {  	[sflag:s23] =	ssyncadd.s32 $0xFFFFCE00  }
0x1e5: {  	_ =	swait.ge [sflag:s23], $0x3200  }
0x1e6: {  	[sflag:s23] =	ssyncset.done $0x0  }
0x1e7: {  	s24 =	sadd.s32 $0x1, s24;
	[sflag:s23] =	ssyncadd.s32 $0xFFFFCE00  }
0x1e8: {  	p0 =	sne.s32 s24, s12;
	_ =	swait.ge [sflag:s23], $0x3200  }
.Ltmp1:
0x1e9: {  	[sflag:s23] =	ssyncset.done $0x0;
	(pc) =	sbr.rel @p0 .LBB2_1-.Ltmp1, $4  }
0x1ea: {  	[sflag:s23] =	ssyncadd.s32 $0xFFFFCE00  }
0x1eb: {  	_ =	swait.ge [sflag:s23], $0x3200  }
0x1ec: {  	[sflag:s23] =	ssyncset.done $0x0  }
0x1ed: {  	[sflag:s23] =	ssyncadd.s32 $0xFFFFCE00  }
0x1ee: {  	_ =	sfence.sel $0x180000  }
0x1ef: {  	[bflag:$0x0] =	sbarrier.arrive $0xFFFF  }
0x1f0: {  	_ =	strace $0x9000004A  }
0x1f1: {  	[bflag:$0x2] =	sbarrier.arrive $0xFFFF  }
0x1f2: {  	p0 =	sne.s32 s1, $0x0;
	s0 =	rddreg [dreg:$0x3]  }
0x1f3: {  	s0 =	sadd.s32 @!p0 $0x100000, s0  }
0x1f4: {  	[sflag:s0] =	ssyncadd.tile.s32 @!p0 $0x1;
	_ =	shalt  }
.Lfunc_end2:
_tile_overlayer_lowered:
.L_overlay_start_2:
0x1f5: {  	(tag) =	ssettag $0x2  }
0x1f6: {  	s0 =	rddreg [dreg:$0x0];
	s2 =	stileid.u32  }
0x1f7: {  	s1 =	rddreg [dreg:$0x1];
	p0 =	sne.s32 s2, $0x0  }
0x1f8: {  	s3 =	rddreg [dreg:$0x2];
	[bflag:$0x3] =	sbarrier.arrive $0xFFFF;
	s2 =	simm.s32 @!p0 $0x1C02  }
0x1f9: {  	[timem:s3], [sflag:s2] =	dma.local @!p0 [hbm:s0], s1  }
0x1fa: {  	s0 =	simm.s32 @!p0 $0x2  }
0x1fb: {  	_ =	swait.ge @!p0 [sflag:s0], s1  }
0x1fc: {  	s1 =	ssub.s32 @!p0 $0x0, s1;
	[sflag:s0] =	ssyncset.done @!p0 $0x0  }
0x1fd: {  	[sflag:s0] =	ssyncadd.s32 @!p0 s1  }
0x1fe: {  	[bflag:$0x3] =	sbarrier.arrive $0xFFFF  }
0x1ff: {  	_ =	shalt  }

// kernel: _run.15.cloned.1.call-start
scs
__scs_entry_jumppad:
0x0: {  	(pc) =	sbr.rel $0x88, $3  }
0x1: {  	(tag) =	ssettag $0x0;
	lr =	simm.s32 $0x1  }
0x2: {  	[smem:$0x3F8D] =	sst lr;
	_ =	strace $0xD0000000  }
0x3: {  	_ = 	snop  }
0x4: {  	_ = 	snop  }
0x5: {  	_ = 	snop  }
0x6: {  	_ = 	snop  }
0x7: {  	_ = 	snop  }
__scs_overlays_trampoline_lowered:
0x8: {  	[smem:$0x3F9C] =	sst s0  }
0x9: {  	[smem:$0x3F9D] =	sst s1  }
0xa: {  	[smem:$0x3F9E] =	sst s2  }
0xb: {  	[smem:$0x3F9F] =	sst s3  }
0xc: {  	[smem:$0x3FA0] =	sst s4  }
0xd: {  	[smem:$0x3FA1] =	sst s5  }
0xe: {  	[smem:$0x3FA2] =	sst s6  }
0xf: {  	[smem:$0x3FA3] =	sst s7  }
0x10: {  	[smem:$0x3FA4] =	sst s8  }
0x11: {  	[smem:$0x3FA5] =	sst s9;
	s0 =	simm.s32 @!p0 $0x0  }
0x12: {  	s1 =	sld [smem:$0x3F8B];
	s0 =	simm.s32 @p0 $0x1  }
0x13: {  	[smem:$0x3FA6] =	sst s0;
	s0 =	simm.s32 @!p1 $0x0  }
0x14: {  	s2 =	sld [smem:$0x3F8A];
	s0 =	simm.s32 @p1 $0x1  }
0x15: {  	[smem:$0x3FA7] =	sst s0;
	s0 =	simm.s32 @!p2 $0x0  }
0x16: {  	s3 =	sld [smem:$0x3FDB];
	s0 =	simm.s32 @p2 $0x1  }
0x17: {  	s4 =	simm.s32 $0x1BF5;
	[smem:$0x3FA9] =	sst s0  }
0x18: {  	s0 =	sld [smem:$0x3F8C];
	_ =	swait.ge [sflag:s4], $0x0  }
0x19: {  	s7 =	sld [smem:$0x3F8D]  }
0x1a: {  	s8 =	sadd.s32 $0xFFFFE003, lr  }
0x1b: {  	s9 =	sadd.s32 $0xFFFFFEF7, lr;
	s5 =	simm.s32 $0xFFFFFFFF;
	p2 =	slt.u32 s8, $0xFFFFF086  }
0x1c: {  	p1 =	slt.u32 s9, $0xF7A;
	s5 =	simm.s32 @!p2 $0x0  }
0x1d: {  	s5 =	simm.s32 @p1 $0x1;
	p0 =	seq.s32 s7, s2  }
0x1e: {  	s7 =	smul.u32 @!p0 $0xF7A, s2;
	p2 =	seq.s32 @!p0 s5, $0x0  }
0x1f: {  	s9 =	smul.u32 $0xF7A, s1;
	s8 =	simm.s32 @!p0 $0x1BF5;
	p2 =	por !p2, p0  }
0x20: {  	[sflag:s8] =	ssyncset.s32 @!p0 $0xFFFFF086;
	s6 =	sadd.s32 @!p0 s3, s7;
	s7 =	simm.s32 @!p0 $0x108  }
0x21: {  	s3 =	sadd.s32 s3, s9;
	s6 =	sadd.s32 @!p0 $0x88, s6;
	s7 =	simm.s32 @p2 $0x1082  }
0x22: {  	[simem:s7], [sflag:s8] =	dma.local @!p0 [hbm:s6], $0xF7A  }
0x23: {  	s9 =	sor.u32 $0xD0000000, s2;
	s6 =	simm.s32 $0x108;
	_ =	swait.ge @!p0 [sflag:s8], $0x0  }
0x24: {  	s3 =	sadd.s32 $0x88, s3;
	s6 =	simm.s32 @!p1 $0x1082;
	[sflag:s4] =	ssyncset.s32 $0xFFFFF086  }
0x25: {  	[simem:s6], [sflag:s4] =	dma.local [hbm:s3], $0xF7A  }
0x26: {  	[smem:$0x3F8D] =	sst s1;
	(tag) =	ssettag s2;
	_ =	strace s9  }
0x27: {  	s1 =	sld [smem:$0x3F9D]  }
0x28: {  	s2 =	sld [smem:$0x3F9E]  }
0x29: {  	s4 =	sld [smem:$0x3FA0]  }
0x2a: {  	p0 =	seq.s32 s5, $0x0;
	s5 =	sld [smem:$0x3FA1]  }
0x2b: {  	s6 =	sld [smem:$0x3FA2]  }
0x2c: {  	s7 =	sld [smem:$0x3FA3]  }
0x2d: {  	s3 =	simm.s32 $0x108;
	s8 =	sld [smem:$0x3FA4]  }
0x2e: {  	s3 =	simm.s32 @!p0 $0x1082;
	s9 =	sld [smem:$0x3FA5]  }
0x2f: {  	lr =	sadd.s32 s0, s3;
	s0 =	sld [smem:$0x3F9C]  }
0x30: {  	s3 =	sld [smem:$0x3F9F]  }
0x31: {  	[smem:$0x3FA8] =	sst s10  }
0x32: {  	s10 =	sld [smem:$0x3FA6];
	_ =	sdelay $0x3  }
0x33: {  	p0 =	seq.s32 s10, $0x1;
	s10 =	sld [smem:$0x3FA8];
	_ =	sdelay $0x3  }
0x34: {  	[smem:$0x3FA8] =	sst s10  }
0x35: {  	s10 =	sld [smem:$0x3FA7];
	_ =	sdelay $0x3  }
0x36: {  	p1 =	seq.s32 s10, $0x1;
	s10 =	sld [smem:$0x3FA8];
	_ =	sdelay $0x3  }
0x37: {  	[smem:$0x3FA8] =	sst s10  }
0x38: {  	s10 =	sld [smem:$0x3FA9]  }
0x39: {  	_ = 	snop;
	(pc) =	sbr.ind lr, $3  }
0x3a: {  	_ = 	snop  }
0x3b: {  	_ = 	snop  }
0x3c: {  	p2 =	seq.s32 s10, $0x1;
	s10 =	sld [smem:$0x3FA8]  }
0x3d: {  	_ =	shalt  }
0x3e: {  	_ =	shalt  }
0x3f: {  	_ =	shalt  }
0x40: {  	_ =	shalt  }
0x41: {  	_ =	shalt  }
0x42: {  	_ =	shalt  }
0x43: {  	_ =	shalt  }
0x44: {  	_ =	shalt  }
0x45: {  	_ =	shalt  }
0x46: {  	_ =	shalt  }
0x47: {  	_ =	shalt  }
0x48: {  	_ =	shalt  }
0x49: {  	_ =	shalt  }
0x4a: {  	_ =	shalt  }
0x4b: {  	_ =	shalt  }
0x4c: {  	_ =	shalt  }
0x4d: {  	_ =	shalt  }
0x4e: {  	_ =	shalt  }
0x4f: {  	_ =	shalt  }
0x50: {  	_ =	shalt  }
0x51: {  	_ =	shalt  }
0x52: {  	_ =	shalt  }
0x53: {  	_ =	shalt  }
0x54: {  	_ =	shalt  }
0x55: {  	_ =	shalt  }
0x56: {  	_ =	shalt  }
0x57: {  	_ =	shalt  }
0x58: {  	_ =	shalt  }
0x59: {  	_ =	shalt  }
0x5a: {  	_ =	shalt  }
0x5b: {  	_ =	shalt  }
0x5c: {  	_ =	shalt  }
0x5d: {  	_ =	shalt  }
0x5e: {  	_ =	shalt  }
0x5f: {  	_ =	shalt  }
0x60: {  	_ =	shalt  }
0x61: {  	_ =	shalt  }
0x62: {  	_ =	shalt  }
0x63: {  	_ =	shalt  }
0x64: {  	_ =	shalt  }
0x65: {  	_ =	shalt  }
0x66: {  	_ =	shalt  }
0x67: {  	_ =	shalt  }
0x68: {  	_ =	shalt  }
0x69: {  	_ =	shalt  }
0x6a: {  	_ =	shalt  }
0x6b: {  	_ =	shalt  }
0x6c: {  	_ =	shalt  }
0x6d: {  	_ =	shalt  }
0x6e: {  	_ =	shalt  }
0x6f: {  	_ =	shalt  }
0x70: {  	_ =	shalt  }
0x71: {  	_ =	shalt  }
0x72: {  	_ =	shalt  }
0x73: {  	_ =	shalt  }
0x74: {  	_ =	shalt  }
0x75: {  	_ =	shalt  }
0x76: {  	_ =	shalt  }
0x77: {  	_ =	shalt  }
0x78: {  	_ =	shalt  }
0x79: {  	_ =	shalt  }
0x7a: {  	_ =	shalt  }
0x7b: {  	_ =	shalt  }
0x7c: {  	_ =	shalt  }
0x7d: {  	_ =	shalt  }
0x7e: {  	_ =	shalt  }
0x7f: {  	_ =	shalt  }
0x80: {  	_ =	shalt  }
0x81: {  	_ =	shalt  }
0x82: {  	_ =	shalt  }
0x83: {  	_ =	shalt  }
0x84: {  	_ =	shalt  }
0x85: {  	_ =	shalt  }
0x86: {  	_ =	shalt  }
0x87: {  	_ =	shalt  }
.Lfunc_end0:
.L_simem_size_0:
called_computation.2_lowered:
.L_overlay_start_0:
0x88: {  	s2 =	sld [smem:$0x3FD9]  }
0x89: {  	s3 =	sld [smem:$0x3FFE];
	_ =	sdelay $0x1  }
0x8a: {  	s1 =	srdreg.scid  }
0x8b: {  	s0 =	sand.u32 $0x1, s1  }
0x8c: {  	s17 =	sshll.u32 s0, $0xA;
	s2 =	sadd.s32 s3, s2  }
0x8d: {  	s2 =	sadd.s32 s2, s17  }
0x8e: {  	[smem:$0x3FB4] =	sst s2  }
0x8f: {  	_ = 	snop  }
0x90: {  	s2 =	sld [smem:$0x3FD0];
	(tm) =	ssettm $0x1  }
0x91: {  	s18 =	sld [smem:$0x3FFB];
	_ =	sdelay $0x3  }
0x92: {  	_ =	strace s18  }
0x93: {  	s3 =	sld [smem:$0x3FFC];
	_ =	sdelay $0x3  }
0x94: {  	_ =	strace s3  }
0x95: {  	s3 =	sld [smem:$0x3FFD];
	_ =	sdelay $0x3  }
0x96: {  	_ =	strace s3  }
0x97: {  	_ =	strace $0x8FFFFFFF  }
0x98: {  	s19 =	sld [smem:$0x3FDB];
	_ =	sdelay $0x1  }
0x99: {  	s4 =	simm.s32 $_scs_section_size  }
0x9a: {  	s5 =	simm.s32 $_size__tile_overlayer_lowered;
	s6 =	simm.s32 $_tile_overlayer_lowered  }
0x9b: {  	s22 =	simm.s32 $0x1BFF;
	s21 =	sshll.u32 s6, $0x1;
	s3 =	sadd.s32 s4, s19  }
0x9c: {  	s7 =	simm.s32 $0x0;
	s20 =	sshll.u32 s5, $0x1;
	s5 =	sadd.s32 s21, s3  }
0x9d: {  	[timem:s7], [sflag:s22] =	dma.local [hbm:s5], s20  }
0x9e: {  	_ =	swait.ge [sflag:s22], s20  }
0x9f: {  	s4 =	ssub.s32 $0x0, s20;
	[sflag:s22] =	ssyncset.done $0x0  }
0xa0: {  	[sflag:s22] =	ssyncadd.s32 s4;
	_ =	sdelay $0x1  }
0xa1: {  	s23 =	simm.s32 $0x1B8B  }
0xa2: {  	_ =	swait.ge [sflag:s23], $0x1  }
0xa3: {  	[sflag:s23] =	ssyncset.done $0x0  }
0xa4: {  	s25 =	simm.s32 $0x1B8E;
	s24 =	sld [smem:$0x3FFE];
	[sflag:s23] =	ssyncadd.s32 $0xFFFFFFFF  }
0xa5: {  	s26 =	simm.s32 $execute0_lowered;
	[smem:$0x3FD2] =	sst s25  }
0xa6: {  	s5 =	sshll.u32 s26, $0x1;
	_ =	strace $0x8000004C;
	[dreg:$0x1] =	wrdreg $0xFFFFFFFF  }
0xa7: {  	s28 =	simm.s32 $_size_execute0_lowered;
	s3 =	sadd.s32 s3, s5;
	[dreg:$0x0] =	wrdreg $0x0  }
0xa8: {  	s5 =	sshll.u32 s28, $0x1;
	[dreg:$0x2] =	wrdreg s3  }
0xa9: {  	[dreg:$0x3] =	wrdreg s5  }
0xaa: {  	[dreg:$0x4] =	wrdreg $0xC0  }
0xab: {  	_ =	task [dreg:s7], $0x5FFFF  }
0xac: {  	[dreg:$0x1] =	wrdreg $0xFFFFFFFF  }
0xad: {  	[dreg:$0x0] =	wrdreg $0x60  }
0xae: {  	[dreg:$0x2] =	wrdreg s24  }
0xaf: {  	[dreg:$0x3] =	wrdreg s2  }
0xb0: {  	[dreg:$0x4] =	wrdreg $0x59100  }
0xb1: {  	[dreg:$0x5] =	wrdreg $0x9  }
0xb2: {  	_ =	task.clear_ibuf [dreg:s7], $0x6FFFF;
	_ =	strace $0x9000004C  }
0xb3: {  	s29 =	simm.s32 $0x9;
	_ =	strace $0x8000004E  }
0xb4: {  	_ =	swait.ge [sflag:s29], $0x1  }
0xb5: {  	[sflag:s29] =	ssyncadd.s32 $0xFFFFFFFF  }
0xb6: {  	_ =	strace $0x9000004E  }
0xb7: {  	_ =	sfence  }
0xb8: {  	s30 =	sld [smem:$0x0];
	_ =	sdelay $0x2  }
0xb9: {  	s31 =	sshll.u32 s1, $0xD;
	s1 =	sshrl.u32 s1, $0x2  }
0xba: {  	s3 =	sand.u32 $0x4000, s31;
	s1 =	sadd.s32 s1, s30  }
0xbb: {  	s0 =	sor.u32 s3, s0;
	s1 =	sshll.u32 s1, $0x11  }
0xbc: {  	s0 =	sor.u32 s1, s0  }
0xbd: {  	s0 =	sadd.s32 $0x8F2B, s0  }
0xbe: {  	[sflag:s0] =	ssyncadd.remote.s32 $0x1  }
0xbf: {  	_ =	sfence.sel $0xFFFF  }
0xc0: {  	[dreg:$0x0] =	wrdreg $0xFFFFFFFF;
	(pc) =	sbr.abs _section_cstart, $3  }
0xc1: {  	[dreg:$0x1] =	wrdreg $0xFFFFFFFF  }
0xc2: {  	_ =	task.clear_ibuf [dreg:s7], $0x2FFFF;
	_ =	strace $0x9FFFFFFF  }
0xc3: {  	(tm) =	ssettm $0x7FFFFFFF  }
tec
execute0_lowered:
.L_overlay_start_1:
0x0: {  	(tag) =	ssettag $0x1  }
0x1: {  	s5 =	rddreg [dreg:$0x0]  }
0x2: {  	s1 =	rddreg [dreg:$0x1]  }
0x3: {  	s2 =	rddreg [dreg:$0x2]  }
0x4: {  	s3 =	srdreg.scid;
	s0 =	rddreg [dreg:$0x3]  }
0x5: {  	s4 =	simm.s32 $0x0;
	s14 =	simm.s32 $0x3B10;
	s15 =	simm.s32 $0x4510  }
0x6: {  	s16 =	simm.s32 $0x4F10;
	s6 =	sand.u32 $0x1, s3;
	s3 =	stileid.u32  }
0x7: {  	s17 =	simm.s32 $0x1;
	[smem:$0x7FF] =	sst s4;
	s8 =	smul.u32 $0x9C400, s6  }
0x8: {  	s7 =	sshll.u32 s6, $0x4;
	_ =	strace $0x8000004D;
	s9 =	smul.u32 $0xA000, s6  }
0x9: {  	s6 =	ssub.s32 $0x2, s6;
	s11 =	smul.u32 $0x5000, s3;
	s31 =	sshll.u32 s3, $0x6  }
0xa: {  	s13 =	smul.u32 $0x9C40, s3;
	s7 =	sor.u32 s3, s7;
	s10 =	sshrl.u32 s6, $0x1  }
0xb: {  	s7 =	smul.u32 $0x2710, s7;
	s8 =	sadd.s32 s8, s5;
	s9 =	sadd.s32 s9, s5  }
0xc: {  	s10 =	ssub.s32 s6, s10;
	s12 =	sadd.s32 s11, s2;
	s19 =	sshrl.u32 s11, $0x3  }
0xd: {  	s11 =	simm.s32 $0x2710;
	s18 =	sadd.s32 $0xE600, s9;
	s8 =	sadd.s32 s13, s8  }
0xe: {  	s9 =	sshrl.u32 s12, $0x3;
	s12 =	simm.s32 $0x50;
	s13 =	simm.s32 $0x3110  }
0xf: {  	s7 =	sshrl.u32 s7, $0x3;
	s8 =	sadd.s32 $0x6E3000, s8;
	s18 =	sadd.s32 s19, s18  }
0x10: {  	s19 =	simm.s32 $0x0;
	s7 =	sadd.s32 s7, s5;
	s5 =	sor.u32 $0x1C02, s31  }
0x11: {  	s6 =	sadd.s32 $0x4800, s7;
	s7 =	smax.u32 s10, $0x1;
	s10 =	simm.s32 $0x2  }
.LBB2_1:
0x12: {  	[spmem:s9], [sflag:s5] =	dma.local [hbm:s1], $0xA00  }
0x13: {  	_ =	swait.ge [sflag:s10], $0xA00  }
0x14: {  	[sflag:s10] =	ssyncset.done $0x0  }
0x15: {  	[sflag:s10] =	ssyncadd.s32 $0xFFFFF600  }
0x16: {  	[bflag:$0x0] =	sbarrier.arrive $0xFFFF  }
0x17: {  	[tilespmem:s4], [sflag:$0x2] =	stream.linear.gather [hbm4b:s6+s4], $0x2710, $0x38;
	[tilespmem:$0xA910] =	vst v63  }
0x18: {  	_ =	swait.ge [sflag:s10], $0x2710  }
0x19: {  	[sflag:s10] =	ssyncset.done $0x0  }
0x1a: {  	s20 =	sadd.s32 $0x0, s8;
	[sflag:s10] =	ssyncadd.s32 $0xFFFFD8F0  }
0x1b: {  	[tilespmem:s11], [sflag:$0x2] =	stream.linear.gather [hbm4b:s20+s4], $0x3200, $0x38;
	[tilespmem:$0xA910] =	vst v63  }
0x1c: {  	_ =	swait.ge [sflag:s10], $0x3200  }
0x1d: {  	[sflag:s10] =	ssyncset.done $0x0  }
0x1e: {  	s26 =	simm.s32 $0x0;
	[sflag:s10] =	ssyncadd.s32 $0xFFFFCE00  }
0x1f: {  	[spmem:s2] =	stream.indirect.scatter.add.f32 [tilespmem:s11], [sflag:$0x1], $0x20, s26, s12, $0xb8;
	[tilespmem:$0xA910] =	vst v63  }
0x20: {  	s28 =	simm.s32 $0x50  }
0x21: {  	[spmem:s2] =	stream.indirect.scatter.add.f32 [tilespmem:s13], [sflag:$0x1], $0x20, s28, s12, $0xb8;
	[tilespmem:$0xA910] =	vst v63  }
0x22: {  	s29 =	simm.s32 $0xA0  }
0x23: {  	[spmem:s2] =	stream.indirect.scatter.add.f32 [tilespmem:s14], [sflag:$0x1], $0x20, s29, s12, $0xb8;
	[tilespmem:$0xA910] =	vst v63  }
0x24: {  	s30 =	simm.s32 $0xF0  }
0x25: {  	[spmem:s2] =	stream.indirect.scatter.add.f32 [tilespmem:s15], [sflag:$0x1], $0x20, s30, s12, $0xb8;
	[tilespmem:$0xA910] =	vst v63  }
0x26: {  	s31 =	simm.s32 $0x140  }
0x27: {  	[spmem:s2] =	stream.indirect.scatter.add.f32 [tilespmem:s16], [sflag:$0x1], $0x20, s31, s12, $0xb8;
	[tilespmem:$0xA910] =	vst v63  }
0x28: {  	_ =	swait.ge [sflag:s17], $0xA00  }
0x29: {  	[sflag:s17] =	ssyncset.done $0x0  }
0x2a: {  	[sflag:s17] =	ssyncadd.s32 $0xFFFFF600  }
0x2b: {  	_ =	swait.ge [sflag:s17], $0xA00  }
0x2c: {  	[sflag:s17] =	ssyncset.done $0x0  }
0x2d: {  	[sflag:s17] =	ssyncadd.s32 $0xFFFFF600  }
0x2e: {  	_ =	swait.ge [sflag:s17], $0xA00  }
0x2f: {  	[sflag:s17] =	ssyncset.done $0x0  }
0x30: {  	[sflag:s17] =	ssyncadd.s32 $0xFFFFF600  }
0x31: {  	_ =	swait.ge [sflag:s17], $0xA00  }
0x32: {  	[sflag:s17] =	ssyncset.done $0x0  }
0x33: {  	[sflag:s17] =	ssyncadd.s32 $0xFFFFF600  }
0x34: {  	_ =	swait.ge [sflag:s17], $0xA00  }
0x35: {  	s21 =	simm.s32 $0xC80;
	s20 =	simm.s32 $0x640;
	[sflag:s17] =	ssyncset.done $0x0  }
.LBB2_2:
0x36: {  	s22 =	sadd.s32 s20, s8  }
0x37: {  	[sflag:s17] =	ssyncadd.s32 $0xFFFFF600;
	s23 =	smov.u32 s21;
	s24 =	sadd.s32 $0x640, s21  }
0x38: {  	[tilespmem:s11], [sflag:$0x2] =	stream.linear.gather [hbm4b:s22+s4], $0x3200, $0x38;
	[tilespmem:$0xA910] =	vst v63  }
0x39: {  	p0 =	sne.s32 s21, $0x9600;
	_ =	swait.ge [sflag:s10], $0x3200  }
0x3a: {  	[sflag:s10] =	ssyncset.done $0x0  }
0x3b: {  	s21 =	sshra.s32 s20, $0x2;
	s20 =	smov.u32 s23;
	[sflag:s10] =	ssyncadd.s32 $0xFFFFCE00  }
0x3c: {  	[spmem:s2] =	stream.indirect.scatter.add.f32 [tilespmem:s11], [sflag:$0x1], $0x20, s21, s12, $0xb8;
	[tilespmem:$0xA910] =	vst v63  }
0x3d: {  	s22 =	sadd.s32 $0x50, s21  }
0x3e: {  	[spmem:s2] =	stream.indirect.scatter.add.f32 [tilespmem:s13], [sflag:$0x1], $0x20, s22, s12, $0xb8;
	[tilespmem:$0xA910] =	vst v63  }
0x3f: {  	s22 =	sadd.s32 $0xA0, s21  }
0x40: {  	[spmem:s2] =	stream.indirect.scatter.add.f32 [tilespmem:s14], [sflag:$0x1], $0x20, s22, s12, $0xb8;
	[tilespmem:$0xA910] =	vst v63  }
0x41: {  	s22 =	sadd.s32 $0xF0, s21  }
0x42: {  	[spmem:s2] =	stream.indirect.scatter.add.f32 [tilespmem:s15], [sflag:$0x1], $0x20, s22, s12, $0xb8;
	[tilespmem:$0xA910] =	vst v63  }
0x43: {  	s21 =	sadd.s32 $0x140, s21  }
0x44: {  	[spmem:s2] =	stream.indirect.scatter.add.f32 [tilespmem:s16], [sflag:$0x1], $0x20, s21, s12, $0xb8;
	[tilespmem:$0xA910] =	vst v63  }
0x45: {  	_ =	swait.ge [sflag:s17], $0xA00  }
0x46: {  	[sflag:s17] =	ssyncset.done $0x0  }
0x47: {  	[sflag:s17] =	ssyncadd.s32 $0xFFFFF600  }
0x48: {  	_ =	swait.ge [sflag:s17], $0xA00  }
0x49: {  	[sflag:s17] =	ssyncset.done $0x0  }
0x4a: {  	[sflag:s17] =	ssyncadd.s32 $0xFFFFF600  }
0x4b: {  	_ =	swait.ge [sflag:s17], $0xA00  }
0x4c: {  	[sflag:s17] =	ssyncset.done $0x0  }
0x4d: {  	[sflag:s17] =	ssyncadd.s32 $0xFFFFF600  }
.Ltmp0:
0x4e: {  	_ =	swait.ge [sflag:s17], $0xA00;
	(pc) =	sbr.rel @p0 .LBB2_2-.Ltmp0, $4  }
0x4f: {  	[sflag:s17] =	ssyncset.done $0x0  }
0x50: {  	[sflag:s17] =	ssyncadd.s32 $0xFFFFF600  }
0x51: {  	_ =	swait.ge [sflag:s17], $0xA00  }
0x52: {  	s21 =	smov.u32 s24;
	[sflag:s17] =	ssyncset.done $0x0  }
0x53: {  	s21 =	sadd.s32 s20, s8;
	[sflag:s17] =	ssyncadd.s32 $0xFFFFF600  }
0x54: {  	[tilespmem:s11], [sflag:$0x2] =	stream.linear.gather [hbm4b:s21+s4], $0x3200, $0x38;
	[tilespmem:$0xA910] =	vst v63  }
0x55: {  	_ =	swait.ge [sflag:s10], $0x3200  }
0x56: {  	[sflag:s10] =	ssyncset.done $0x0  }
0x57: {  	s28 =	sshra.s32 s20, $0x2;
	[sflag:s10] =	ssyncadd.s32 $0xFFFFCE00  }
0x58: {  	[spmem:s2] =	stream.indirect.scatter.add.f32 [tilespmem:s11], [sflag:$0x1], $0x20, s28, s12, $0xb8;
	[tilespmem:$0xA910] =	vst v63  }
0x59: {  	s29 =	sadd.s32 $0x50, s28  }
0x5a: {  	[spmem:s2] =	stream.indirect.scatter.add.f32 [tilespmem:s13], [sflag:$0x1], $0x20, s29, s12, $0xb8;
	[tilespmem:$0xA910] =	vst v63  }
0x5b: {  	s30 =	sadd.s32 $0xA0, s28  }
0x5c: {  	[spmem:s2] =	stream.indirect.scatter.add.f32 [tilespmem:s14], [sflag:$0x1], $0x20, s30, s12, $0xb8;
	[tilespmem:$0xA910] =	vst v63  }
0x5d: {  	s31 =	sadd.s32 $0xF0, s28  }
0x5e: {  	[spmem:s2] =	stream.indirect.scatter.add.f32 [tilespmem:s15], [sflag:$0x1], $0x20, s31, s12, $0xb8;
	[tilespmem:$0xA910] =	vst v63  }
0x5f: {  	s20 =	sadd.s32 $0x140, s28  }
0x60: {  	[spmem:s2] =	stream.indirect.scatter.add.f32 [tilespmem:s16], [sflag:$0x1], $0x20, s20, s12, $0xb8;
	[tilespmem:$0xA910] =	vst v63  }
0x61: {  	_ =	swait.ge [sflag:s17], $0xA00  }
0x62: {  	[sflag:s17] =	ssyncset.done $0x0  }
0x63: {  	[sflag:s17] =	ssyncadd.s32 $0xFFFFF600  }
0x64: {  	_ =	swait.ge [sflag:s17], $0xA00  }
0x65: {  	[sflag:s17] =	ssyncset.done $0x0  }
0x66: {  	[sflag:s17] =	ssyncadd.s32 $0xFFFFF600  }
0x67: {  	_ =	swait.ge [sflag:s17], $0xA00  }
0x68: {  	[sflag:s17] =	ssyncset.done $0x0  }
0x69: {  	[sflag:s17] =	ssyncadd.s32 $0xFFFFF600  }
0x6a: {  	_ =	swait.ge [sflag:s17], $0xA00  }
0x6b: {  	[sflag:s17] =	ssyncset.done $0x0  }
0x6c: {  	[sflag:s17] =	ssyncadd.s32 $0xFFFFF600  }
0x6d: {  	_ =	swait.ge [sflag:s17], $0xA00  }
0x6e: {  	s19 =	sadd.s32 $0x1, s19;
	[sflag:s17] =	ssyncset.done $0x0  }
0x6f: {  	p0 =	sne.s32 s19, s7;
	[sflag:s17] =	ssyncadd.s32 $0xFFFFF600  }
.Ltmp1:
0x70: {  	[bflag:$0x0] =	sbarrier.arrive $0xFFFF;
	(pc) =	sbr.rel @p0 .LBB2_1-.Ltmp1, $4  }
0x71: {  	[hbm:s18], [sflag:s5] =	dma.local [spmem:s9], $0xA00  }
0x72: {  	_ =	swait.ge [sflag:s10], $0xA00  }
0x73: {  	[sflag:s10] =	ssyncset.done $0x0  }
0x74: {  	[sflag:s10] =	ssyncadd.s32 $0xFFFFF600  }
0x75: {  	_ =	sfence.sel $0x180000  }
0x76: {  	[bflag:$0x0] =	sbarrier.arrive $0xFFFF  }
0x77: {  	p0 =	sne.s32 s3, $0x0;
	_ =	strace $0x9000004D  }
0x78: {  	s0 =	sadd.s32 @!p0 $0x100000, s0;
	[bflag:$0x2] =	sbarrier.arrive $0xFFFF  }
0x79: {  	[sflag:s0] =	ssyncadd.tile.s32 @!p0 $0x1;
	_ =	shalt  }
.Lfunc_end2:
_tile_overlayer_lowered:
.L_overlay_start_2:
0x7a: {  	(tag) =	ssettag $0x2  }
0x7b: {  	s0 =	rddreg [dreg:$0x0];
	s2 =	stileid.u32  }
0x7c: {  	s1 =	rddreg [dreg:$0x1];
	p0 =	sne.s32 s2, $0x0  }
0x7d: {  	s3 =	rddreg [dreg:$0x2];
	[bflag:$0x3] =	sbarrier.arrive $0xFFFF;
	s2 =	simm.s32 @!p0 $0x1C02  }
0x7e: {  	[timem:s3], [sflag:s2] =	dma.local @!p0 [hbm:s0], s1  }
0x7f: {  	s0 =	simm.s32 @!p0 $0x2  }
0x80: {  	_ =	swait.ge @!p0 [sflag:s0], s1  }
0x81: {  	s1 =	ssub.s32 @!p0 $0x0, s1;
	[sflag:s0] =	ssyncset.done @!p0 $0x0  }
0x82: {  	[sflag:s0] =	ssyncadd.s32 @!p0 s1  }
0x83: {  	[bflag:$0x3] =	sbarrier.arrive $0xFFFF  }
0x84: {  	_ =	shalt  }

// kernel: _run.9.cloned.1.call-start
scs
__scs_entry_jumppad:
0x0: {  	(pc) =	sbr.rel $0x88, $3  }
0x1: {  	(tag) =	ssettag $0x0;
	lr =	simm.s32 $0x1  }
0x2: {  	[smem:$0x3F8D] =	sst lr;
	_ =	strace $0xD0000000  }
0x3: {  	_ = 	snop  }
0x4: {  	_ = 	snop  }
0x5: {  	_ = 	snop  }
0x6: {  	_ = 	snop  }
0x7: {  	_ = 	snop  }
__scs_overlays_trampoline_lowered:
0x8: {  	[smem:$0x3F9C] =	sst s0  }
0x9: {  	[smem:$0x3F9D] =	sst s1  }
0xa: {  	[smem:$0x3F9E] =	sst s2  }
0xb: {  	[smem:$0x3F9F] =	sst s3  }
0xc: {  	[smem:$0x3FA0] =	sst s4  }
0xd: {  	[smem:$0x3FA1] =	sst s5  }
0xe: {  	[smem:$0x3FA2] =	sst s6  }
0xf: {  	[smem:$0x3FA3] =	sst s7  }
0x10: {  	[smem:$0x3FA4] =	sst s8  }
0x11: {  	[smem:$0x3FA5] =	sst s9;
	s0 =	simm.s32 @!p0 $0x0  }
0x12: {  	s1 =	sld [smem:$0x3F8B];
	s0 =	simm.s32 @p0 $0x1  }
0x13: {  	[smem:$0x3FA6] =	sst s0;
	s0 =	simm.s32 @!p1 $0x0  }
0x14: {  	s2 =	sld [smem:$0x3F8A];
	s0 =	simm.s32 @p1 $0x1  }
0x15: {  	[smem:$0x3FA7] =	sst s0;
	s0 =	simm.s32 @!p2 $0x0  }
0x16: {  	s3 =	sld [smem:$0x3FDB];
	s0 =	simm.s32 @p2 $0x1  }
0x17: {  	s4 =	simm.s32 $0x1BF5;
	[smem:$0x3FA9] =	sst s0  }
0x18: {  	s0 =	sld [smem:$0x3F8C];
	_ =	swait.ge [sflag:s4], $0x0  }
0x19: {  	s7 =	sld [smem:$0x3F8D]  }
0x1a: {  	s8 =	sadd.s32 $0xFFFFE003, lr  }
0x1b: {  	s9 =	sadd.s32 $0xFFFFFEF7, lr;
	s5 =	simm.s32 $0xFFFFFFFF;
	p2 =	slt.u32 s8, $0xFFFFF086  }
0x1c: {  	p1 =	slt.u32 s9, $0xF7A;
	s5 =	simm.s32 @!p2 $0x0  }
0x1d: {  	s5 =	simm.s32 @p1 $0x1;
	p0 =	seq.s32 s7, s2  }
0x1e: {  	s7 =	smul.u32 @!p0 $0xF7A, s2;
	p2 =	seq.s32 @!p0 s5, $0x0  }
0x1f: {  	s9 =	smul.u32 $0xF7A, s1;
	s8 =	simm.s32 @!p0 $0x1BF5;
	p2 =	por !p2, p0  }
0x20: {  	[sflag:s8] =	ssyncset.s32 @!p0 $0xFFFFF086;
	s6 =	sadd.s32 @!p0 s3, s7;
	s7 =	simm.s32 @!p0 $0x108  }
0x21: {  	s3 =	sadd.s32 s3, s9;
	s6 =	sadd.s32 @!p0 $0x88, s6;
	s7 =	simm.s32 @p2 $0x1082  }
0x22: {  	[simem:s7], [sflag:s8] =	dma.local @!p0 [hbm:s6], $0xF7A  }
0x23: {  	s9 =	sor.u32 $0xD0000000, s2;
	s6 =	simm.s32 $0x108;
	_ =	swait.ge @!p0 [sflag:s8], $0x0  }
0x24: {  	s3 =	sadd.s32 $0x88, s3;
	s6 =	simm.s32 @!p1 $0x1082;
	[sflag:s4] =	ssyncset.s32 $0xFFFFF086  }
0x25: {  	[simem:s6], [sflag:s4] =	dma.local [hbm:s3], $0xF7A  }
0x26: {  	[smem:$0x3F8D] =	sst s1;
	(tag) =	ssettag s2;
	_ =	strace s9  }
0x27: {  	s1 =	sld [smem:$0x3F9D]  }
0x28: {  	s2 =	sld [smem:$0x3F9E]  }
0x29: {  	s4 =	sld [smem:$0x3FA0]  }
0x2a: {  	p0 =	seq.s32 s5, $0x0;
	s5 =	sld [smem:$0x3FA1]  }
0x2b: {  	s6 =	sld [smem:$0x3FA2]  }
0x2c: {  	s7 =	sld [smem:$0x3FA3]  }
0x2d: {  	s3 =	simm.s32 $0x108;
	s8 =	sld [smem:$0x3FA4]  }
0x2e: {  	s3 =	simm.s32 @!p0 $0x1082;
	s9 =	sld [smem:$0x3FA5]  }
0x2f: {  	lr =	sadd.s32 s0, s3;
	s0 =	sld [smem:$0x3F9C]  }
0x30: {  	s3 =	sld [smem:$0x3F9F]  }
0x31: {  	[smem:$0x3FA8] =	sst s10  }
0x32: {  	s10 =	sld [smem:$0x3FA6];
	_ =	sdelay $0x3  }
0x33: {  	p0 =	seq.s32 s10, $0x1;
	s10 =	sld [smem:$0x3FA8];
	_ =	sdelay $0x3  }
0x34: {  	[smem:$0x3FA8] =	sst s10  }
0x35: {  	s10 =	sld [smem:$0x3FA7];
	_ =	sdelay $0x3  }
0x36: {  	p1 =	seq.s32 s10, $0x1;
	s10 =	sld [smem:$0x3FA8];
	_ =	sdelay $0x3  }
0x37: {  	[smem:$0x3FA8] =	sst s10  }
0x38: {  	s10 =	sld [smem:$0x3FA9]  }
0x39: {  	_ = 	snop;
	(pc) =	sbr.ind lr, $3  }
0x3a: {  	_ = 	snop  }
0x3b: {  	_ = 	snop  }
0x3c: {  	p2 =	seq.s32 s10, $0x1;
	s10 =	sld [smem:$0x3FA8]  }
0x3d: {  	_ =	shalt  }
0x3e: {  	_ =	shalt  }
0x3f: {  	_ =	shalt  }
0x40: {  	_ =	shalt  }
0x41: {  	_ =	shalt  }
0x42: {  	_ =	shalt  }
0x43: {  	_ =	shalt  }
0x44: {  	_ =	shalt  }
0x45: {  	_ =	shalt  }
0x46: {  	_ =	shalt  }
0x47: {  	_ =	shalt  }
0x48: {  	_ =	shalt  }
0x49: {  	_ =	shalt  }
0x4a: {  	_ =	shalt  }
0x4b: {  	_ =	shalt  }
0x4c: {  	_ =	shalt  }
0x4d: {  	_ =	shalt  }
0x4e: {  	_ =	shalt  }
0x4f: {  	_ =	shalt  }
0x50: {  	_ =	shalt  }
0x51: {  	_ =	shalt  }
0x52: {  	_ =	shalt  }
0x53: {  	_ =	shalt  }
0x54: {  	_ =	shalt  }
0x55: {  	_ =	shalt  }
0x56: {  	_ =	shalt  }
0x57: {  	_ =	shalt  }
0x58: {  	_ =	shalt  }
0x59: {  	_ =	shalt  }
0x5a: {  	_ =	shalt  }
0x5b: {  	_ =	shalt  }
0x5c: {  	_ =	shalt  }
0x5d: {  	_ =	shalt  }
0x5e: {  	_ =	shalt  }
0x5f: {  	_ =	shalt  }
0x60: {  	_ =	shalt  }
0x61: {  	_ =	shalt  }
0x62: {  	_ =	shalt  }
0x63: {  	_ =	shalt  }
0x64: {  	_ =	shalt  }
0x65: {  	_ =	shalt  }
0x66: {  	_ =	shalt  }
0x67: {  	_ =	shalt  }
0x68: {  	_ =	shalt  }
0x69: {  	_ =	shalt  }
0x6a: {  	_ =	shalt  }
0x6b: {  	_ =	shalt  }
0x6c: {  	_ =	shalt  }
0x6d: {  	_ =	shalt  }
0x6e: {  	_ =	shalt  }
0x6f: {  	_ =	shalt  }
0x70: {  	_ =	shalt  }
0x71: {  	_ =	shalt  }
0x72: {  	_ =	shalt  }
0x73: {  	_ =	shalt  }
0x74: {  	_ =	shalt  }
0x75: {  	_ =	shalt  }
0x76: {  	_ =	shalt  }
0x77: {  	_ =	shalt  }
0x78: {  	_ =	shalt  }
0x79: {  	_ =	shalt  }
0x7a: {  	_ =	shalt  }
0x7b: {  	_ =	shalt  }
0x7c: {  	_ =	shalt  }
0x7d: {  	_ =	shalt  }
0x7e: {  	_ =	shalt  }
0x7f: {  	_ =	shalt  }
0x80: {  	_ =	shalt  }
0x81: {  	_ =	shalt  }
0x82: {  	_ =	shalt  }
0x83: {  	_ =	shalt  }
0x84: {  	_ =	shalt  }
0x85: {  	_ =	shalt  }
0x86: {  	_ =	shalt  }
0x87: {  	_ =	shalt  }
.Lfunc_end0:
.L_simem_size_0:
called_computation_lowered:
.L_overlay_start_0:
0x88: {  	s2 =	sld [smem:$0x3FD9]  }
0x89: {  	s3 =	sld [smem:$0x3FFE];
	_ =	sdelay $0x1  }
0x8a: {  	s1 =	srdreg.scid  }
0x8b: {  	s0 =	sand.u32 $0x1, s1  }
0x8c: {  	s17 =	sshll.u32 s0, $0xA;
	s2 =	sadd.s32 s3, s2  }
0x8d: {  	s2 =	sadd.s32 s2, s17  }
0x8e: {  	[smem:$0x3FB4] =	sst s2  }
0x8f: {  	_ = 	snop  }
0x90: {  	s2 =	sld [smem:$0x3FD0];
	(tm) =	ssettm $0x1  }
0x91: {  	s18 =	sld [smem:$0x3FFB];
	_ =	sdelay $0x3  }
0x92: {  	_ =	strace s18  }
0x93: {  	s3 =	sld [smem:$0x3FFC];
	_ =	sdelay $0x3  }
0x94: {  	_ =	strace s3  }
0x95: {  	s3 =	sld [smem:$0x3FFD];
	_ =	sdelay $0x3  }
0x96: {  	_ =	strace s3  }
0x97: {  	_ =	strace $0x8FFFFFFF  }
0x98: {  	s19 =	sld [smem:$0x3FDB];
	_ =	sdelay $0x1  }
0x99: {  	s4 =	simm.s32 $_scs_section_size  }
0x9a: {  	s5 =	simm.s32 $_size__tile_overlayer_lowered;
	s6 =	simm.s32 $_tile_overlayer_lowered  }
0x9b: {  	s22 =	simm.s32 $0x1BFF;
	s21 =	sshll.u32 s6, $0x1;
	s3 =	sadd.s32 s4, s19  }
0x9c: {  	s7 =	simm.s32 $0x0;
	s20 =	sshll.u32 s5, $0x1;
	s5 =	sadd.s32 s21, s3  }
0x9d: {  	[timem:s7], [sflag:s22] =	dma.local [hbm:s5], s20  }
0x9e: {  	_ =	swait.ge [sflag:s22], s20  }
0x9f: {  	s4 =	ssub.s32 $0x0, s20;
	[sflag:s22] =	ssyncset.done $0x0  }
0xa0: {  	[sflag:s22] =	ssyncadd.s32 s4;
	_ =	sdelay $0x1  }
0xa1: {  	s23 =	simm.s32 $0x1B8B  }
0xa2: {  	_ =	swait.ge [sflag:s23], $0x1  }
0xa3: {  	[sflag:s23] =	ssyncset.done $0x0  }
0xa4: {  	s25 =	simm.s32 $0x1B8E;
	s24 =	sld [smem:$0x3FFE];
	[sflag:s23] =	ssyncadd.s32 $0xFFFFFFFF  }
0xa5: {  	s26 =	simm.s32 $execute0_lowered;
	[smem:$0x3FD2] =	sst s25  }
0xa6: {  	s5 =	sshll.u32 s26, $0x1;
	_ =	strace $0x80000046;
	[dreg:$0x1] =	wrdreg $0xFFFFFFFF  }
0xa7: {  	s28 =	simm.s32 $_size_execute0_lowered;
	s3 =	sadd.s32 s3, s5;
	[dreg:$0x0] =	wrdreg $0x0  }
0xa8: {  	s5 =	sshll.u32 s28, $0x1;
	[dreg:$0x2] =	wrdreg s3  }
0xa9: {  	[dreg:$0x3] =	wrdreg s5  }
0xaa: {  	[dreg:$0x4] =	wrdreg $0xC0  }
0xab: {  	_ =	task [dreg:s7], $0x5FFFF  }
0xac: {  	[dreg:$0x1] =	wrdreg $0xFFFFFFFF  }
0xad: {  	[dreg:$0x0] =	wrdreg $0x60  }
0xae: {  	[dreg:$0x2] =	wrdreg s24  }
0xaf: {  	[dreg:$0x3] =	wrdreg s2  }
0xb0: {  	[dreg:$0x4] =	wrdreg $0x119400  }
0xb1: {  	[dreg:$0x5] =	wrdreg $0x9  }
0xb2: {  	_ =	task.clear_ibuf [dreg:s7], $0x6FFFF;
	_ =	strace $0x90000046  }
0xb3: {  	s29 =	simm.s32 $0x9;
	_ =	strace $0x80000048  }
0xb4: {  	_ =	swait.ge [sflag:s29], $0x1  }
0xb5: {  	[sflag:s29] =	ssyncadd.s32 $0xFFFFFFFF  }
0xb6: {  	_ =	strace $0x90000048  }
0xb7: {  	_ =	sfence  }
0xb8: {  	s30 =	sld [smem:$0x0];
	_ =	sdelay $0x2  }
0xb9: {  	s31 =	sshll.u32 s1, $0xD;
	s1 =	sshrl.u32 s1, $0x2  }
0xba: {  	s3 =	sand.u32 $0x4000, s31;
	s1 =	sadd.s32 s1, s30  }
0xbb: {  	s0 =	sor.u32 s3, s0;
	s1 =	sshll.u32 s1, $0x11  }
0xbc: {  	s0 =	sor.u32 s1, s0  }
0xbd: {  	s0 =	sadd.s32 $0x8F2B, s0  }
0xbe: {  	[sflag:s0] =	ssyncadd.remote.s32 $0x1  }
0xbf: {  	_ =	sfence.sel $0xFFFF  }
0xc0: {  	[dreg:$0x0] =	wrdreg $0xFFFFFFFF;
	(pc) =	sbr.abs _section_cstart, $3  }
0xc1: {  	[dreg:$0x1] =	wrdreg $0xFFFFFFFF  }
0xc2: {  	_ =	task.clear_ibuf [dreg:s7], $0x2FFFF;
	_ =	strace $0x9FFFFFFF  }
0xc3: {  	(tm) =	ssettm $0x7FFFFFFF  }
tec
execute0_lowered:
.L_overlay_start_1:
0x0: {  	(tag) =	ssettag $0x1  }
0x1: {  	s6 =	rddreg [dreg:$0x0]  }
0x2: {  	s1 =	rddreg [dreg:$0x1]  }
0x3: {  	s2 =	rddreg [dreg:$0x2];
	s3 =	srdreg.scid  }
0x4: {  	s0 =	rddreg [dreg:$0x3];
	s4 =	simm.s32 $0x0;
	s13 =	simm.s32 $0x50  }
0x5: {  	s14 =	simm.s32 $0x9C40;
	s15 =	simm.s32 $0xA8C0;
	s16 =	simm.s32 $0xB540  }
0x6: {  	s17 =	simm.s32 $0xC1C0;
	s18 =	simm.s32 $0xCE40;
	s19 =	simm.s32 $0xDAC0  }
0x7: {  	s20 =	simm.s32 $0xE740;
	s21 =	simm.s32 $0xF3C0;
	s22 =	simm.s32 $0x10040  }
0x8: {  	s23 =	simm.s32 $0x10CC0;
	s26 =	simm.s32 $0x0;
	s7 =	sand.u32 $0x1, s3  }
0x9: {  	s3 =	stileid.u32;
	[smem:$0x7FF] =	sst s4;
	s5 =	sshll.u32 s7, $0x4  }
0xa: {  	_ =	strace $0x80000047;
	s9 =	smul.u32 $0xC800, s7;
	s7 =	ssub.s32 $0x2, s7  }
0xb: {  	s11 =	smul.u32 $0x6400, s3;
	s31 =	sshll.u32 s3, $0x6;
	s5 =	sor.u32 s3, s5  }
0xc: {  	s10 =	sshrl.u32 s7, $0x1;
	s8 =	smul.u32 $0x9C4, s5;
	s5 =	sadd.s32 $0x18400, s6  }
0xd: {  	s9 =	sadd.s32 s9, s6;
	s10 =	ssub.s32 s7, s10;
	s12 =	sadd.s32 s11, s2  }
0xe: {  	s25 =	sshrl.u32 s11, $0x3;
	s11 =	simm.s32 $0x2;
	s24 =	sadd.s32 $0x4BC00, s9  }
0xf: {  	s9 =	smax.u32 s10, $0x1;
	s10 =	sshrl.u32 s12, $0x3;
	s12 =	simm.s32 $0x4E20  }
0x10: {  	s8 =	sadd.s32 s8, s6;
	s6 =	sor.u32 $0x1C02, s31;
	s24 =	sadd.s32 s25, s24  }
0x11: {  	s25 =	simm.s32 $0x1;
	s7 =	sadd.s32 $0x24800, s8;
	s8 =	sadd.s32 $0x38200, s8  }
.LBB2_1:
0x12: {  	[spmem:s10], [sflag:s6] =	dma.local [hbm:s1], $0xC80  }
0x13: {  	_ =	swait.ge [sflag:s11], $0xC80  }
0x14: {  	[sflag:s11] =	ssyncset.done $0x0  }
0x15: {  	[sflag:s11] =	ssyncadd.s32 $0xFFFFF380  }
0x16: {  	[tilespmem:s4], [sflag:$0x2] =	stream.linear.gather [hbm4b:s7+s4], $0x4E20, $0x38;
	[tilespmem:$0x17D40] =	vst v63  }
0x17: {  	_ =	swait.ge [sflag:s11], $0x4E20  }
0x18: {  	[sflag:s11] =	ssyncset.done $0x0  }
0x19: {  	[sflag:s11] =	ssyncadd.s32 $0xFFFFB1E0  }
0x1a: {  	[tilespmem:s12], [sflag:$0x2] =	stream.linear.gather [hbm4b:s8+s4], $0x4E20, $0x38;
	[tilespmem:$0x17D40] =	vst v63  }
0x1b: {  	_ =	swait.ge [sflag:s11], $0x4E20  }
0x1c: {  	[sflag:s11] =	ssyncset.done $0x0  }
0x1d: {  	[sflag:s11] =	ssyncadd.s32 $0xFFFFB1E0  }
0x1e: {  	s28 =	simm.s32 $0x0;
	[bflag:$0x0] =	sbarrier.arrive $0xFFFF  }
0x1f: {  	[tilespmem:s14], [sflag:$0x1] =	stream.indirect.gather [hbm4b:s5+s13], $0x28, s28, s13, $0xb8;
	[tilespmem:$0x17D40] =	vst v63  }
0x20: {  	s28 =	simm.s32 $0x50  }
0x21: {  	[tilespmem:s15], [sflag:$0x1] =	stream.indirect.gather [hbm4b:s5+s13], $0x28, s28, s13, $0xb8;
	[tilespmem:$0x17D40] =	vst v63  }
0x22: {  	s28 =	simm.s32 $0xA0  }
0x23: {  	[tilespmem:s16], [sflag:$0x1] =	stream.indirect.gather [hbm4b:s5+s13], $0x28, s28, s13, $0xb8;
	[tilespmem:$0x17D40] =	vst v63  }
0x24: {  	s28 =	simm.s32 $0xF0  }
0x25: {  	[tilespmem:s17], [sflag:$0x1] =	stream.indirect.gather [hbm4b:s5+s13], $0x28, s28, s13, $0xb8;
	[tilespmem:$0x17D40] =	vst v63  }
0x26: {  	s28 =	simm.s32 $0x140  }
0x27: {  	[tilespmem:s18], [sflag:$0x1] =	stream.indirect.gather [hbm4b:s5+s13], $0x28, s28, s13, $0xb8;
	[tilespmem:$0x17D40] =	vst v63  }
0x28: {  	s28 =	simm.s32 $0x190  }
0x29: {  	[tilespmem:s19], [sflag:$0x1] =	stream.indirect.gather [hbm4b:s5+s13], $0x28, s28, s13, $0xb8;
	[tilespmem:$0x17D40] =	vst v63  }
0x2a: {  	s28 =	simm.s32 $0x1E0  }
0x2b: {  	[tilespmem:s20], [sflag:$0x1] =	stream.indirect.gather [hbm4b:s5+s13], $0x28, s28, s13, $0xb8;
	[tilespmem:$0x17D40] =	vst v63  }
0x2c: {  	s28 =	simm.s32 $0x230  }
0x2d: {  	[tilespmem:s21], [sflag:$0x1] =	stream.indirect.gather [hbm4b:s5+s13], $0x28, s28, s13, $0xb8;
	[tilespmem:$0x17D40] =	vst v63  }
0x2e: {  	s28 =	simm.s32 $0x280  }
0x2f: {  	[tilespmem:s22], [sflag:$0x1] =	stream.indirect.gather [hbm4b:s5+s13], $0x28, s28, s13, $0xb8;
	[tilespmem:$0x17D40] =	vst v63  }
0x30: {  	s28 =	simm.s32 $0x2D0  }
0x31: {  	[tilespmem:s23], [sflag:$0x1] =	stream.indirect.gather [hbm4b:s5+s13], $0x28, s28, s13, $0xb8;
	[tilespmem:$0x17D40] =	vst v63  }
0x32: {  	_ =	swait.ge [sflag:s25], $0xC80  }
0x33: {  	[sflag:s25] =	ssyncset.done $0x0  }
0x34: {  	[sflag:s25] =	ssyncadd.s32 $0xFFFFF380  }
0x35: {  	_ =	swait.ge [sflag:s25], $0xC80  }
0x36: {  	[sflag:s25] =	ssyncset.done $0x0  }
0x37: {  	[sflag:s25] =	ssyncadd.s32 $0xFFFFF380  }
0x38: {  	_ =	swait.ge [sflag:s25], $0xC80  }
0x39: {  	[sflag:s25] =	ssyncset.done $0x0  }
0x3a: {  	[sflag:s25] =	ssyncadd.s32 $0xFFFFF380  }
0x3b: {  	_ =	swait.ge [sflag:s25], $0xC80  }
0x3c: {  	[sflag:s25] =	ssyncset.done $0x0  }
0x3d: {  	[sflag:s25] =	ssyncadd.s32 $0xFFFFF380  }
0x3e: {  	_ =	swait.ge [sflag:s25], $0xC80  }
0x3f: {  	[sflag:s25] =	ssyncset.done $0x0  }
0x40: {  	[sflag:s25] =	ssyncadd.s32 $0xFFFFF380  }
0x41: {  	_ =	swait.ge [sflag:s25], $0xC80  }
0x42: {  	[sflag:s25] =	ssyncset.done $0x0  }
0x43: {  	[sflag:s25] =	ssyncadd.s32 $0xFFFFF380  }
0x44: {  	_ =	swait.ge [sflag:s25], $0xC80  }
0x45: {  	[sflag:s25] =	ssyncset.done $0x0  }
0x46: {  	[sflag:s25] =	ssyncadd.s32 $0xFFFFF380  }
0x47: {  	_ =	swait.ge [sflag:s25], $0xC80  }
0x48: {  	[sflag:s25] =	ssyncset.done $0x0  }
0x49: {  	[sflag:s25] =	ssyncadd.s32 $0xFFFFF380  }
0x4a: {  	_ =	swait.ge [sflag:s25], $0xC80  }
0x4b: {  	[sflag:s25] =	ssyncset.done $0x0  }
0x4c: {  	[sflag:s25] =	ssyncadd.s32 $0xFFFFF380  }
0x4d: {  	_ =	swait.ge [sflag:s25], $0xC80  }
0x4e: {  	[sflag:s25] =	ssyncset.done $0x0  }
0x4f: {  	s28 =	simm.s32 $0x4E20;
	[sflag:s25] =	ssyncadd.s32 $0xFFFFF380  }
0x50: {  	[spmem:s2] =	stream.indirect.scatter.add.f32 [tilespmem:s14], [sflag:$0x1], $0x28, s28, s13, $0xb8;
	[tilespmem:$0x17D40] =	vst v63  }
0x51: {  	s28 =	simm.s32 $0x4E70  }
0x52: {  	[spmem:s2] =	stream.indirect.scatter.add.f32 [tilespmem:s15], [sflag:$0x1], $0x28, s28, s13, $0xb8;
	[tilespmem:$0x17D40] =	vst v63  }
0x53: {  	s28 =	simm.s32 $0x4EC0  }
0x54: {  	[spmem:s2] =	stream.indirect.scatter.add.f32 [tilespmem:s16], [sflag:$0x1], $0x28, s28, s13, $0xb8;
	[tilespmem:$0x17D40] =	vst v63  }
0x55: {  	s28 =	simm.s32 $0x4F10  }
0x56: {  	[spmem:s2] =	stream.indirect.scatter.add.f32 [tilespmem:s17], [sflag:$0x1], $0x28, s28, s13, $0xb8;
	[tilespmem:$0x17D40] =	vst v63  }
0x57: {  	s28 =	simm.s32 $0x4F60  }
0x58: {  	[spmem:s2] =	stream.indirect.scatter.add.f32 [tilespmem:s18], [sflag:$0x1], $0x28, s28, s13, $0xb8;
	[tilespmem:$0x17D40] =	vst v63  }
0x59: {  	s28 =	simm.s32 $0x4FB0  }
0x5a: {  	[spmem:s2] =	stream.indirect.scatter.add.f32 [tilespmem:s19], [sflag:$0x1], $0x28, s28, s13, $0xb8;
	[tilespmem:$0x17D40] =	vst v63  }
0x5b: {  	s28 =	simm.s32 $0x5000  }
0x5c: {  	[spmem:s2] =	stream.indirect.scatter.add.f32 [tilespmem:s20], [sflag:$0x1], $0x28, s28, s13, $0xb8;
	[tilespmem:$0x17D40] =	vst v63  }
0x5d: {  	s28 =	simm.s32 $0x5050  }
0x5e: {  	[spmem:s2] =	stream.indirect.scatter.add.f32 [tilespmem:s21], [sflag:$0x1], $0x28, s28, s13, $0xb8;
	[tilespmem:$0x17D40] =	vst v63  }
0x5f: {  	s28 =	simm.s32 $0x50A0  }
0x60: {  	[spmem:s2] =	stream.indirect.scatter.add.f32 [tilespmem:s22], [sflag:$0x1], $0x28, s28, s13, $0xb8;
	[tilespmem:$0x17D40] =	vst v63  }
0x61: {  	s28 =	simm.s32 $0x50F0  }
0x62: {  	[spmem:s2] =	stream.indirect.scatter.add.f32 [tilespmem:s23], [sflag:$0x1], $0x28, s28, s13, $0xb8;
	[tilespmem:$0x17D40] =	vst v63  }
0x63: {  	_ =	swait.ge [sflag:s25], $0xC80  }
0x64: {  	[sflag:s25] =	ssyncset.done $0x0  }
0x65: {  	[sflag:s25] =	ssyncadd.s32 $0xFFFFF380  }
0x66: {  	_ =	swait.ge [sflag:s25], $0xC80  }
0x67: {  	[sflag:s25] =	ssyncset.done $0x0  }
0x68: {  	[sflag:s25] =	ssyncadd.s32 $0xFFFFF380  }
0x69: {  	_ =	swait.ge [sflag:s25], $0xC80  }
0x6a: {  	[sflag:s25] =	ssyncset.done $0x0  }
0x6b: {  	[sflag:s25] =	ssyncadd.s32 $0xFFFFF380  }
0x6c: {  	_ =	swait.ge [sflag:s25], $0xC80  }
0x6d: {  	[sflag:s25] =	ssyncset.done $0x0  }
0x6e: {  	[sflag:s25] =	ssyncadd.s32 $0xFFFFF380  }
0x6f: {  	_ =	swait.ge [sflag:s25], $0xC80  }
0x70: {  	[sflag:s25] =	ssyncset.done $0x0  }
0x71: {  	[sflag:s25] =	ssyncadd.s32 $0xFFFFF380  }
0x72: {  	_ =	swait.ge [sflag:s25], $0xC80  }
0x73: {  	[sflag:s25] =	ssyncset.done $0x0  }
0x74: {  	[sflag:s25] =	ssyncadd.s32 $0xFFFFF380  }
0x75: {  	_ =	swait.ge [sflag:s25], $0xC80  }
0x76: {  	[sflag:s25] =	ssyncset.done $0x0  }
0x77: {  	[sflag:s25] =	ssyncadd.s32 $0xFFFFF380  }
0x78: {  	_ =	swait.ge [sflag:s25], $0xC80  }
0x79: {  	[sflag:s25] =	ssyncset.done $0x0  }
0x7a: {  	[sflag:s25] =	ssyncadd.s32 $0xFFFFF380  }
0x7b: {  	_ =	swait.ge [sflag:s25], $0xC80  }
0x7c: {  	[sflag:s25] =	ssyncset.done $0x0  }
0x7d: {  	[sflag:s25] =	ssyncadd.s32 $0xFFFFF380  }
0x7e: {  	_ =	swait.ge [sflag:s25], $0xC80  }
0x7f: {  	s31 =	simm.s32 $0x1900;
	s28 =	simm.s32 $0xC80;
	[sflag:s25] =	ssyncset.done $0x0  }
.LBB2_2:
0x80: {  	s30 =	sshra.s32 s28, $0x2  }
0x81: {  	[sflag:s25] =	ssyncadd.s32 $0xFFFFF380;
	s28 =	smov.u32 s31;
	s29 =	sadd.s32 $0xC80, s31  }
0x82: {  	[tilespmem:s14], [sflag:$0x1] =	stream.indirect.gather [hbm4b:s5+s13], $0x28, s30, s13, $0xb8;
	[tilespmem:$0x17D40] =	vst v63  }
0x83: {  	p0 =	sne.s32 s31, $0x12C00;
	s31 =	sadd.s32 $0x50, s30  }
0x84: {  	[tilespmem:s15], [sflag:$0x1] =	stream.indirect.gather [hbm4b:s5+s13], $0x28, s31, s13, $0xb8;
	[tilespmem:$0x17D40] =	vst v63  }
0x85: {  	s31 =	sadd.s32 $0xA0, s30  }
0x86: {  	[tilespmem:s16], [sflag:$0x1] =	stream.indirect.gather [hbm4b:s5+s13], $0x28, s31, s13, $0xb8;
	[tilespmem:$0x17D40] =	vst v63  }
0x87: {  	s31 =	sadd.s32 $0xF0, s30  }
0x88: {  	[tilespmem:s17], [sflag:$0x1] =	stream.indirect.gather [hbm4b:s5+s13], $0x28, s31, s13, $0xb8;
	[tilespmem:$0x17D40] =	vst v63  }
0x89: {  	s31 =	sadd.s32 $0x140, s30  }
0x8a: {  	[tilespmem:s18], [sflag:$0x1] =	stream.indirect.gather [hbm4b:s5+s13], $0x28, s31, s13, $0xb8;
	[tilespmem:$0x17D40] =	vst v63  }
0x8b: {  	s31 =	sadd.s32 $0x190, s30  }
0x8c: {  	[tilespmem:s19], [sflag:$0x1] =	stream.indirect.gather [hbm4b:s5+s13], $0x28, s31, s13, $0xb8;
	[tilespmem:$0x17D40] =	vst v63  }
0x8d: {  	s31 =	sadd.s32 $0x1E0, s30  }
0x8e: {  	[tilespmem:s20], [sflag:$0x1] =	stream.indirect.gather [hbm4b:s5+s13], $0x28, s31, s13, $0xb8;
	[tilespmem:$0x17D40] =	vst v63  }
0x8f: {  	s31 =	sadd.s32 $0x230, s30  }
0x90: {  	[tilespmem:s21], [sflag:$0x1] =	stream.indirect.gather [hbm4b:s5+s13], $0x28, s31, s13, $0xb8;
	[tilespmem:$0x17D40] =	vst v63  }
0x91: {  	s31 =	sadd.s32 $0x280, s30  }
0x92: {  	[tilespmem:s22], [sflag:$0x1] =	stream.indirect.gather [hbm4b:s5+s13], $0x28, s31, s13, $0xb8;
	[tilespmem:$0x17D40] =	vst v63  }
0x93: {  	s31 =	sadd.s32 $0x2D0, s30  }
0x94: {  	[tilespmem:s23], [sflag:$0x1] =	stream.indirect.gather [hbm4b:s5+s13], $0x28, s31, s13, $0xb8;
	[tilespmem:$0x17D40] =	vst v63  }
0x95: {  	_ =	swait.ge [sflag:s25], $0xC80  }
0x96: {  	[sflag:s25] =	ssyncset.done $0x0  }
0x97: {  	[sflag:s25] =	ssyncadd.s32 $0xFFFFF380  }
0x98: {  	_ =	swait.ge [sflag:s25], $0xC80  }
0x99: {  	[sflag:s25] =	ssyncset.done $0x0  }
0x9a: {  	[sflag:s25] =	ssyncadd.s32 $0xFFFFF380  }
0x9b: {  	_ =	swait.ge [sflag:s25], $0xC80  }
0x9c: {  	[sflag:s25] =	ssyncset.done $0x0  }
0x9d: {  	[sflag:s25] =	ssyncadd.s32 $0xFFFFF380  }
0x9e: {  	_ =	swait.ge [sflag:s25], $0xC80  }
0x9f: {  	[sflag:s25] =	ssyncset.done $0x0  }
0xa0: {  	[sflag:s25] =	ssyncadd.s32 $0xFFFFF380  }
0xa1: {  	_ =	swait.ge [sflag:s25], $0xC80  }
0xa2: {  	[sflag:s25] =	ssyncset.done $0x0  }
0xa3: {  	[sflag:s25] =	ssyncadd.s32 $0xFFFFF380  }
0xa4: {  	_ =	swait.ge [sflag:s25], $0xC80  }
0xa5: {  	[sflag:s25] =	ssyncset.done $0x0  }
0xa6: {  	[sflag:s25] =	ssyncadd.s32 $0xFFFFF380  }
0xa7: {  	_ =	swait.ge [sflag:s25], $0xC80  }
0xa8: {  	[sflag:s25] =	ssyncset.done $0x0  }
0xa9: {  	[sflag:s25] =	ssyncadd.s32 $0xFFFFF380  }
0xaa: {  	_ =	swait.ge [sflag:s25], $0xC80  }
0xab: {  	[sflag:s25] =	ssyncset.done $0x0  }
0xac: {  	[sflag:s25] =	ssyncadd.s32 $0xFFFFF380  }
0xad: {  	_ =	swait.ge [sflag:s25], $0xC80  }
0xae: {  	[sflag:s25] =	ssyncset.done $0x0  }
0xaf: {  	[sflag:s25] =	ssyncadd.s32 $0xFFFFF380  }
0xb0: {  	_ =	swait.ge [sflag:s25], $0xC80  }
0xb1: {  	[sflag:s25] =	ssyncset.done $0x0  }
0xb2: {  	s31 =	sadd.s32 $0x4E20, s30;
	[sflag:s25] =	ssyncadd.s32 $0xFFFFF380  }
0xb3: {  	[spmem:s2] =	stream.indirect.scatter.add.f32 [tilespmem:s14], [sflag:$0x1], $0x28, s31, s13, $0xb8;
	[tilespmem:$0x17D40] =	vst v63  }
0xb4: {  	s31 =	sadd.s32 $0x4E70, s30  }
0xb5: {  	[spmem:s2] =	stream.indirect.scatter.add.f32 [tilespmem:s15], [sflag:$0x1], $0x28, s31, s13, $0xb8;
	[tilespmem:$0x17D40] =	vst v63  }
0xb6: {  	s31 =	sadd.s32 $0x4EC0, s30  }
0xb7: {  	[spmem:s2] =	stream.indirect.scatter.add.f32 [tilespmem:s16], [sflag:$0x1], $0x28, s31, s13, $0xb8;
	[tilespmem:$0x17D40] =	vst v63  }
0xb8: {  	s31 =	sadd.s32 $0x4F10, s30  }
0xb9: {  	[spmem:s2] =	stream.indirect.scatter.add.f32 [tilespmem:s17], [sflag:$0x1], $0x28, s31, s13, $0xb8;
	[tilespmem:$0x17D40] =	vst v63  }
0xba: {  	s31 =	sadd.s32 $0x4F60, s30  }
0xbb: {  	[spmem:s2] =	stream.indirect.scatter.add.f32 [tilespmem:s18], [sflag:$0x1], $0x28, s31, s13, $0xb8;
	[tilespmem:$0x17D40] =	vst v63  }
0xbc: {  	s31 =	sadd.s32 $0x4FB0, s30  }
0xbd: {  	[spmem:s2] =	stream.indirect.scatter.add.f32 [tilespmem:s19], [sflag:$0x1], $0x28, s31, s13, $0xb8;
	[tilespmem:$0x17D40] =	vst v63  }
0xbe: {  	s31 =	sadd.s32 $0x5000, s30  }
0xbf: {  	[spmem:s2] =	stream.indirect.scatter.add.f32 [tilespmem:s20], [sflag:$0x1], $0x28, s31, s13, $0xb8;
	[tilespmem:$0x17D40] =	vst v63  }
0xc0: {  	s31 =	sadd.s32 $0x5050, s30  }
0xc1: {  	[spmem:s2] =	stream.indirect.scatter.add.f32 [tilespmem:s21], [sflag:$0x1], $0x28, s31, s13, $0xb8;
	[tilespmem:$0x17D40] =	vst v63  }
0xc2: {  	s31 =	sadd.s32 $0x50A0, s30  }
0xc3: {  	[spmem:s2] =	stream.indirect.scatter.add.f32 [tilespmem:s22], [sflag:$0x1], $0x28, s31, s13, $0xb8;
	[tilespmem:$0x17D40] =	vst v63  }
0xc4: {  	s30 =	sadd.s32 $0x50F0, s30  }
0xc5: {  	[spmem:s2] =	stream.indirect.scatter.add.f32 [tilespmem:s23], [sflag:$0x1], $0x28, s30, s13, $0xb8;
	[tilespmem:$0x17D40] =	vst v63  }
0xc6: {  	_ =	swait.ge [sflag:s25], $0xC80  }
0xc7: {  	[sflag:s25] =	ssyncset.done $0x0  }
0xc8: {  	[sflag:s25] =	ssyncadd.s32 $0xFFFFF380  }
0xc9: {  	_ =	swait.ge [sflag:s25], $0xC80  }
0xca: {  	[sflag:s25] =	ssyncset.done $0x0  }
0xcb: {  	[sflag:s25] =	ssyncadd.s32 $0xFFFFF380  }
0xcc: {  	_ =	swait.ge [sflag:s25], $0xC80  }
0xcd: {  	[sflag:s25] =	ssyncset.done $0x0  }
0xce: {  	[sflag:s25] =	ssyncadd.s32 $0xFFFFF380  }
0xcf: {  	_ =	swait.ge [sflag:s25], $0xC80  }
0xd0: {  	[sflag:s25] =	ssyncset.done $0x0  }
0xd1: {  	[sflag:s25] =	ssyncadd.s32 $0xFFFFF380  }
0xd2: {  	_ =	swait.ge [sflag:s25], $0xC80  }
0xd3: {  	[sflag:s25] =	ssyncset.done $0x0  }
0xd4: {  	[sflag:s25] =	ssyncadd.s32 $0xFFFFF380  }
0xd5: {  	_ =	swait.ge [sflag:s25], $0xC80  }
0xd6: {  	[sflag:s25] =	ssyncset.done $0x0  }
0xd7: {  	[sflag:s25] =	ssyncadd.s32 $0xFFFFF380  }
0xd8: {  	_ =	swait.ge [sflag:s25], $0xC80  }
0xd9: {  	[sflag:s25] =	ssyncset.done $0x0  }
0xda: {  	[sflag:s25] =	ssyncadd.s32 $0xFFFFF380  }
0xdb: {  	_ =	swait.ge [sflag:s25], $0xC80  }
0xdc: {  	[sflag:s25] =	ssyncset.done $0x0  }
0xdd: {  	[sflag:s25] =	ssyncadd.s32 $0xFFFFF380  }
.Ltmp0:
0xde: {  	_ =	swait.ge [sflag:s25], $0xC80;
	(pc) =	sbr.rel @p0 .LBB2_2-.Ltmp0, $4  }
0xdf: {  	[sflag:s25] =	ssyncset.done $0x0  }
0xe0: {  	[sflag:s25] =	ssyncadd.s32 $0xFFFFF380  }
0xe1: {  	_ =	swait.ge [sflag:s25], $0xC80  }
0xe2: {  	s31 =	smov.u32 s29;
	[sflag:s25] =	ssyncset.done $0x0  }
0xe3: {  	s28 =	sshra.s32 s28, $0x2;
	[sflag:s25] =	ssyncadd.s32 $0xFFFFF380  }
0xe4: {  	[tilespmem:s14], [sflag:$0x1] =	stream.indirect.gather [hbm4b:s5+s13], $0x28, s28, s13, $0xb8;
	[tilespmem:$0x17D40] =	vst v63  }
0xe5: {  	s29 =	sadd.s32 $0x50, s28  }
0xe6: {  	[tilespmem:s15], [sflag:$0x1] =	stream.indirect.gather [hbm4b:s5+s13], $0x28, s29, s13, $0xb8;
	[tilespmem:$0x17D40] =	vst v63  }
0xe7: {  	s31 =	sadd.s32 $0xA0, s28  }
0xe8: {  	[tilespmem:s16], [sflag:$0x1] =	stream.indirect.gather [hbm4b:s5+s13], $0x28, s31, s13, $0xb8;
	[tilespmem:$0x17D40] =	vst v63  }
0xe9: {  	s30 =	sadd.s32 $0xF0, s28  }
0xea: {  	[tilespmem:s17], [sflag:$0x1] =	stream.indirect.gather [hbm4b:s5+s13], $0x28, s30, s13, $0xb8;
	[tilespmem:$0x17D40] =	vst v63  }
0xeb: {  	s31 =	sadd.s32 $0x140, s28  }
0xec: {  	[tilespmem:s18], [sflag:$0x1] =	stream.indirect.gather [hbm4b:s5+s13], $0x28, s31, s13, $0xb8;
	[tilespmem:$0x17D40] =	vst v63  }
0xed: {  	s30 =	sadd.s32 $0x190, s28  }
0xee: {  	[tilespmem:s19], [sflag:$0x1] =	stream.indirect.gather [hbm4b:s5+s13], $0x28, s30, s13, $0xb8;
	[tilespmem:$0x17D40] =	vst v63  }
0xef: {  	s31 =	sadd.s32 $0x1E0, s28  }
0xf0: {  	[tilespmem:s20], [sflag:$0x1] =	stream.indirect.gather [hbm4b:s5+s13], $0x28, s31, s13, $0xb8;
	[tilespmem:$0x17D40] =	vst v63  }
0xf1: {  	s30 =	sadd.s32 $0x230, s28  }
0xf2: {  	[tilespmem:s21], [sflag:$0x1] =	stream.indirect.gather [hbm4b:s5+s13], $0x28, s30, s13, $0xb8;
	[tilespmem:$0x17D40] =	vst v63  }
0xf3: {  	s31 =	sadd.s32 $0x280, s28  }
0xf4: {  	[tilespmem:s22], [sflag:$0x1] =	stream.indirect.gather [hbm4b:s5+s13], $0x28, s31, s13, $0xb8;
	[tilespmem:$0x17D40] =	vst v63  }
0xf5: {  	s30 =	sadd.s32 $0x2D0, s28  }
0xf6: {  	[tilespmem:s23], [sflag:$0x1] =	stream.indirect.gather [hbm4b:s5+s13], $0x28, s30, s13, $0xb8;
	[tilespmem:$0x17D40] =	vst v63  }
0xf7: {  	_ =	swait.ge [sflag:s25], $0xC80  }
0xf8: {  	[sflag:s25] =	ssyncset.done $0x0  }
0xf9: {  	[sflag:s25] =	ssyncadd.s32 $0xFFFFF380  }
0xfa: {  	_ =	swait.ge [sflag:s25], $0xC80  }
0xfb: {  	[sflag:s25] =	ssyncset.done $0x0  }
0xfc: {  	[sflag:s25] =	ssyncadd.s32 $0xFFFFF380  }
0xfd: {  	_ =	swait.ge [sflag:s25], $0xC80  }
0xfe: {  	[sflag:s25] =	ssyncset.done $0x0  }
0xff: {  	[sflag:s25] =	ssyncadd.s32 $0xFFFFF380  }
0x100: {  	_ =	swait.ge [sflag:s25], $0xC80  }
0x101: {  	[sflag:s25] =	ssyncset.done $0x0  }
0x102: {  	[sflag:s25] =	ssyncadd.s32 $0xFFFFF380  }
0x103: {  	_ =	swait.ge [sflag:s25], $0xC80  }
0x104: {  	[sflag:s25] =	ssyncset.done $0x0  }
0x105: {  	[sflag:s25] =	ssyncadd.s32 $0xFFFFF380  }
0x106: {  	_ =	swait.ge [sflag:s25], $0xC80  }
0x107: {  	[sflag:s25] =	ssyncset.done $0x0  }
0x108: {  	[sflag:s25] =	ssyncadd.s32 $0xFFFFF380  }
0x109: {  	_ =	swait.ge [sflag:s25], $0xC80  }
0x10a: {  	[sflag:s25] =	ssyncset.done $0x0  }
0x10b: {  	[sflag:s25] =	ssyncadd.s32 $0xFFFFF380  }
0x10c: {  	_ =	swait.ge [sflag:s25], $0xC80  }
0x10d: {  	[sflag:s25] =	ssyncset.done $0x0  }
0x10e: {  	[sflag:s25] =	ssyncadd.s32 $0xFFFFF380  }
0x10f: {  	_ =	swait.ge [sflag:s25], $0xC80  }
0x110: {  	[sflag:s25] =	ssyncset.done $0x0  }
0x111: {  	[sflag:s25] =	ssyncadd.s32 $0xFFFFF380  }
0x112: {  	_ =	swait.ge [sflag:s25], $0xC80  }
0x113: {  	[sflag:s25] =	ssyncset.done $0x0  }
0x114: {  	s31 =	sadd.s32 $0x4E20, s28;
	[sflag:s25] =	ssyncadd.s32 $0xFFFFF380  }
0x115: {  	[spmem:s2] =	stream.indirect.scatter.add.f32 [tilespmem:s14], [sflag:$0x1], $0x28, s31, s13, $0xb8;
	[tilespmem:$0x17D40] =	vst v63  }
0x116: {  	s30 =	sadd.s32 $0x4E70, s28  }
0x117: {  	[spmem:s2] =	stream.indirect.scatter.add.f32 [tilespmem:s15], [sflag:$0x1], $0x28, s30, s13, $0xb8;
	[tilespmem:$0x17D40] =	vst v63  }
0x118: {  	s31 =	sadd.s32 $0x4EC0, s28  }
0x119: {  	[spmem:s2] =	stream.indirect.scatter.add.f32 [tilespmem:s16], [sflag:$0x1], $0x28, s31, s13, $0xb8;
	[tilespmem:$0x17D40] =	vst v63  }
0x11a: {  	s30 =	sadd.s32 $0x4F10, s28  }
0x11b: {  	[spmem:s2] =	stream.indirect.scatter.add.f32 [tilespmem:s17], [sflag:$0x1], $0x28, s30, s13, $0xb8;
	[tilespmem:$0x17D40] =	vst v63  }
0x11c: {  	s31 =	sadd.s32 $0x4F60, s28  }
0x11d: {  	[spmem:s2] =	stream.indirect.scatter.add.f32 [tilespmem:s18], [sflag:$0x1], $0x28, s31, s13, $0xb8;
	[tilespmem:$0x17D40] =	vst v63  }
0x11e: {  	s30 =	sadd.s32 $0x4FB0, s28  }
0x11f: {  	[spmem:s2] =	stream.indirect.scatter.add.f32 [tilespmem:s19], [sflag:$0x1], $0x28, s30, s13, $0xb8;
	[tilespmem:$0x17D40] =	vst v63  }
0x120: {  	s31 =	sadd.s32 $0x5000, s28  }
0x121: {  	[spmem:s2] =	stream.indirect.scatter.add.f32 [tilespmem:s20], [sflag:$0x1], $0x28, s31, s13, $0xb8;
	[tilespmem:$0x17D40] =	vst v63  }
0x122: {  	s30 =	sadd.s32 $0x5050, s28  }
0x123: {  	[spmem:s2] =	stream.indirect.scatter.add.f32 [tilespmem:s21], [sflag:$0x1], $0x28, s30, s13, $0xb8;
	[tilespmem:$0x17D40] =	vst v63  }
0x124: {  	s31 =	sadd.s32 $0x50A0, s28  }
0x125: {  	[spmem:s2] =	stream.indirect.scatter.add.f32 [tilespmem:s22], [sflag:$0x1], $0x28, s31, s13, $0xb8;
	[tilespmem:$0x17D40] =	vst v63  }
0x126: {  	s28 =	sadd.s32 $0x50F0, s28  }
0x127: {  	[spmem:s2] =	stream.indirect.scatter.add.f32 [tilespmem:s23], [sflag:$0x1], $0x28, s28, s13, $0xb8;
	[tilespmem:$0x17D40] =	vst v63  }
0x128: {  	_ =	swait.ge [sflag:s25], $0xC80  }
0x129: {  	[sflag:s25] =	ssyncset.done $0x0  }
0x12a: {  	[sflag:s25] =	ssyncadd.s32 $0xFFFFF380  }
0x12b: {  	_ =	swait.ge [sflag:s25], $0xC80  }
0x12c: {  	[sflag:s25] =	ssyncset.done $0x0  }
0x12d: {  	[sflag:s25] =	ssyncadd.s32 $0xFFFFF380  }
0x12e: {  	_ =	swait.ge [sflag:s25], $0xC80  }
0x12f: {  	[sflag:s25] =	ssyncset.done $0x0  }
0x130: {  	[sflag:s25] =	ssyncadd.s32 $0xFFFFF380  }
0x131: {  	_ =	swait.ge [sflag:s25], $0xC80  }
0x132: {  	[sflag:s25] =	ssyncset.done $0x0  }
0x133: {  	[sflag:s25] =	ssyncadd.s32 $0xFFFFF380  }
0x134: {  	_ =	swait.ge [sflag:s25], $0xC80  }
0x135: {  	[sflag:s25] =	ssyncset.done $0x0  }
0x136: {  	[sflag:s25] =	ssyncadd.s32 $0xFFFFF380  }
0x137: {  	_ =	swait.ge [sflag:s25], $0xC80  }
0x138: {  	[sflag:s25] =	ssyncset.done $0x0  }
0x139: {  	[sflag:s25] =	ssyncadd.s32 $0xFFFFF380  }
0x13a: {  	_ =	swait.ge [sflag:s25], $0xC80  }
0x13b: {  	[sflag:s25] =	ssyncset.done $0x0  }
0x13c: {  	[sflag:s25] =	ssyncadd.s32 $0xFFFFF380  }
0x13d: {  	_ =	swait.ge [sflag:s25], $0xC80  }
0x13e: {  	[sflag:s25] =	ssyncset.done $0x0  }
0x13f: {  	[sflag:s25] =	ssyncadd.s32 $0xFFFFF380  }
0x140: {  	_ =	swait.ge [sflag:s25], $0xC80  }
0x141: {  	[sflag:s25] =	ssyncset.done $0x0  }
0x142: {  	[sflag:s25] =	ssyncadd.s32 $0xFFFFF380  }
0x143: {  	_ =	swait.ge [sflag:s25], $0xC80  }
0x144: {  	s26 =	sadd.s32 $0x1, s26;
	[sflag:s25] =	ssyncset.done $0x0  }
0x145: {  	p0 =	sne.s32 s26, s9;
	[sflag:s25] =	ssyncadd.s32 $0xFFFFF380  }
.Ltmp1:
0x146: {  	[bflag:$0x0] =	sbarrier.arrive $0xFFFF;
	(pc) =	sbr.rel @p0 .LBB2_1-.Ltmp1, $4  }
0x147: {  	[hbm:s24], [sflag:s6] =	dma.local [spmem:s10], $0xC80  }
0x148: {  	_ =	swait.ge [sflag:s11], $0xC80  }
0x149: {  	[sflag:s11] =	ssyncset.done $0x0  }
0x14a: {  	[sflag:s11] =	ssyncadd.s32 $0xFFFFF380  }
0x14b: {  	_ =	sfence.sel $0x180000  }
0x14c: {  	[bflag:$0x0] =	sbarrier.arrive $0xFFFF  }
0x14d: {  	p0 =	sne.s32 s3, $0x0;
	_ =	strace $0x90000047  }
0x14e: {  	s0 =	sadd.s32 @!p0 $0x100000, s0;
	[bflag:$0x2] =	sbarrier.arrive $0xFFFF  }
0x14f: {  	[sflag:s0] =	ssyncadd.tile.s32 @!p0 $0x1;
	_ =	shalt  }
.Lfunc_end2:
_tile_overlayer_lowered:
.L_overlay_start_2:
0x150: {  	(tag) =	ssettag $0x2  }
0x151: {  	s0 =	rddreg [dreg:$0x0];
	s2 =	stileid.u32  }
0x152: {  	s1 =	rddreg [dreg:$0x1];
	p0 =	sne.s32 s2, $0x0  }
0x153: {  	s3 =	rddreg [dreg:$0x2];
	[bflag:$0x3] =	sbarrier.arrive $0xFFFF;
	s2 =	simm.s32 @!p0 $0x1C02  }
0x154: {  	[timem:s3], [sflag:s2] =	dma.local @!p0 [hbm:s0], s1  }
0x155: {  	s0 =	simm.s32 @!p0 $0x2  }
0x156: {  	_ =	swait.ge @!p0 [sflag:s0], s1  }
0x157: {  	s1 =	ssub.s32 @!p0 $0x0, s1;
	[sflag:s0] =	ssyncset.done @!p0 $0x0  }
0x158: {  	[sflag:s0] =	ssyncadd.s32 @!p0 s1  }
0x159: {  	[bflag:$0x3] =	sbarrier.arrive $0xFFFF  }
0x15a: {  	_ =	shalt  }

</sc_bundles>
